<compile_context>
chip_gen: v7x
topology: tpu7x:2x2x1
jax: 0.10.2.dev20260603
libtpu: 0.0.44.dev20260713+nightly
codegen_flags: <defaults>
</compile_context>

<pallas_src>
import functools

import jax
import jax.numpy as jnp
from jax import lax
from jax.experimental import pallas as pl
from jax.experimental.pallas import tpu as pltpu
from jax.experimental.pallas import tpu_sc as plsc

CH = 128
NC = 2
NS = 16
NW = NC * NS


def _zero_rows(buf, rows, d):
  z16 = jnp.zeros((16,), jnp.float32)
  def zf(i, c):
    for j in range(d // 16):
      buf[i, pl.ds(j * 16, 16)] = z16
    return c
  lax.fori_loop(0, rows, zf, 0)


def _zero_shared(sh, buf, sub, n_rows):
  per = 632
  z0 = sub * per
  for k in range(4):
    pltpu.sync_copy(buf, sh.at[pl.ds(z0 + k * 128, 128)])
  @pl.when(sub < NS - 1)
  def _mid():
    pltpu.sync_copy(buf.at[pl.ds(0, per - 512)],
                    sh.at[pl.ds(z0 + 512, per - 512)])
  @pl.when(sub == NS - 1)
  def _last():
    rows_last = n_rows - (NS - 1) * per
    full = rows_last // 128
    for k in range(4, full):
      pltpu.sync_copy(buf, sh.at[pl.ds(z0 + k * 128, 128)])
    rem = rows_last - full * 128
    if rem:
      pltpu.sync_copy(buf.at[pl.ds(0, rem)], sh.at[pl.ds(z0 + full * 128, rem)])


def _make_sc_agg(n, ep, d):
  assert ep % (NW * CH) == 0
  gpt = ep // (NW * CH)
  wb = (n // NS // 8) * 8
  wb_rem = n - wb * NS

  mesh = plsc.VectorSubcoreMesh(core_axis_name="c", subcore_axis_name="s")

  ob = 40
  assert gpt % ob == 0 and ob % 2 == 0

  @functools.partial(
      pl.kernel,
      out_type=jax.ShapeDtypeStruct((NC, n, d), jnp.float32),
      mesh=mesh,
      scratch_types=[
          pltpu.VMEM_SHARED((n + 128, d), jnp.float32),
          pltpu.VMEM((ob, CH), jnp.int32),
          pltpu.VMEM((ob, CH), jnp.int32),
          pltpu.VMEM((CH, d), jnp.float32),
          pltpu.VMEM((CH, d), jnp.float32),
          pltpu.SemaphoreType.DMA,
          pltpu.SemaphoreType.DMA,
          pltpu.SemaphoreType.DMA,
          pltpu.SemaphoreType.DMA,
          pltpu.SemaphoreType.DMA,
          pltpu.SemaphoreType.DMA,
          pltpu.SemaphoreType.DMA,
          pltpu.SemaphoreType.DMA,
      ])
  def body(p_hbm, src_hbm, dst_hbm, sums_out, acc_sh, src_v, dst_v,
           rows0, rows1, *sems):
    core = lax.axis_index("c")
    sub = lax.axis_index("s")

    w = core * NS + sub

    _zero_rows(rows0, CH, d)
    _zero_shared(acc_sh, rows0, sub, n + 128)

    plsc.subcore_barrier()

    def outer(o, c):
      base = w * gpt + o * ob
      pltpu.sync_copy(src_hbm.at[pl.ds(base, ob)], src_v)
      pltpu.sync_copy(dst_hbm.at[pl.ds(base, ob)], dst_v)
      nspl = 2
      qc = CH // nspl

      def gat(g, buf, s0):
        for k in range(nspl):
          pltpu.async_copy(p_hbm.at[src_v.at[g, pl.ds(k * qc, qc)]],
                           buf.at[pl.ds(k * qc, qc)], sems[s0 + k])

      def gwait(g, buf, s0):
        for k in range(nspl):
          pltpu.make_async_copy(p_hbm.at[src_v.at[g, pl.ds(k * qc, qc)]],
                                buf.at[pl.ds(k * qc, qc)], sems[s0 + k]).wait()

      gat(0, rows0, 0)
      def step(g2, c2):
        g0 = 2 * g2
        g1 = g0 + 1
        gat(g1, rows1, nspl)
        gwait(g0, rows0, 0)
        pltpu.sync_copy(rows0, acc_sh.at[dst_v.at[g0]], add=True)
        @pl.when(g2 < ob // 2 - 1)
        def _next():
          gat(g0 + 2, rows0, 0)
        gwait(g1, rows1, nspl)
        pltpu.sync_copy(rows1, acc_sh.at[dst_v.at[g1]], add=True)
        return c2
      lax.fori_loop(0, ob // 2, step, 0)
      return c
    lax.fori_loop(0, gpt // ob, outer, 0)

    plsc.subcore_barrier()

    r0 = sub * wb
    pltpu.sync_copy(acc_sh.at[pl.ds(r0, wb)],
                    sums_out.at[core, pl.ds(r0, wb)])
    if wb_rem:
      @pl.when(sub == NS - 1)
      def _tail():
        t0 = NS * wb
        pltpu.sync_copy(acc_sh.at[pl.ds(t0, wb_rem)],
                        sums_out.at[core, pl.ds(t0, wb_rem)])

  return body


def _make_sc_cnt(n, ep, d):
  assert ep % (NW * CH) == 0
  gpt = ep // (NW * CH)
  wb = (n // NS // 8) * 8
  wb_rem = n - wb * NS

  mesh = plsc.VectorSubcoreMesh(core_axis_name="c", subcore_axis_name="s")

  @functools.partial(
      pl.kernel,
      out_type=jax.ShapeDtypeStruct((NC, n, d), jnp.float32),
      mesh=mesh,
      scratch_types=[
          pltpu.VMEM_SHARED((n + 128, d), jnp.float32),
          pltpu.VMEM((gpt, CH), jnp.int32),
          pltpu.VMEM((CH, d), jnp.float32),
          pltpu.VMEM((128, d), jnp.float32),
      ])
  def body(dst_hbm, cnts_out, cnt_sh, dst_v, ones_v, zbuf):
    core = lax.axis_index("c")
    sub = lax.axis_index("s")
    w = core * NS + sub

    one16 = jnp.where(lax.iota(jnp.int32, 16) == 0, 1.0, 0.0)
    z16 = jnp.zeros((16,), jnp.float32)
    def fill(i, c):
      ones_v[i, pl.ds(0, 16)] = one16
      for j in range(1, d // 16):
        ones_v[i, pl.ds(j * 16, 16)] = z16
      return c
    lax.fori_loop(0, CH, fill, 0)
    _zero_rows(zbuf, 128, d)
    _zero_shared(cnt_sh, zbuf, sub, n + 128)

    pltpu.sync_copy(dst_hbm.at[pl.ds(w * gpt, gpt)], dst_v)

    plsc.subcore_barrier()

    def step(g, c):
      pltpu.sync_copy(ones_v, cnt_sh.at[dst_v.at[g]], add=True)
      return c
    lax.fori_loop(0, gpt, step, 0)

    plsc.subcore_barrier()

    r0 = sub * wb
    pltpu.sync_copy(cnt_sh.at[pl.ds(r0, wb)],
                    cnts_out.at[core, pl.ds(r0, wb)])
    if wb_rem:
      @pl.when(sub == NS - 1)
      def _tail():
        t0 = NS * wb
        pltpu.sync_copy(cnt_sh.at[pl.ds(t0, wb_rem)],
                        cnts_out.at[core, pl.ds(t0, wb_rem)])

  return body


def _dot_t(a, w):
  return lax.dot_general(a, w, (((1,), (1,)), ((), ())),
                         preferred_element_type=jnp.float32)


def _tc_a_body(x_ref, wl_ref, wr_ref, b_ref, p_ref, q_ref):
  x = x_ref[...]
  p_ref[...] = _dot_t(x, wl_ref[...])
  q_ref[...] = _dot_t(x, wr_ref[...]) + b_ref[...]


def _unpack_cnt(cnts_ref, r):
  return jnp.maximum(cnts_ref[0, :, 0:1] + cnts_ref[1, :, 0:1], 1.0)


def _tc_b_body(sums_ref, cnts_ref, q1_ref, wl_ref, wr_ref, b_ref,
               p2_ref, q2_ref, ic_ref):
  inv = 1.0 / _unpack_cnt(cnts_ref, q1_ref.shape[0])
  ic_ref[...] = inv
  agg = (sums_ref[0] + sums_ref[1]) * inv
  h = jnp.maximum(agg + q1_ref[...], 0.0)
  p2_ref[...] = _dot_t(h, wl_ref[...])
  q2_ref[...] = _dot_t(h, wr_ref[...]) + b_ref[...]


def _tc_c_body(sums_ref, ic_ref, q2_ref, out_ref):
  out_ref[...] = (sums_ref[0] + sums_ref[1]) * ic_ref[...] + q2_ref[...]


def _tc_kernels(n, d, r):
  grid = n // r
  w_spec = pl.BlockSpec((d, d), lambda i: (0, 0))
  b_spec = pl.BlockSpec((1, d), lambda i: (0, 0))
  row_spec = pl.BlockSpec((r, d), lambda i: (i, 0))
  sums_spec = pl.BlockSpec((NC, r, d), lambda i: (0, i, 0))
  cnts_spec = pl.BlockSpec((NC, r, d), lambda i: (0, i, 0))
  f32 = jnp.float32

  tc_a = pl.pallas_call(
      _tc_a_body,
      grid=(grid,),
      in_specs=[row_spec, w_spec, w_spec, b_spec],
      out_specs=[row_spec, row_spec],
      out_shape=[jax.ShapeDtypeStruct((n, d), f32)] * 2,
  )
  ic_spec = pl.BlockSpec((r, 1), lambda i: (i, 0))
  tc_b = pl.pallas_call(
      _tc_b_body,
      grid=(grid,),
      in_specs=[sums_spec, cnts_spec, row_spec, w_spec, w_spec, b_spec],
      out_specs=[row_spec, row_spec, ic_spec],
      out_shape=[jax.ShapeDtypeStruct((n, d), f32)] * 2
      + [jax.ShapeDtypeStruct((n, 1), f32)],
  )
  tc_c = pl.pallas_call(
      _tc_c_body,
      grid=(grid,),
      in_specs=[sums_spec, ic_spec, row_spec],
      out_specs=row_spec,
      out_shape=jax.ShapeDtypeStruct((n, d), f32),
  )
  return tc_a, tc_b, tc_c


@jax.jit
def kernel(x, edge_index, W_l1, b_l1, W_r1, W_l2, b_l2, W_r2):
  n, d = x.shape
  e = edge_index.shape[1]

  ep = -(-e // (NW * CH * 8)) * (NW * CH * 8)
  pad_i = jnp.arange(ep - e, dtype=jnp.int32) % 128
  src = jnp.concatenate(
      [edge_index[0], pad_i]).reshape(ep // CH, CH)
  dst = jnp.concatenate(
      [edge_index[1], n + pad_i]).reshape(ep // CH, CH)
  src, dst = lax.optimization_barrier((src, dst))
  b1 = b_l1.reshape(1, d)
  b2 = b_l2.reshape(1, d)

  tc_a, tc_b, tc_c = _tc_kernels(n, d, 2000)
  sc_agg = _make_sc_agg(n, ep, d)
  sc_cnt = _make_sc_cnt(n, ep, d)

  cnts = sc_cnt(dst)
  p1, q1 = tc_a(x, W_l1, W_r1, b1)
  sums1 = sc_agg(p1, src, dst)
  p2, q2, ic = tc_b(sums1, cnts, q1, W_l2, W_r2, b2)
  sums2 = sc_agg(p2, src, dst)
  return tc_c(sums2, ic, q2)

# --- scband reference (transcript-rebuilt; emitter-appended) ---
"""Pipeline reference for scband-sage-29497835388955 (READ-ONLY COPY).

The authoritative reference and input builder live on the scoring server;
editing this copy changes nothing except your own understanding.
"""

import jax, jax.numpy as jnp
import numpy as np

N = 10000
E = 320000
D_IN = 128
D_HID = 128
D_OUT = 128


def setup_inputs(seed: int = 0) -> dict:
    key = jax.random.key(seed)
    ks = jax.random.split(key, 9)
    x = jax.random.normal(ks[0], (N, D_IN), dtype=jnp.float32)
    edge_index = jax.random.randint(ks[1], (2, E), 0, N, dtype=jnp.int32)
    s1 = 1.0 / np.sqrt(D_IN)
    s2 = 1.0 / np.sqrt(D_HID)
    W_l1 = jax.random.uniform(ks[2], (D_HID, D_IN), jnp.float32, -s1, s1)
    b_l1 = jax.random.uniform(ks[3], (D_HID,), jnp.float32, -s1, s1)
    W_r1 = jax.random.uniform(ks[4], (D_HID, D_IN), jnp.float32, -s1, s1)
    W_l2 = jax.random.uniform(ks[5], (D_OUT, D_HID), jnp.float32, -s2, s2)
    b_l2 = jax.random.uniform(ks[6], (D_OUT,), jnp.float32, -s2, s2)
    W_r2 = jax.random.uniform(ks[7], (D_OUT, D_HID), jnp.float32, -s2, s2)
    return {"x": x, "edge_index": edge_index, "W_l1": W_l1, "b_l1": b_l1, "W_r1": W_r1, "W_l2": W_l2, "b_l2": b_l2, "W_r2": W_r2}


def _sage_conv(h, edge_index, W_l, b_l, W_r):
    # PyG SAGEConv (aggr='mean', root_weight=True):
    #   out[i] = lin_l(mean_{j in N(i)} x[j]) + lin_r(x[i])
    src = edge_index[0]
    dst = edge_index[1]
    msg = jnp.take(h, src, axis=0)                      # gather
    agg_sum = jax.ops.segment_sum(msg, dst, num_segments=N)  # scatter-add
    cnt = jax.ops.segment_sum(jnp.ones((E,), dtype=h.dtype), dst, num_segments=N)
    cnt = jnp.clip(cnt, 1.0, None)
    agg = agg_sum / cnt[:, None]                        # mean aggregation
    return agg @ W_l.T + b_l + h @ W_r.T


def reference(x, edge_index, W_l1, b_l1, W_r1, W_l2, b_l2, W_r2):
    # Layer 1 + ReLU (dropout is identity in eval mode)
    h = _sage_conv(x, edge_index, W_l1, b_l1, W_r1)
    h = jax.nn.relu(h)
    # Layer 2 (final, no activation)
    out = _sage_conv(h, edge_index, W_l2, b_l2, W_r2)
    return out

if __name__ == "__main__":
    import jax
    _d = setup_inputs()
    print(jax.jit(kernel)(*tuple(_d.values())))

</pallas_src>

<mosaic_0001>
#map = affine_map<(d0, d1) -> (0, 0)>
#map1 = affine_map<(d0, d1) -> (0, 0, 0)>
module attributes {stable_mosaic.version = 14 : i64} {
  func.func @body(%arg0: i32, %arg1: i32, %arg2: memref<10000x128xf32, #tpu.memory_space<hbm>>, %arg3: memref<2560x128xi32, #tpu.memory_space<hbm>>, %arg4: memref<2560x128xi32, #tpu.memory_space<hbm>>, %arg5: memref<2x10000x128xf32, #tpu.memory_space<hbm>>, %arg6: memref<10128x128xf32, #tpu.memory_space<vmem_shared>>, %arg7: memref<40x128xi32, #tpu.memory_space<vmem>>, %arg8: memref<40x128xi32, #tpu.memory_space<vmem>>, %arg9: memref<128x128xf32, #tpu.memory_space<vmem>>, %arg10: memref<128x128xf32, #tpu.memory_space<vmem>>, %arg11: memref<!tpu.dma_semaphore, #tpu.memory_space<semaphore_mem>>, %arg12: memref<!tpu.dma_semaphore, #tpu.memory_space<semaphore_mem>>, %arg13: memref<!tpu.dma_semaphore, #tpu.memory_space<semaphore_mem>>, %arg14: memref<!tpu.dma_semaphore, #tpu.memory_space<semaphore_mem>>, %arg15: memref<!tpu.dma_semaphore, #tpu.memory_space<semaphore_mem>>, %arg16: memref<!tpu.dma_semaphore, #tpu.memory_space<semaphore_mem>>, %arg17: memref<!tpu.dma_semaphore, #tpu.memory_space<semaphore_mem>>, %arg18: memref<!tpu.dma_semaphore, #tpu.memory_space<semaphore_mem>>) attributes {dimension_semantics = [#tpu.dimension_semantics<core_parallel>, #tpu.dimension_semantics<subcore_parallel>], iteration_bounds = array<i64: 2, 16>, scalar_prefetch = 0 : i64, scratch_operands = 13 : i64, tpu.core_type = #tpu.core_type<sc_vector_subcore>, window_params = [{transform_indices = #map}, {transform_indices = #map}, {transform_indices = #map}, {transform_indices = #map1}]} {
    %mul3A = arith.constant 16 : i32
    %mul3A_0 = arith.muli %arg0, %mul3A : i32
    %add3A = arith.addi %mul3A_0, %arg1 : i32
    %broadcast_in_dim3A = arith.constant 0.000000e+00 : f32
    %broadcast_in_dim3A_1 = vector.broadcast %broadcast_in_dim3A : f32 to vector<16xf32>
    %scan3A = arith.constant 0 : i32
    %scan3A_2 = arith.constant 0 : i32
    %scan3A_3 = arith.constant 128 : i32
    %scan3A_4 = arith.addi %scan3A_2, %scan3A_3 : i32
    %scan3A_5 = arith.constant 1 : i32
    scf.for %scan3A_37 = %scan3A_2 to %scan3A_4 step %scan3A_5  : i32 {
      %swap3A = arith.index_cast %scan3A_37 : i32 to index
      %swap3A_38 = arith.constant 0 : index
      %swap3A_39 = tpu.vector_load %arg9[%swap3A, %swap3A_38] {strides = array<i32>} : memref<128x128xf32, #tpu.memory_space<vmem>>, vector<1x16xf32>,
      %swap3A_40 = vector.shape_cast %swap3A_39 : vector<1x16xf32> to vector<16xf32>
      %swap3A_41 = vector.shape_cast %broadcast_in_dim3A_1 : vector<16xf32> to vector<1x16xf32>
      tpu.vector_store %arg9[%swap3A, %swap3A_38], %swap3A_41 {strides = array<i32>} : memref<128x128xf32, #tpu.memory_space<vmem>>, vector<1x16xf32>,
      %swap3A_42 = arith.index_cast %scan3A_37 : i32 to index
      %swap3A_43 = arith.constant 16 : index
      %swap3A_44 = tpu.vector_load %arg9[%swap3A_42, %swap3A_43] {strides = array<i32>} : memref<128x128xf32, #tpu.memory_space<vmem>>, vector<1x16xf32>,
      %swap3A_45 = vector.shape_cast %swap3A_44 : vector<1x16xf32> to vector<16xf32>
      %swap3A_46 = vector.shape_cast %broadcast_in_dim3A_1 : vector<16xf32> to vector<1x16xf32>
      tpu.vector_store %arg9[%swap3A_42, %swap3A_43], %swap3A_46 {strides = array<i32>} : memref<128x128xf32, #tpu.memory_space<vmem>>, vector<1x16xf32>,
      %swap3A_47 = arith.index_cast %scan3A_37 : i32 to index
      %swap3A_48 = arith.constant 32 : index
      %swap3A_49 = tpu.vector_load %arg9[%swap3A_47, %swap3A_48] {strides = array<i32>} : memref<128x128xf32, #tpu.memory_space<vmem>>, vector<1x16xf32>,
      %swap3A_50 = vector.shape_cast %swap3A_49 : vector<1x16xf32> to vector<16xf32>
      %swap3A_51 = vector.shape_cast %broadcast_in_dim3A_1 : vector<16xf32> to vector<1x16xf32>
      tpu.vector_store %arg9[%swap3A_47, %swap3A_48], %swap3A_51 {strides = array<i32>} : memref<128x128xf32, #tpu.memory_space<vmem>>, vector<1x16xf32>,
      %swap3A_52 = arith.index_cast %scan3A_37 : i32 to index
      %swap3A_53 = arith.constant 48 : index
      %swap3A_54 = tpu.vector_load %arg9[%swap3A_52, %swap3A_53] {strides = array<i32>} : memref<128x128xf32, #tpu.memory_space<vmem>>, vector<1x16xf32>,
      %swap3A_55 = vector.shape_cast %swap3A_54 : vector<1x16xf32> to vector<16xf32>
      %swap3A_56 = vector.shape_cast %broadcast_in_dim3A_1 : vector<16xf32> to vector<1x16xf32>
      tpu.vector_store %arg9[%swap3A_52, %swap3A_53], %swap3A_56 {strides = array<i32>} : memref<128x128xf32, #tpu.memory_space<vmem>>, vector<1x16xf32>,
      %swap3A_57 = arith.index_cast %scan3A_37 : i32 to index
      %swap3A_58 = arith.constant 64 : index
      %swap3A_59 = tpu.vector_load %arg9[%swap3A_57, %swap3A_58] {strides = array<i32>} : memref<128x128xf32, #tpu.memory_space<vmem>>, vector<1x16xf32>,
      %swap3A_60 = vector.shape_cast %swap3A_59 : vector<1x16xf32> to vector<16xf32>
      %swap3A_61 = vector.shape_cast %broadcast_in_dim3A_1 : vector<16xf32> to vector<1x16xf32>
      tpu.vector_store %arg9[%swap3A_57, %swap3A_58], %swap3A_61 {strides = array<i32>} : memref<128x128xf32, #tpu.memory_space<vmem>>, vector<1x16xf32>,
      %swap3A_62 = arith.index_cast %scan3A_37 : i32 to index
      %swap3A_63 = arith.constant 80 : index
      %swap3A_64 = tpu.vector_load %arg9[%swap3A_62, %swap3A_63] {strides = array<i32>} : memref<128x128xf32, #tpu.memory_space<vmem>>, vector<1x16xf32>,
      %swap3A_65 = vector.shape_cast %swap3A_64 : vector<1x16xf32> to vector<16xf32>
      %swap3A_66 = vector.shape_cast %broadcast_in_dim3A_1 : vector<16xf32> to vector<1x16xf32>
      tpu.vector_store %arg9[%swap3A_62, %swap3A_63], %swap3A_66 {strides = array<i32>} : memref<128x128xf32, #tpu.memory_space<vmem>>, vector<1x16xf32>,
      %swap3A_67 = arith.index_cast %scan3A_37 : i32 to index
      %swap3A_68 = arith.constant 96 : index
      %swap3A_69 = tpu.vector_load %arg9[%swap3A_67, %swap3A_68] {strides = array<i32>} : memref<128x128xf32, #tpu.memory_space<vmem>>, vector<1x16xf32>,
      %swap3A_70 = vector.shape_cast %swap3A_69 : vector<1x16xf32> to vector<16xf32>
      %swap3A_71 = vector.shape_cast %broadcast_in_dim3A_1 : vector<16xf32> to vector<1x16xf32>
      tpu.vector_store %arg9[%swap3A_67, %swap3A_68], %swap3A_71 {strides = array<i32>} : memref<128x128xf32, #tpu.memory_space<vmem>>, vector<1x16xf32>,
      %swap3A_72 = arith.index_cast %scan3A_37 : i32 to index
      %swap3A_73 = arith.constant 112 : index
      %swap3A_74 = tpu.vector_load %arg9[%swap3A_72, %swap3A_73] {strides = array<i32>} : memref<128x128xf32, #tpu.memory_space<vmem>>, vector<1x16xf32>,
      %swap3A_75 = vector.shape_cast %swap3A_74 : vector<1x16xf32> to vector<16xf32>
      %swap3A_76 = vector.shape_cast %broadcast_in_dim3A_1 : vector<16xf32> to vector<1x16xf32>
      tpu.vector_store %arg9[%swap3A_72, %swap3A_73], %swap3A_76 {strides = array<i32>} : memref<128x128xf32, #tpu.memory_space<vmem>>, vector<1x16xf32>,
    }
    %scan3A_6 = arith.constant 128 : i32
    %mul3A_7 = arith.constant 632 : i32
    %mul3A_8 = arith.muli %arg1, %mul3A_7 : i32
    %add3A_9 = arith.constant 0 : i32
    %add3A_10 = arith.addi %mul3A_8, %add3A_9 : i32
    "tpu.region"() ({
      %run_scoped3A = tpu.sem_alloc : memref<!tpu.dma_semaphore, #tpu.memory_space<semaphore_mem>>
      %dma_start3A = arith.constant 0 : i32
      %dma_start3A_37 = tpu.memref_slice %arg6[%add3A_10, %dma_start3A] : memref<10128x128xf32, #tpu.memory_space<vmem_shared>> -> memref<128x128xf32, #tpu.memory_space<vmem_shared>>
      %dma_start3A_38 = arith.constant 0 : i32
      %dma_start3A_39 = tpu.memref_slice %arg6[%add3A_10, %dma_start3A_38] : memref<10128x128xf32, #tpu.memory_space<vmem_shared>> -> memref<128x128xf32, #tpu.memory_space<vmem_shared>>
      tpu.enqueue_dma source(%arg9 : memref<128x128xf32, #tpu.memory_space<vmem>>) target(%dma_start3A_39 : memref<128x128xf32, #tpu.memory_space<vmem_shared>>) target_semaphore(%run_scoped3A : memref<!tpu.dma_semaphore, #tpu.memory_space<semaphore_mem>>)
      %dma_wait3A = arith.constant 0 : i32
      %dma_wait3A_40 = tpu.memref_slice %arg6[%add3A_10, %dma_wait3A] : memref<10128x128xf32, #tpu.memory_space<vmem_shared>> -> memref<128x128xf32, #tpu.memory_space<vmem_shared>>
      %dma_wait3A_41 = arith.constant 0 : i32
      %dma_wait3A_42 = tpu.memref_slice %arg6[%add3A_10, %dma_wait3A_41] : memref<10128x128xf32, #tpu.memory_space<vmem_shared>> -> memref<128x128xf32, #tpu.memory_space<vmem_shared>>
      tpu.wait_dma2 semaphore(%run_scoped3A : memref<!tpu.dma_semaphore, #tpu.memory_space<semaphore_mem>>) src(%arg9 : memref<128x128xf32, #tpu.memory_space<vmem>>) dst(%dma_wait3A_42 : memref<128x128xf32, #tpu.memory_space<vmem_shared>>)
      tpu.yield
    }) : () -> ()
    %add3A_11 = arith.constant 128 : i32
    %add3A_12 = arith.addi %mul3A_8, %add3A_11 : i32
    "tpu.region"() ({
      %run_scoped3A = tpu.sem_alloc : memref<!tpu.dma_semaphore, #tpu.memory_space<semaphore_mem>>
      %dma_start3A = arith.constant 0 : i32
      %dma_start3A_37 = tpu.memref_slice %arg6[%add3A_12, %dma_start3A] : memref<10128x128xf32, #tpu.memory_space<vmem_shared>> -> memref<128x128xf32, #tpu.memory_space<vmem_shared>>
      %dma_start3A_38 = arith.constant 0 : i32
      %dma_start3A_39 = tpu.memref_slice %arg6[%add3A_12, %dma_start3A_38] : memref<10128x128xf32, #tpu.memory_space<vmem_shared>> -> memref<128x128xf32, #tpu.memory_space<vmem_shared>>
      tpu.enqueue_dma source(%arg9 : memref<128x128xf32, #tpu.memory_space<vmem>>) target(%dma_start3A_39 : memref<128x128xf32, #tpu.memory_space<vmem_shared>>) target_semaphore(%run_scoped3A : memref<!tpu.dma_semaphore, #tpu.memory_space<semaphore_mem>>)
      %dma_wait3A = arith.constant 0 : i32
      %dma_wait3A_40 = tpu.memref_slice %arg6[%add3A_12, %dma_wait3A] : memref<10128x128xf32, #tpu.memory_space<vmem_shared>> -> memref<128x128xf32, #tpu.memory_space<vmem_shared>>
      %dma_wait3A_41 = arith.constant 0 : i32
      %dma_wait3A_42 = tpu.memref_slice %arg6[%add3A_12, %dma_wait3A_41] : memref<10128x128xf32, #tpu.memory_space<vmem_shared>> -> memref<128x128xf32, #tpu.memory_space<vmem_shared>>
      tpu.wait_dma2 semaphore(%run_scoped3A : memref<!tpu.dma_semaphore, #tpu.memory_space<semaphore_mem>>) src(%arg9 : memref<128x128xf32, #tpu.memory_space<vmem>>) dst(%dma_wait3A_42 : memref<128x128xf32, #tpu.memory_space<vmem_shared>>)
      tpu.yield
    }) : () -> ()
    %add3A_13 = arith.constant 256 : i32
    %add3A_14 = arith.addi %mul3A_8, %add3A_13 : i32
    "tpu.region"() ({
      %run_scoped3A = tpu.sem_alloc : memref<!tpu.dma_semaphore, #tpu.memory_space<semaphore_mem>>
      %dma_start3A = arith.constant 0 : i32
      %dma_start3A_37 = tpu.memref_slice %arg6[%add3A_14, %dma_start3A] : memref<10128x128xf32, #tpu.memory_space<vmem_shared>> -> memref<128x128xf32, #tpu.memory_space<vmem_shared>>
      %dma_start3A_38 = arith.constant 0 : i32
      %dma_start3A_39 = tpu.memref_slice %arg6[%add3A_14, %dma_start3A_38] : memref<10128x128xf32, #tpu.memory_space<vmem_shared>> -> memref<128x128xf32, #tpu.memory_space<vmem_shared>>
      tpu.enqueue_dma source(%arg9 : memref<128x128xf32, #tpu.memory_space<vmem>>) target(%dma_start3A_39 : memref<128x128xf32, #tpu.memory_space<vmem_shared>>) target_semaphore(%run_scoped3A : memref<!tpu.dma_semaphore, #tpu.memory_space<semaphore_mem>>)
      %dma_wait3A = arith.constant 0 : i32
      %dma_wait3A_40 = tpu.memref_slice %arg6[%add3A_14, %dma_wait3A] : memref<10128x128xf32, #tpu.memory_space<vmem_shared>> -> memref<128x128xf32, #tpu.memory_space<vmem_shared>>
      %dma_wait3A_41 = arith.constant 0 : i32
      %dma_wait3A_42 = tpu.memref_slice %arg6[%add3A_14, %dma_wait3A_41] : memref<10128x128xf32, #tpu.memory_space<vmem_shared>> -> memref<128x128xf32, #tpu.memory_space<vmem_shared>>
      tpu.wait_dma2 semaphore(%run_scoped3A : memref<!tpu.dma_semaphore, #tpu.memory_space<semaphore_mem>>) src(%arg9 : memref<128x128xf32, #tpu.memory_space<vmem>>) dst(%dma_wait3A_42 : memref<128x128xf32, #tpu.memory_space<vmem_shared>>)
      tpu.yield
    }) : () -> ()
    %add3A_15 = arith.constant 384 : i32
    %add3A_16 = arith.addi %mul3A_8, %add3A_15 : i32
    "tpu.region"() ({
      %run_scoped3A = tpu.sem_alloc : memref<!tpu.dma_semaphore, #tpu.memory_space<semaphore_mem>>
      %dma_start3A = arith.constant 0 : i32
      %dma_start3A_37 = tpu.memref_slice %arg6[%add3A_16, %dma_start3A] : memref<10128x128xf32, #tpu.memory_space<vmem_shared>> -> memref<128x128xf32, #tpu.memory_space<vmem_shared>>
      %dma_start3A_38 = arith.constant 0 : i32
      %dma_start3A_39 = tpu.memref_slice %arg6[%add3A_16, %dma_start3A_38] : memref<10128x128xf32, #tpu.memory_space<vmem_shared>> -> memref<128x128xf32, #tpu.memory_space<vmem_shared>>
      tpu.enqueue_dma source(%arg9 : memref<128x128xf32, #tpu.memory_space<vmem>>) target(%dma_start3A_39 : memref<128x128xf32, #tpu.memory_space<vmem_shared>>) target_semaphore(%run_scoped3A : memref<!tpu.dma_semaphore, #tpu.memory_space<semaphore_mem>>)
      %dma_wait3A = arith.constant 0 : i32
      %dma_wait3A_40 = tpu.memref_slice %arg6[%add3A_16, %dma_wait3A] : memref<10128x128xf32, #tpu.memory_space<vmem_shared>> -> memref<128x128xf32, #tpu.memory_space<vmem_shared>>
      %dma_wait3A_41 = arith.constant 0 : i32
      %dma_wait3A_42 = tpu.memref_slice %arg6[%add3A_16, %dma_wait3A_41] : memref<10128x128xf32, #tpu.memory_space<vmem_shared>> -> memref<128x128xf32, #tpu.memory_space<vmem_shared>>
      tpu.wait_dma2 semaphore(%run_scoped3A : memref<!tpu.dma_semaphore, #tpu.memory_space<semaphore_mem>>) src(%arg9 : memref<128x128xf32, #tpu.memory_space<vmem>>) dst(%dma_wait3A_42 : memref<128x128xf32, #tpu.memory_space<vmem_shared>>)
      tpu.yield
    }) : () -> ()
    %lt3A = arith.constant 15 : i32
    %lt3A_17 = arith.cmpi slt, %arg1, %lt3A : i32
    %convert_element_type3A = arith.extui %lt3A_17 : i1 to i32
    %cond3A = arith.constant 0 : i32
    %cond3A_18 = arith.cmpi ne, %convert_element_type3A, %cond3A : i32
    scf.if %cond3A_18 {
      %add3A_37 = arith.constant 512 : i32
      %add3A_38 = arith.addi %mul3A_8, %add3A_37 : i32
      "tpu.region"() ({
        %run_scoped3A = tpu.sem_alloc : memref<!tpu.dma_semaphore, #tpu.memory_space<semaphore_mem>>
        %dma_start3A = arith.constant 0 : i32
        %dma_start3A_39 = arith.constant 0 : i32
        %dma_start3A_40 = tpu.memref_slice %arg9[%dma_start3A, %dma_start3A_39] : memref<128x128xf32, #tpu.memory_space<vmem>> -> memref<120x128xf32, #tpu.memory_space<vmem>>
        %dma_start3A_41 = arith.constant 0 : i32
        %dma_start3A_42 = tpu.memref_slice %arg6[%add3A_38, %dma_start3A_41] : memref<10128x128xf32, #tpu.memory_space<vmem_shared>> -> memref<120x128xf32, #tpu.memory_space<vmem_shared>>
        %dma_start3A_43 = arith.constant 0 : i32
        %dma_start3A_44 = tpu.memref_slice %arg6[%add3A_38, %dma_start3A_43] : memref<10128x128xf32, #tpu.memory_space<vmem_shared>> -> memref<120x128xf32, #tpu.memory_space<vmem_shared>>
        %dma_start3A_45 = arith.constant 0 : i32
        %dma_start3A_46 = arith.constant 0 : i32
        %dma_start3A_47 = tpu.memref_slice %arg9[%dma_start3A_45, %dma_start3A_46] : memref<128x128xf32, #tpu.memory_space<vmem>> -> memref<120x128xf32, #tpu.memory_space<vmem>>
        tpu.enqueue_dma source(%dma_start3A_47 : memref<120x128xf32, #tpu.memory_space<vmem>>) target(%dma_start3A_44 : memref<120x128xf32, #tpu.memory_space<vmem_shared>>) target_semaphore(%run_scoped3A : memref<!tpu.dma_semaphore, #tpu.memory_space<semaphore_mem>>)
        %dma_wait3A = arith.constant 0 : i32
        %dma_wait3A_48 = arith.constant 0 : i32
        %dma_wait3A_49 = tpu.memref_slice %arg9[%dma_wait3A, %dma_wait3A_48] : memref<128x128xf32, #tpu.memory_space<vmem>> -> memref<120x128xf32, #tpu.memory_space<vmem>>
        %dma_wait3A_50 = arith.constant 0 : i32
        %dma_wait3A_51 = tpu.memref_slice %arg6[%add3A_38, %dma_wait3A_50] : memref<10128x128xf32, #tpu.memory_space<vmem_shared>> -> memref<120x128xf32, #tpu.memory_space<vmem_shared>>
        %dma_wait3A_52 = arith.constant 0 : i32
        %dma_wait3A_53 = tpu.memref_slice %arg6[%add3A_38, %dma_wait3A_52] : memref<10128x128xf32, #tpu.memory_space<vmem_shared>> -> memref<120x128xf32, #tpu.memory_space<vmem_shared>>
        %dma_wait3A_54 = arith.constant 0 : i32
        %dma_wait3A_55 = arith.constant 0 : i32
        %dma_wait3A_56 = tpu.memref_slice %arg9[%dma_wait3A_54, %dma_wait3A_55] : memref<128x128xf32, #tpu.memory_space<vmem>> -> memref<120x128xf32, #tpu.memory_space<vmem>>
        tpu.wait_dma2 semaphore(%run_scoped3A : memref<!tpu.dma_semaphore, #tpu.memory_space<semaphore_mem>>) src(%dma_wait3A_56 : memref<120x128xf32, #tpu.memory_space<vmem>>) dst(%dma_wait3A_53 : memref<120x128xf32, #tpu.memory_space<vmem_shared>>)
        tpu.yield
      }) : () -> ()
    } else {
    }
    %eq3A = arith.constant 15 : i32
    %eq3A_19 = arith.cmpi eq, %arg1, %eq3A : i32
    %convert_element_type3A_20 = arith.extui %eq3A_19 : i1 to i32
    %cond3A_21 = arith.constant 0 : i32
    %cond3A_22 = arith.cmpi ne, %convert_element_type3A_20, %cond3A_21 : i32
    scf.if %cond3A_22 {
      %add3A_37 = arith.constant 512 : i32
      %add3A_38 = arith.addi %mul3A_8, %add3A_37 : i32
      "tpu.region"() ({
        %run_scoped3A = tpu.sem_alloc : memref<!tpu.dma_semaphore, #tpu.memory_space<semaphore_mem>>
        %dma_start3A = arith.constant 0 : i32
        %dma_start3A_41 = tpu.memref_slice %arg6[%add3A_38, %dma_start3A] : memref<10128x128xf32, #tpu.memory_space<vmem_shared>> -> memref<128x128xf32, #tpu.memory_space<vmem_shared>>
        %dma_start3A_42 = arith.constant 0 : i32
        %dma_start3A_43 = tpu.memref_slice %arg6[%add3A_38, %dma_start3A_42] : memref<10128x128xf32, #tpu.memory_space<vmem_shared>> -> memref<128x128xf32, #tpu.memory_space<vmem_shared>>
        tpu.enqueue_dma source(%arg9 : memref<128x128xf32, #tpu.memory_space<vmem>>) target(%dma_start3A_43 : memref<128x128xf32, #tpu.memory_space<vmem_shared>>) target_semaphore(%run_scoped3A : memref<!tpu.dma_semaphore, #tpu.memory_space<semaphore_mem>>)
        %dma_wait3A = arith.constant 0 : i32
        %dma_wait3A_44 = tpu.memref_slice %arg6[%add3A_38, %dma_wait3A] : memref<10128x128xf32, #tpu.memory_space<vmem_shared>> -> memref<128x128xf32, #tpu.memory_space<vmem_shared>>
        %dma_wait3A_45 = arith.constant 0 : i32
        %dma_wait3A_46 = tpu.memref_slice %arg6[%add3A_38, %dma_wait3A_45] : memref<10128x128xf32, #tpu.memory_space<vmem_shared>> -> memref<128x128xf32, #tpu.memory_space<vmem_shared>>
        tpu.wait_dma2 semaphore(%run_scoped3A : memref<!tpu.dma_semaphore, #tpu.memory_space<semaphore_mem>>) src(%arg9 : memref<128x128xf32, #tpu.memory_space<vmem>>) dst(%dma_wait3A_46 : memref<128x128xf32, #tpu.memory_space<vmem_shared>>)
        tpu.yield
      }) : () -> ()
      %add3A_39 = arith.constant 640 : i32
      %add3A_40 = arith.addi %mul3A_8, %add3A_39 : i32
      "tpu.region"() ({
        %run_scoped3A = tpu.sem_alloc : memref<!tpu.dma_semaphore, #tpu.memory_space<semaphore_mem>>
        %dma_start3A = arith.constant 0 : i32
        %dma_start3A_41 = arith.constant 0 : i32
        %dma_start3A_42 = tpu.memref_slice %arg9[%dma_start3A, %dma_start3A_41] : memref<128x128xf32, #tpu.memory_space<vmem>> -> memref<8x128xf32, #tpu.memory_space<vmem>>
        %dma_start3A_43 = arith.constant 0 : i32
        %dma_start3A_44 = tpu.memref_slice %arg6[%add3A_40, %dma_start3A_43] : memref<10128x128xf32, #tpu.memory_space<vmem_shared>> -> memref<8x128xf32, #tpu.memory_space<vmem_shared>>
        %dma_start3A_45 = arith.constant 0 : i32
        %dma_start3A_46 = tpu.memref_slice %arg6[%add3A_40, %dma_start3A_45] : memref<10128x128xf32, #tpu.memory_space<vmem_shared>> -> memref<8x128xf32, #tpu.memory_space<vmem_shared>>
        %dma_start3A_47 = arith.constant 0 : i32
        %dma_start3A_48 = arith.constant 0 : i32
        %dma_start3A_49 = tpu.memref_slice %arg9[%dma_start3A_47, %dma_start3A_48] : memref<128x128xf32, #tpu.memory_space<vmem>> -> memref<8x128xf32, #tpu.memory_space<vmem>>
        tpu.enqueue_dma source(%dma_start3A_49 : memref<8x128xf32, #tpu.memory_space<vmem>>) target(%dma_start3A_46 : memref<8x128xf32, #tpu.memory_space<vmem_shared>>) target_semaphore(%run_scoped3A : memref<!tpu.dma_semaphore, #tpu.memory_space<semaphore_mem>>)
        %dma_wait3A = arith.constant 0 : i32
        %dma_wait3A_50 = arith.constant 0 : i32
        %dma_wait3A_51 = tpu.memref_slice %arg9[%dma_wait3A, %dma_wait3A_50] : memref<128x128xf32, #tpu.memory_space<vmem>> -> memref<8x128xf32, #tpu.memory_space<vmem>>
        %dma_wait3A_52 = arith.constant 0 : i32
        %dma_wait3A_53 = tpu.memref_slice %arg6[%add3A_40, %dma_wait3A_52] : memref<10128x128xf32, #tpu.memory_space<vmem_shared>> -> memref<8x128xf32, #tpu.memory_space<vmem_shared>>
        %dma_wait3A_54 = arith.constant 0 : i32
        %dma_wait3A_55 = tpu.memref_slice %arg6[%add3A_40, %dma_wait3A_54] : memref<10128x128xf32, #tpu.memory_space<vmem_shared>> -> memref<8x128xf32, #tpu.memory_space<vmem_shared>>
        %dma_wait3A_56 = arith.constant 0 : i32
        %dma_wait3A_57 = arith.constant 0 : i32
        %dma_wait3A_58 = tpu.memref_slice %arg9[%dma_wait3A_56, %dma_wait3A_57] : memref<128x128xf32, #tpu.memory_space<vmem>> -> memref<8x128xf32, #tpu.memory_space<vmem>>
        tpu.wait_dma2 semaphore(%run_scoped3A : memref<!tpu.dma_semaphore, #tpu.memory_space<semaphore_mem>>) src(%dma_wait3A_58 : memref<8x128xf32, #tpu.memory_space<vmem>>) dst(%dma_wait3A_55 : memref<8x128xf32, #tpu.memory_space<vmem_shared>>)
        tpu.yield
      }) : () -> ()
    } else {
    }
    %barrier3A = arith.constant 0 : index
    tpu.barrier barrier_id(%barrier3A)
    %scan3A_23 = arith.constant 0 : i32
    %scan3A_24 = arith.constant 0 : i32
    %scan3A_25 = arith.constant 2 : i32
    %scan3A_26 = arith.addi %scan3A_24, %scan3A_25 : i32
    %scan3A_27 = arith.constant 1 : i32
    scf.for %scan3A_37 = %scan3A_24 to %scan3A_26 step %scan3A_27  : i32 {
      %mul3A_38 = arith.constant 80 : i32
      %mul3A_39 = arith.muli %add3A, %mul3A_38 : i32
      %mul3A_40 = arith.constant 40 : i32
      %mul3A_41 = arith.muli %scan3A_37, %mul3A_40 : i32
      %add3A_42 = arith.addi %mul3A_39, %mul3A_41 : i32
      "tpu.region"() ({
        %run_scoped3A = tpu.sem_alloc : memref<!tpu.dma_semaphore, #tpu.memory_space<semaphore_mem>>
        %dma_start3A_68 = arith.constant 0 : i32
        %dma_start3A_69 = tpu.memref_slice %arg3[%add3A_42, %dma_start3A_68] : memref<2560x128xi32, #tpu.memory_space<hbm>> -> memref<40x128xi32, #tpu.memory_space<hbm>>
        %dma_start3A_70 = arith.constant 0 : i32
        %dma_start3A_71 = tpu.memref_slice %arg3[%add3A_42, %dma_start3A_70] : memref<2560x128xi32, #tpu.memory_space<hbm>> -> memref<40x128xi32, #tpu.memory_space<hbm>>
        tpu.enqueue_dma source(%dma_start3A_71 : memref<40x128xi32, #tpu.memory_space<hbm>>) target(%arg7 : memref<40x128xi32, #tpu.memory_space<vmem>>) target_semaphore(%run_scoped3A : memref<!tpu.dma_semaphore, #tpu.memory_space<semaphore_mem>>)
        %dma_wait3A = arith.constant 0 : i32
        %dma_wait3A_72 = tpu.memref_slice %arg3[%add3A_42, %dma_wait3A] : memref<2560x128xi32, #tpu.memory_space<hbm>> -> memref<40x128xi32, #tpu.memory_space<hbm>>
        %dma_wait3A_73 = arith.constant 0 : i32
        %dma_wait3A_74 = tpu.memref_slice %arg3[%add3A_42, %dma_wait3A_73] : memref<2560x128xi32, #tpu.memory_space<hbm>> -> memref<40x128xi32, #tpu.memory_space<hbm>>
        tpu.wait_dma2 semaphore(%run_scoped3A : memref<!tpu.dma_semaphore, #tpu.memory_space<semaphore_mem>>) src(%dma_wait3A_74 : memref<40x128xi32, #tpu.memory_space<hbm>>) dst(%arg7 : memref<40x128xi32, #tpu.memory_space<vmem>>)
        tpu.yield
      }) : () -> ()
      "tpu.region"() ({
        %run_scoped3A = tpu.sem_alloc : memref<!tpu.dma_semaphore, #tpu.memory_space<semaphore_mem>>
        %dma_start3A_68 = arith.constant 0 : i32
        %dma_start3A_69 = tpu.memref_slice %arg4[%add3A_42, %dma_start3A_68] : memref<2560x128xi32, #tpu.memory_space<hbm>> -> memref<40x128xi32, #tpu.memory_space<hbm>>
        %dma_start3A_70 = arith.constant 0 : i32
        %dma_start3A_71 = tpu.memref_slice %arg4[%add3A_42, %dma_start3A_70] : memref<2560x128xi32, #tpu.memory_space<hbm>> -> memref<40x128xi32, #tpu.memory_space<hbm>>
        tpu.enqueue_dma source(%dma_start3A_71 : memref<40x128xi32, #tpu.memory_space<hbm>>) target(%arg8 : memref<40x128xi32, #tpu.memory_space<vmem>>) target_semaphore(%run_scoped3A : memref<!tpu.dma_semaphore, #tpu.memory_space<semaphore_mem>>)
        %dma_wait3A = arith.constant 0 : i32
        %dma_wait3A_72 = tpu.memref_slice %arg4[%add3A_42, %dma_wait3A] : memref<2560x128xi32, #tpu.memory_space<hbm>> -> memref<40x128xi32, #tpu.memory_space<hbm>>
        %dma_wait3A_73 = arith.constant 0 : i32
        %dma_wait3A_74 = tpu.memref_slice %arg4[%add3A_42, %dma_wait3A_73] : memref<2560x128xi32, #tpu.memory_space<hbm>> -> memref<40x128xi32, #tpu.memory_space<hbm>>
        tpu.wait_dma2 semaphore(%run_scoped3A : memref<!tpu.dma_semaphore, #tpu.memory_space<semaphore_mem>>) src(%dma_wait3A_74 : memref<40x128xi32, #tpu.memory_space<hbm>>) dst(%arg8 : memref<40x128xi32, #tpu.memory_space<vmem>>)
        tpu.yield
      }) : () -> ()
      %dma_start3A = arith.constant 0 : i32
      %dma_start3A_43 = arith.constant 0 : i32
      %dma_start3A_44 = arith.constant 0 : i32
      %dma_start3A_45 = tpu.memref_slice %arg9[%dma_start3A_43, %dma_start3A_44] : memref<128x128xf32, #tpu.memory_space<vmem>> -> memref<64x128xf32, #tpu.memory_space<vmem>>
      %dma_start3A_46 = arith.constant 0 : i32
      %dma_start3A_47 = tpu.memref_slice %arg7[%dma_start3A, %dma_start3A_46] : memref<40x128xi32, #tpu.memory_space<vmem>> -> memref<1x64xi32, #tpu.memory_space<vmem>>
      %dma_start3A_48 = tpu.memref_squeeze %dma_start3A_47 : memref<1x64xi32, #tpu.memory_space<vmem>> -> memref<64xi32, #tpu.memory_space<vmem>>
      %dma_start3A_49 = arith.constant 0 : i32
      %dma_start3A_50 = arith.constant 0 : i32
      %dma_start3A_51 = tpu.memref_slice %arg2[%dma_start3A_49, %dma_start3A_50] : memref<10000x128xf32, #tpu.memory_space<hbm>> -> memref<10000x128xf32, #tpu.memory_space<hbm>>
      tpu.enqueue_indirect_dma source(%dma_start3A_51 : memref<10000x128xf32, #tpu.memory_space<hbm>>) target(%dma_start3A_45 : memref<64x128xf32, #tpu.memory_space<vmem>>) offsets(%dma_start3A_48 : memref<64xi32, #tpu.memory_space<vmem>>) semaphore(%arg11 : memref<!tpu.dma_semaphore, #tpu.memory_space<semaphore_mem>>)
      %dma_start3A_52 = arith.constant 0 : i32
      %dma_start3A_53 = arith.constant 64 : i32
      %dma_start3A_54 = arith.constant 0 : i32
      %dma_start3A_55 = tpu.memref_slice %arg9[%dma_start3A_53, %dma_start3A_54] : memref<128x128xf32, #tpu.memory_space<vmem>> -> memref<64x128xf32, #tpu.memory_space<vmem>>
      %dma_start3A_56 = arith.constant 64 : i32
      %dma_start3A_57 = tpu.memref_slice %arg7[%dma_start3A_52, %dma_start3A_56] : memref<40x128xi32, #tpu.memory_space<vmem>> -> memref<1x64xi32, #tpu.memory_space<vmem>>
      %dma_start3A_58 = tpu.memref_squeeze %dma_start3A_57 : memref<1x64xi32, #tpu.memory_space<vmem>> -> memref<64xi32, #tpu.memory_space<vmem>>
      %dma_start3A_59 = arith.constant 0 : i32
      %dma_start3A_60 = arith.constant 0 : i32
      %dma_start3A_61 = tpu.memref_slice %arg2[%dma_start3A_59, %dma_start3A_60] : memref<10000x128xf32, #tpu.memory_space<hbm>> -> memref<10000x128xf32, #tpu.memory_space<hbm>>
      tpu.enqueue_indirect_dma source(%dma_start3A_61 : memref<10000x128xf32, #tpu.memory_space<hbm>>) target(%dma_start3A_55 : memref<64x128xf32, #tpu.memory_space<vmem>>) offsets(%dma_start3A_58 : memref<64xi32, #tpu.memory_space<vmem>>) semaphore(%arg12 : memref<!tpu.dma_semaphore, #tpu.memory_space<semaphore_mem>>)
      %scan3A_62 = arith.constant 0 : i32
      %scan3A_63 = arith.constant 0 : i32
      %scan3A_64 = arith.constant 20 : i32
      %scan3A_65 = arith.addi %scan3A_63, %scan3A_64 : i32
      %scan3A_66 = arith.constant 1 : i32
      scf.for %scan3A_68 = %scan3A_63 to %scan3A_65 step %scan3A_66  : i32 {
        %mul3A_69 = arith.constant 2 : i32
        %mul3A_70 = arith.muli %mul3A_69, %scan3A_68 : i32
        %add3A_71 = arith.constant 1 : i32
        %add3A_72 = arith.addi %mul3A_70, %add3A_71 : i32
        %dma_start3A_73 = arith.constant 0 : i32
        %dma_start3A_74 = arith.constant 0 : i32
        %dma_start3A_75 = tpu.memref_slice %arg10[%dma_start3A_73, %dma_start3A_74] : memref<128x128xf32, #tpu.memory_space<vmem>> -> memref<64x128xf32, #tpu.memory_space<vmem>>
        %dma_start3A_76 = arith.constant 0 : i32
        %dma_start3A_77 = tpu.memref_slice %arg7[%add3A_72, %dma_start3A_76] : memref<40x128xi32, #tpu.memory_space<vmem>> -> memref<1x64xi32, #tpu.memory_space<vmem>>
        %dma_start3A_78 = tpu.memref_squeeze %dma_start3A_77 : memref<1x64xi32, #tpu.memory_space<vmem>> -> memref<64xi32, #tpu.memory_space<vmem>>
        %dma_start3A_79 = arith.constant 0 : i32
        %dma_start3A_80 = arith.constant 0 : i32
        %dma_start3A_81 = tpu.memref_slice %arg2[%dma_start3A_79, %dma_start3A_80] : memref<10000x128xf32, #tpu.memory_space<hbm>> -> memref<10000x128xf32, #tpu.memory_space<hbm>>
        tpu.enqueue_indirect_dma source(%dma_start3A_81 : memref<10000x128xf32, #tpu.memory_space<hbm>>) target(%dma_start3A_75 : memref<64x128xf32, #tpu.memory_space<vmem>>) offsets(%dma_start3A_78 : memref<64xi32, #tpu.memory_space<vmem>>) semaphore(%arg13 : memref<!tpu.dma_semaphore, #tpu.memory_space<semaphore_mem>>)
        %dma_start3A_82 = arith.constant 64 : i32
        %dma_start3A_83 = arith.constant 0 : i32
        %dma_start3A_84 = tpu.memref_slice %arg10[%dma_start3A_82, %dma_start3A_83] : memref<128x128xf32, #tpu.memory_space<vmem>> -> memref<64x128xf32, #tpu.memory_space<vmem>>
        %dma_start3A_85 = arith.constant 64 : i32
        %dma_start3A_86 = tpu.memref_slice %arg7[%add3A_72, %dma_start3A_85] : memref<40x128xi32, #tpu.memory_space<vmem>> -> memref<1x64xi32, #tpu.memory_space<vmem>>
        %dma_start3A_87 = tpu.memref_squeeze %dma_start3A_86 : memref<1x64xi32, #tpu.memory_space<vmem>> -> memref<64xi32, #tpu.memory_space<vmem>>
        %dma_start3A_88 = arith.constant 0 : i32
        %dma_start3A_89 = arith.constant 0 : i32
        %dma_start3A_90 = tpu.memref_slice %arg2[%dma_start3A_88, %dma_start3A_89] : memref<10000x128xf32, #tpu.memory_space<hbm>> -> memref<10000x128xf32, #tpu.memory_space<hbm>>
        tpu.enqueue_indirect_dma source(%dma_start3A_90 : memref<10000x128xf32, #tpu.memory_space<hbm>>) target(%dma_start3A_84 : memref<64x128xf32, #tpu.memory_space<vmem>>) offsets(%dma_start3A_87 : memref<64xi32, #tpu.memory_space<vmem>>) semaphore(%arg14 : memref<!tpu.dma_semaphore, #tpu.memory_space<semaphore_mem>>)
        %dma_wait3A = arith.constant 0 : i32
        %dma_wait3A_91 = arith.constant 0 : i32
        %dma_wait3A_92 = tpu.memref_slice %arg9[%dma_wait3A, %dma_wait3A_91] : memref<128x128xf32, #tpu.memory_space<vmem>> -> memref<64x128xf32, #tpu.memory_space<vmem>>
        %dma_wait3A_93 = arith.constant 0 : i32
        %dma_wait3A_94 = tpu.memref_slice %arg7[%mul3A_70, %dma_wait3A_93] : memref<40x128xi32, #tpu.memory_space<vmem>> -> memref<1x64xi32, #tpu.memory_space<vmem>>
        %dma_wait3A_95 = tpu.memref_squeeze %dma_wait3A_94 : memref<1x64xi32, #tpu.memory_space<vmem>> -> memref<64xi32, #tpu.memory_space<vmem>>
        %dma_wait3A_96 = arith.constant 0 : i32
        %dma_wait3A_97 = arith.constant 0 : i32
        %dma_wait3A_98 = tpu.memref_slice %arg2[%dma_wait3A_96, %dma_wait3A_97] : memref<10000x128xf32, #tpu.memory_space<hbm>> -> memref<10000x128xf32, #tpu.memory_space<hbm>>
        tpu.wait_indirect_dma semaphore(%arg11 : memref<!tpu.dma_semaphore, #tpu.memory_space<semaphore_mem>>) src(%dma_wait3A_98 : memref<10000x128xf32, #tpu.memory_space<hbm>>) dst(%dma_wait3A_92 : memref<64x128xf32, #tpu.memory_space<vmem>>)
        %dma_wait3A_99 = arith.constant 64 : i32
        %dma_wait3A_100 = arith.constant 0 : i32
        %dma_wait3A_101 = tpu.memref_slice %arg9[%dma_wait3A_99, %dma_wait3A_100] : memref<128x128xf32, #tpu.memory_space<vmem>> -> memref<64x128xf32, #tpu.memory_space<vmem>>
        %dma_wait3A_102 = arith.constant 64 : i32
        %dma_wait3A_103 = tpu.memref_slice %arg7[%mul3A_70, %dma_wait3A_102] : memref<40x128xi32, #tpu.memory_space<vmem>> -> memref<1x64xi32, #tpu.memory_space<vmem>>
        %dma_wait3A_104 = tpu.memref_squeeze %dma_wait3A_103 : memref<1x64xi32, #tpu.memory_space<vmem>> -> memref<64xi32, #tpu.memory_space<vmem>>
        %dma_wait3A_105 = arith.constant 0 : i32
        %dma_wait3A_106 = arith.constant 0 : i32
        %dma_wait3A_107 = tpu.memref_slice %arg2[%dma_wait3A_105, %dma_wait3A_106] : memref<10000x128xf32, #tpu.memory_space<hbm>> -> memref<10000x128xf32, #tpu.memory_space<hbm>>
        tpu.wait_indirect_dma semaphore(%arg12 : memref<!tpu.dma_semaphore, #tpu.memory_space<semaphore_mem>>) src(%dma_wait3A_107 : memref<10000x128xf32, #tpu.memory_space<hbm>>) dst(%dma_wait3A_101 : memref<64x128xf32, #tpu.memory_space<vmem>>)
        "tpu.region"() ({
          %run_scoped3A = tpu.sem_alloc : memref<!tpu.dma_semaphore, #tpu.memory_space<semaphore_mem>>
          %dma_start3A_131 = arith.constant 0 : i32
          %dma_start3A_132 = tpu.memref_slice %arg8[%mul3A_70, %dma_start3A_131] : memref<40x128xi32, #tpu.memory_space<vmem>> -> memref<1x128xi32, #tpu.memory_space<vmem>>
          %dma_start3A_133 = tpu.memref_squeeze %dma_start3A_132 : memref<1x128xi32, #tpu.memory_space<vmem>> -> memref<128xi32, #tpu.memory_space<vmem>>
          %dma_start3A_134 = arith.constant 0 : i32
          %dma_start3A_135 = arith.constant 0 : i32
          %dma_start3A_136 = tpu.memref_slice %arg6[%dma_start3A_134, %dma_start3A_135] : memref<10128x128xf32, #tpu.memory_space<vmem_shared>> -> memref<10128x128xf32, #tpu.memory_space<vmem_shared>>
          tpu.enqueue_indirect_dma source(%arg9 : memref<128x128xf32, #tpu.memory_space<vmem>>) target(%dma_start3A_136 : memref<10128x128xf32, #tpu.memory_space<vmem_shared>>) offsets(%dma_start3A_133 : memref<128xi32, #tpu.memory_space<vmem>>) semaphore(%run_scoped3A : memref<!tpu.dma_semaphore, #tpu.memory_space<semaphore_mem>>) {add = true}
          %dma_wait3A_137 = arith.constant 0 : i32
          %dma_wait3A_138 = tpu.memref_slice %arg8[%mul3A_70, %dma_wait3A_137] : memref<40x128xi32, #tpu.memory_space<vmem>> -> memref<1x128xi32, #tpu.memory_space<vmem>>
          %dma_wait3A_139 = tpu.memref_squeeze %dma_wait3A_138 : memref<1x128xi32, #tpu.memory_space<vmem>> -> memref<128xi32, #tpu.memory_space<vmem>>
          %dma_wait3A_140 = arith.constant 0 : i32
          %dma_wait3A_141 = arith.constant 0 : i32
          %dma_wait3A_142 = tpu.memref_slice %arg6[%dma_wait3A_140, %dma_wait3A_141] : memref<10128x128xf32, #tpu.memory_space<vmem_shared>> -> memref<10128x128xf32, #tpu.memory_space<vmem_shared>>
          tpu.wait_indirect_dma semaphore(%run_scoped3A : memref<!tpu.dma_semaphore, #tpu.memory_space<semaphore_mem>>) src(%arg9 : memref<128x128xf32, #tpu.memory_space<vmem>>) dst(%dma_wait3A_142 : memref<10128x128xf32, #tpu.memory_space<vmem_shared>>)
          tpu.yield
        }) : () -> ()
        %lt3A_108 = arith.constant 19 : i32
        %lt3A_109 = arith.cmpi slt, %scan3A_68, %lt3A_108 : i32
        %convert_element_type3A_110 = arith.extui %lt3A_109 : i1 to i32
        %cond3A_111 = arith.constant 0 : i32
        %cond3A_112 = arith.cmpi ne, %convert_element_type3A_110, %cond3A_111 : i32
        scf.if %cond3A_112 {
          %add3A_131 = arith.constant 2 : i32
          %add3A_132 = arith.addi %mul3A_70, %add3A_131 : i32
          %dma_start3A_133 = arith.constant 0 : i32
          %dma_start3A_134 = arith.constant 0 : i32
          %dma_start3A_135 = tpu.memref_slice %arg9[%dma_start3A_133, %dma_start3A_134] : memref<128x128xf32, #tpu.memory_space<vmem>> -> memref<64x128xf32, #tpu.memory_space<vmem>>
          %dma_start3A_136 = arith.constant 0 : i32
          %dma_start3A_137 = tpu.memref_slice %arg7[%add3A_132, %dma_start3A_136] : memref<40x128xi32, #tpu.memory_space<vmem>> -> memref<1x64xi32, #tpu.memory_space<vmem>>
          %dma_start3A_138 = tpu.memref_squeeze %dma_start3A_137 : memref<1x64xi32, #tpu.memory_space<vmem>> -> memref<64xi32, #tpu.memory_space<vmem>>
          %dma_start3A_139 = arith.constant 0 : i32
          %dma_start3A_140 = arith.constant 0 : i32
          %dma_start3A_141 = tpu.memref_slice %arg2[%dma_start3A_139, %dma_start3A_140] : memref<10000x128xf32, #tpu.memory_space<hbm>> -> memref<10000x128xf32, #tpu.memory_space<hbm>>
          tpu.enqueue_indirect_dma source(%dma_start3A_141 : memref<10000x128xf32, #tpu.memory_space<hbm>>) target(%dma_start3A_135 : memref<64x128xf32, #tpu.memory_space<vmem>>) offsets(%dma_start3A_138 : memref<64xi32, #tpu.memory_space<vmem>>) semaphore(%arg11 : memref<!tpu.dma_semaphore, #tpu.memory_space<semaphore_mem>>)
          %dma_start3A_142 = arith.constant 64 : i32
          %dma_start3A_143 = arith.constant 0 : i32
          %dma_start3A_144 = tpu.memref_slice %arg9[%dma_start3A_142, %dma_start3A_143] : memref<128x128xf32, #tpu.memory_space<vmem>> -> memref<64x128xf32, #tpu.memory_space<vmem>>
          %dma_start3A_145 = arith.constant 64 : i32
          %dma_start3A_146 = tpu.memref_slice %arg7[%add3A_132, %dma_start3A_145] : memref<40x128xi32, #tpu.memory_space<vmem>> -> memref<1x64xi32, #tpu.memory_space<vmem>>
          %dma_start3A_147 = tpu.memref_squeeze %dma_start3A_146 : memref<1x64xi32, #tpu.memory_space<vmem>> -> memref<64xi32, #tpu.memory_space<vmem>>
          %dma_start3A_148 = arith.constant 0 : i32
          %dma_start3A_149 = arith.constant 0 : i32
          %dma_start3A_150 = tpu.memref_slice %arg2[%dma_start3A_148, %dma_start3A_149] : memref<10000x128xf32, #tpu.memory_space<hbm>> -> memref<10000x128xf32, #tpu.memory_space<hbm>>
          tpu.enqueue_indirect_dma source(%dma_start3A_150 : memref<10000x128xf32, #tpu.memory_space<hbm>>) target(%dma_start3A_144 : memref<64x128xf32, #tpu.memory_space<vmem>>) offsets(%dma_start3A_147 : memref<64xi32, #tpu.memory_space<vmem>>) semaphore(%arg12 : memref<!tpu.dma_semaphore, #tpu.memory_space<semaphore_mem>>)
        } else {
        }
        %dma_wait3A_113 = arith.constant 0 : i32
        %dma_wait3A_114 = arith.constant 0 : i32
        %dma_wait3A_115 = tpu.memref_slice %arg10[%dma_wait3A_113, %dma_wait3A_114] : memref<128x128xf32, #tpu.memory_space<vmem>> -> memref<64x128xf32, #tpu.memory_space<vmem>>
        %dma_wait3A_116 = arith.constant 0 : i32
        %dma_wait3A_117 = tpu.memref_slice %arg7[%add3A_72, %dma_wait3A_116] : memref<40x128xi32, #tpu.memory_space<vmem>> -> memref<1x64xi32, #tpu.memory_space<vmem>>
        %dma_wait3A_118 = tpu.memref_squeeze %dma_wait3A_117 : memref<1x64xi32, #tpu.memory_space<vmem>> -> memref<64xi32, #tpu.memory_space<vmem>>
        %dma_wait3A_119 = arith.constant 0 : i32
        %dma_wait3A_120 = arith.constant 0 : i32
        %dma_wait3A_121 = tpu.memref_slice %arg2[%dma_wait3A_119, %dma_wait3A_120] : memref<10000x128xf32, #tpu.memory_space<hbm>> -> memref<10000x128xf32, #tpu.memory_space<hbm>>
        tpu.wait_indirect_dma semaphore(%arg13 : memref<!tpu.dma_semaphore, #tpu.memory_space<semaphore_mem>>) src(%dma_wait3A_121 : memref<10000x128xf32, #tpu.memory_space<hbm>>) dst(%dma_wait3A_115 : memref<64x128xf32, #tpu.memory_space<vmem>>)
        %dma_wait3A_122 = arith.constant 64 : i32
        %dma_wait3A_123 = arith.constant 0 : i32
        %dma_wait3A_124 = tpu.memref_slice %arg10[%dma_wait3A_122, %dma_wait3A_123] : memref<128x128xf32, #tpu.memory_space<vmem>> -> memref<64x128xf32, #tpu.memory_space<vmem>>
        %dma_wait3A_125 = arith.constant 64 : i32
        %dma_wait3A_126 = tpu.memref_slice %arg7[%add3A_72, %dma_wait3A_125] : memref<40x128xi32, #tpu.memory_space<vmem>> -> memref<1x64xi32, #tpu.memory_space<vmem>>
        %dma_wait3A_127 = tpu.memref_squeeze %dma_wait3A_126 : memref<1x64xi32, #tpu.memory_space<vmem>> -> memref<64xi32, #tpu.memory_space<vmem>>
        %dma_wait3A_128 = arith.constant 0 : i32
        %dma_wait3A_129 = arith.constant 0 : i32
        %dma_wait3A_130 = tpu.memref_slice %arg2[%dma_wait3A_128, %dma_wait3A_129] : memref<10000x128xf32, #tpu.memory_space<hbm>> -> memref<10000x128xf32, #tpu.memory_space<hbm>>
        tpu.wait_indirect_dma semaphore(%arg14 : memref<!tpu.dma_semaphore, #tpu.memory_space<semaphore_mem>>) src(%dma_wait3A_130 : memref<10000x128xf32, #tpu.memory_space<hbm>>) dst(%dma_wait3A_124 : memref<64x128xf32, #tpu.memory_space<vmem>>)
        "tpu.region"() ({
          %run_scoped3A = tpu.sem_alloc : memref<!tpu.dma_semaphore, #tpu.memory_space<semaphore_mem>>
          %dma_start3A_131 = arith.constant 0 : i32
          %dma_start3A_132 = tpu.memref_slice %arg8[%add3A_72, %dma_start3A_131] : memref<40x128xi32, #tpu.memory_space<vmem>> -> memref<1x128xi32, #tpu.memory_space<vmem>>
          %dma_start3A_133 = tpu.memref_squeeze %dma_start3A_132 : memref<1x128xi32, #tpu.memory_space<vmem>> -> memref<128xi32, #tpu.memory_space<vmem>>
          %dma_start3A_134 = arith.constant 0 : i32
          %dma_start3A_135 = arith.constant 0 : i32
          %dma_start3A_136 = tpu.memref_slice %arg6[%dma_start3A_134, %dma_start3A_135] : memref<10128x128xf32, #tpu.memory_space<vmem_shared>> -> memref<10128x128xf32, #tpu.memory_space<vmem_shared>>
          tpu.enqueue_indirect_dma source(%arg10 : memref<128x128xf32, #tpu.memory_space<vmem>>) target(%dma_start3A_136 : memref<10128x128xf32, #tpu.memory_space<vmem_shared>>) offsets(%dma_start3A_133 : memref<128xi32, #tpu.memory_space<vmem>>) semaphore(%run_scoped3A : memref<!tpu.dma_semaphore, #tpu.memory_space<semaphore_mem>>) {add = true}
          %dma_wait3A_137 = arith.constant 0 : i32
          %dma_wait3A_138 = tpu.memref_slice %arg8[%add3A_72, %dma_wait3A_137] : memref<40x128xi32, #tpu.memory_space<vmem>> -> memref<1x128xi32, #tpu.memory_space<vmem>>
          %dma_wait3A_139 = tpu.memref_squeeze %dma_wait3A_138 : memref<1x128xi32, #tpu.memory_space<vmem>> -> memref<128xi32, #tpu.memory_space<vmem>>
          %dma_wait3A_140 = arith.constant 0 : i32
          %dma_wait3A_141 = arith.constant 0 : i32
          %dma_wait3A_142 = tpu.memref_slice %arg6[%dma_wait3A_140, %dma_wait3A_141] : memref<10128x128xf32, #tpu.memory_space<vmem_shared>> -> memref<10128x128xf32, #tpu.memory_space<vmem_shared>>
          tpu.wait_indirect_dma semaphore(%run_scoped3A : memref<!tpu.dma_semaphore, #tpu.memory_space<semaphore_mem>>) src(%arg10 : memref<128x128xf32, #tpu.memory_space<vmem>>) dst(%dma_wait3A_142 : memref<10128x128xf32, #tpu.memory_space<vmem_shared>>)
          tpu.yield
        }) : () -> ()
      }
      %scan3A_67 = arith.constant 20 : i32
    }
    %scan3A_28 = arith.constant 2 : i32
    %barrier3A_29 = arith.constant 0 : index
    tpu.barrier barrier_id(%barrier3A_29)
    %mul3A_30 = arith.constant 624 : i32
    %mul3A_31 = arith.muli %arg1, %mul3A_30 : i32
    "tpu.region"() ({
      %run_scoped3A = tpu.sem_alloc : memref<!tpu.dma_semaphore, #tpu.memory_space<semaphore_mem>>
      %dma_start3A = arith.constant 0 : i32
      %dma_start3A_37 = tpu.memref_slice %arg5[%arg0, %mul3A_31, %dma_start3A] : memref<2x10000x128xf32, #tpu.memory_space<hbm>> -> memref<1x624x128xf32, #tpu.memory_space<hbm>>
      %dma_start3A_38 = tpu.memref_squeeze %dma_start3A_37 : memref<1x624x128xf32, #tpu.memory_space<hbm>> -> memref<624x128xf32, #tpu.memory_space<hbm>>
      %dma_start3A_39 = arith.constant 0 : i32
      %dma_start3A_40 = tpu.memref_slice %arg6[%mul3A_31, %dma_start3A_39] : memref<10128x128xf32, #tpu.memory_space<vmem_shared>> -> memref<624x128xf32, #tpu.memory_space<vmem_shared>>
      tpu.enqueue_dma source(%dma_start3A_40 : memref<624x128xf32, #tpu.memory_space<vmem_shared>>) target(%dma_start3A_38 : memref<624x128xf32, #tpu.memory_space<hbm>>) target_semaphore(%run_scoped3A : memref<!tpu.dma_semaphore, #tpu.memory_space<semaphore_mem>>)
      %dma_wait3A = arith.constant 0 : i32
      %dma_wait3A_41 = tpu.memref_slice %arg5[%arg0, %mul3A_31, %dma_wait3A] : memref<2x10000x128xf32, #tpu.memory_space<hbm>> -> memref<1x624x128xf32, #tpu.memory_space<hbm>>
      %dma_wait3A_42 = tpu.memref_squeeze %dma_wait3A_41 : memref<1x624x128xf32, #tpu.memory_space<hbm>> -> memref<624x128xf32, #tpu.memory_space<hbm>>
      %dma_wait3A_43 = arith.constant 0 : i32
      %dma_wait3A_44 = tpu.memref_slice %arg6[%mul3A_31, %dma_wait3A_43] : memref<10128x128xf32, #tpu.memory_space<vmem_shared>> -> memref<624x128xf32, #tpu.memory_space<vmem_shared>>
      tpu.wait_dma2 semaphore(%run_scoped3A : memref<!tpu.dma_semaphore, #tpu.memory_space<semaphore_mem>>) src(%dma_wait3A_44 : memref<624x128xf32, #tpu.memory_space<vmem_shared>>) dst(%dma_wait3A_42 : memref<624x128xf32, #tpu.memory_space<hbm>>)
      tpu.yield
    }) : () -> ()
    %eq3A_32 = arith.constant 15 : i32
    %eq3A_33 = arith.cmpi eq, %arg1, %eq3A_32 : i32
    %convert_element_type3A_34 = arith.extui %eq3A_33 : i1 to i32
    %cond3A_35 = arith.constant 0 : i32
    %cond3A_36 = arith.cmpi ne, %convert_element_type3A_34, %cond3A_35 : i32
    scf.if %cond3A_36 {
      "tpu.region"() ({
        %run_scoped3A = tpu.sem_alloc : memref<!tpu.dma_semaphore, #tpu.memory_space<semaphore_mem>>
        %dma_start3A = arith.constant 9984 : i32
        %dma_start3A_37 = arith.constant 0 : i32
        %dma_start3A_38 = tpu.memref_slice %arg5[%arg0, %dma_start3A, %dma_start3A_37] : memref<2x10000x128xf32, #tpu.memory_space<hbm>> -> memref<1x16x128xf32, #tpu.memory_space<hbm>>
        %dma_start3A_39 = tpu.memref_squeeze %dma_start3A_38 : memref<1x16x128xf32, #tpu.memory_space<hbm>> -> memref<16x128xf32, #tpu.memory_space<hbm>>
        %dma_start3A_40 = arith.constant 9984 : i32
        %dma_start3A_41 = arith.constant 0 : i32
        %dma_start3A_42 = tpu.memref_slice %arg6[%dma_start3A_40, %dma_start3A_41] : memref<10128x128xf32, #tpu.memory_space<vmem_shared>> -> memref<16x128xf32, #tpu.memory_space<vmem_shared>>
        tpu.enqueue_dma source(%dma_start3A_42 : memref<16x128xf32, #tpu.memory_space<vmem_shared>>) target(%dma_start3A_39 : memref<16x128xf32, #tpu.memory_space<hbm>>) target_semaphore(%run_scoped3A : memref<!tpu.dma_semaphore, #tpu.memory_space<semaphore_mem>>)
        %dma_wait3A = arith.constant 9984 : i32
        %dma_wait3A_43 = arith.constant 0 : i32
        %dma_wait3A_44 = tpu.memref_slice %arg5[%arg0, %dma_wait3A, %dma_wait3A_43] : memref<2x10000x128xf32, #tpu.memory_space<hbm>> -> memref<1x16x128xf32, #tpu.memory_space<hbm>>
        %dma_wait3A_45 = tpu.memref_squeeze %dma_wait3A_44 : memref<1x16x128xf32, #tpu.memory_space<hbm>> -> memref<16x128xf32, #tpu.memory_space<hbm>>
        %dma_wait3A_46 = arith.constant 9984 : i32
        %dma_wait3A_47 = arith.constant 0 : i32
        %dma_wait3A_48 = tpu.memref_slice %arg6[%dma_wait3A_46, %dma_wait3A_47] : memref<10128x128xf32, #tpu.memory_space<vmem_shared>> -> memref<16x128xf32, #tpu.memory_space<vmem_shared>>
        tpu.wait_dma2 semaphore(%run_scoped3A : memref<!tpu.dma_semaphore, #tpu.memory_space<semaphore_mem>>) src(%dma_wait3A_48 : memref<16x128xf32, #tpu.memory_space<vmem_shared>>) dst(%dma_wait3A_45 : memref<16x128xf32, #tpu.memory_space<hbm>>)
        tpu.yield
      }) : () -> ()
    } else {
    }
    return
  }
}

#map = affine_map<(d0, d1) -> (0, 0)>
#map1 = affine_map<(d0, d1) -> (0, 0, 0)>
module attributes {stable_mosaic.version = 14 : i64} {
  func.func @body(%arg0: i32, %arg1: i32, %arg2: memref<10000x128xf32, #tpu.memory_space<hbm>>, %arg3: memref<2560x128xi32, #tpu.memory_space<hbm>>, %arg4: memref<2560x128xi32, #tpu.memory_space<hbm>>, %arg5: memref<2x10000x128xf32, #tpu.memory_space<hbm>>, %arg6: memref<10128x128xf32, #tpu.memory_space<vmem_shared>>, %arg7: memref<40x128xi32, #tpu.memory_space<vmem>>, %arg8: memref<40x128xi32, #tpu.memory_space<vmem>>, %arg9: memref<128x128xf32, #tpu.memory_space<vmem>>, %arg10: memref<128x128xf32, #tpu.memory_space<vmem>>, %arg11: memref<!tpu.dma_semaphore, #tpu.memory_space<semaphore_mem>>, %arg12: memref<!tpu.dma_semaphore, #tpu.memory_space<semaphore_mem>>, %arg13: memref<!tpu.dma_semaphore, #tpu.memory_space<semaphore_mem>>, %arg14: memref<!tpu.dma_semaphore, #tpu.memory_space<semaphore_mem>>, %arg15: memref<!tpu.dma_semaphore, #tpu.memory_space<semaphore_mem>>, %arg16: memref<!tpu.dma_semaphore, #tpu.memory_space<semaphore_mem>>, %arg17: memref<!tpu.dma_semaphore, #tpu.memory_space<semaphore_mem>>, %arg18: memref<!tpu.dma_semaphore, #tpu.memory_space<semaphore_mem>>) attributes {dimension_semantics = [#tpu.dimension_semantics<core_parallel>, #tpu.dimension_semantics<subcore_parallel>], iteration_bounds = array<i64: 2, 16>, scalar_prefetch = 0 : i64, scratch_operands = 13 : i64, tpu.core_type = #tpu.core_type<sc_vector_subcore>, window_params = [{transform_indices = #map}, {transform_indices = #map}, {transform_indices = #map}, {transform_indices = #map1}]} {
    %mul3A = arith.constant 16 : i32
    %mul3A_0 = arith.muli %arg0, %mul3A : i32
    %add3A = arith.addi %mul3A_0, %arg1 : i32
    %broadcast_in_dim3A = arith.constant 0.000000e+00 : f32
    %broadcast_in_dim3A_1 = vector.broadcast %broadcast_in_dim3A : f32 to vector<16xf32>
    %scan3A = arith.constant 0 : i32
    %scan3A_2 = arith.constant 0 : i32
    %scan3A_3 = arith.constant 128 : i32
    %scan3A_4 = arith.addi %scan3A_2, %scan3A_3 : i32
    %scan3A_5 = arith.constant 1 : i32
    scf.for %scan3A_37 = %scan3A_2 to %scan3A_4 step %scan3A_5  : i32 {
      %swap3A = arith.index_cast %scan3A_37 : i32 to index
      %swap3A_38 = arith.constant 0 : index
      %swap3A_39 = tpu.vector_load %arg9[%swap3A, %swap3A_38] {strides = array<i32>} : memref<128x128xf32, #tpu.memory_space<vmem>>, vector<1x16xf32>,
      %swap3A_40 = vector.shape_cast %swap3A_39 : vector<1x16xf32> to vector<16xf32>
      %swap3A_41 = vector.shape_cast %broadcast_in_dim3A_1 : vector<16xf32> to vector<1x16xf32>
      tpu.vector_store %arg9[%swap3A, %swap3A_38], %swap3A_41 {strides = array<i32>} : memref<128x128xf32, #tpu.memory_space<vmem>>, vector<1x16xf32>,
      %swap3A_42 = arith.index_cast %scan3A_37 : i32 to index
      %swap3A_43 = arith.constant 16 : index
      %swap3A_44 = tpu.vector_load %arg9[%swap3A_42, %swap3A_43] {strides = array<i32>} : memref<128x128xf32, #tpu.memory_space<vmem>>, vector<1x16xf32>,
      %swap3A_45 = vector.shape_cast %swap3A_44 : vector<1x16xf32> to vector<16xf32>
      %swap3A_46 = vector.shape_cast %broadcast_in_dim3A_1 : vector<16xf32> to vector<1x16xf32>
      tpu.vector_store %arg9[%swap3A_42, %swap3A_43], %swap3A_46 {strides = array<i32>} : memref<128x128xf32, #tpu.memory_space<vmem>>, vector<1x16xf32>,
      %swap3A_47 = arith.index_cast %scan3A_37 : i32 to index
      %swap3A_48 = arith.constant 32 : index
      %swap3A_49 = tpu.vector_load %arg9[%swap3A_47, %swap3A_48] {strides = array<i32>} : memref<128x128xf32, #tpu.memory_space<vmem>>, vector<1x16xf32>,
      %swap3A_50 = vector.shape_cast %swap3A_49 : vector<1x16xf32> to vector<16xf32>
      %swap3A_51 = vector.shape_cast %broadcast_in_dim3A_1 : vector<16xf32> to vector<1x16xf32>
      tpu.vector_store %arg9[%swap3A_47, %swap3A_48], %swap3A_51 {strides = array<i32>} : memref<128x128xf32, #tpu.memory_space<vmem>>, vector<1x16xf32>,
      %swap3A_52 = arith.index_cast %scan3A_37 : i32 to index
      %swap3A_53 = arith.constant 48 : index
      %swap3A_54 = tpu.vector_load %arg9[%swap3A_52, %swap3A_53] {strides = array<i32>} : memref<128x128xf32, #tpu.memory_space<vmem>>, vector<1x16xf32>,
      %swap3A_55 = vector.shape_cast %swap3A_54 : vector<1x16xf32> to vector<16xf32>
      %swap3A_56 = vector.shape_cast %broadcast_in_dim3A_1 : vector<16xf32> to vector<1x16xf32>
      tpu.vector_store %arg9[%swap3A_52, %swap3A_53], %swap3A_56 {strides = array<i32>} : memref<128x128xf32, #tpu.memory_space<vmem>>, vector<1x16xf32>,
      %swap3A_57 = arith.index_cast %scan3A_37 : i32 to index
      %swap3A_58 = arith.constant 64 : index
      %swap3A_59 = tpu.vector_load %arg9[%swap3A_57, %swap3A_58] {strides = array<i32>} : memref<128x128xf32, #tpu.memory_space<vmem>>, vector<1x16xf32>,
      %swap3A_60 = vector.shape_cast %swap3A_59 : vector<1x16xf32> to vector<16xf32>
      %swap3A_61 = vector.shape_cast %broadcast_in_dim3A_1 : vector<16xf32> to vector<1x16xf32>
      tpu.vector_store %arg9[%swap3A_57, %swap3A_58], %swap3A_61 {strides = array<i32>} : memref<128x128xf32, #tpu.memory_space<vmem>>, vector<1x16xf32>,
      %swap3A_62 = arith.index_cast %scan3A_37 : i32 to index
      %swap3A_63 = arith.constant 80 : index
      %swap3A_64 = tpu.vector_load %arg9[%swap3A_62, %swap3A_63] {strides = array<i32>} : memref<128x128xf32, #tpu.memory_space<vmem>>, vector<1x16xf32>,
      %swap3A_65 = vector.shape_cast %swap3A_64 : vector<1x16xf32> to vector<16xf32>
      %swap3A_66 = vector.shape_cast %broadcast_in_dim3A_1 : vector<16xf32> to vector<1x16xf32>
      tpu.vector_store %arg9[%swap3A_62, %swap3A_63], %swap3A_66 {strides = array<i32>} : memref<128x128xf32, #tpu.memory_space<vmem>>, vector<1x16xf32>,
      %swap3A_67 = arith.index_cast %scan3A_37 : i32 to index
      %swap3A_68 = arith.constant 96 : index
      %swap3A_69 = tpu.vector_load %arg9[%swap3A_67, %swap3A_68] {strides = array<i32>} : memref<128x128xf32, #tpu.memory_space<vmem>>, vector<1x16xf32>,
      %swap3A_70 = vector.shape_cast %swap3A_69 : vector<1x16xf32> to vector<16xf32>
      %swap3A_71 = vector.shape_cast %broadcast_in_dim3A_1 : vector<16xf32> to vector<1x16xf32>
      tpu.vector_store %arg9[%swap3A_67, %swap3A_68], %swap3A_71 {strides = array<i32>} : memref<128x128xf32, #tpu.memory_space<vmem>>, vector<1x16xf32>,
      %swap3A_72 = arith.index_cast %scan3A_37 : i32 to index
      %swap3A_73 = arith.constant 112 : index
      %swap3A_74 = tpu.vector_load %arg9[%swap3A_72, %swap3A_73] {strides = array<i32>} : memref<128x128xf32, #tpu.memory_space<vmem>>, vector<1x16xf32>,
      %swap3A_75 = vector.shape_cast %swap3A_74 : vector<1x16xf32> to vector<16xf32>
      %swap3A_76 = vector.shape_cast %broadcast_in_dim3A_1 : vector<16xf32> to vector<1x16xf32>
      tpu.vector_store %arg9[%swap3A_72, %swap3A_73], %swap3A_76 {strides = array<i32>} : memref<128x128xf32, #tpu.memory_space<vmem>>, vector<1x16xf32>,
    }
    %scan3A_6 = arith.constant 128 : i32
    %mul3A_7 = arith.constant 632 : i32
    %mul3A_8 = arith.muli %arg1, %mul3A_7 : i32
    %add3A_9 = arith.constant 0 : i32
    %add3A_10 = arith.addi %mul3A_8, %add3A_9 : i32
    "tpu.region"() ({
      %run_scoped3A = tpu.sem_alloc : memref<!tpu.dma_semaphore, #tpu.memory_space<semaphore_mem>>
      %dma_start3A = arith.constant 0 : i32
      %dma_start3A_37 = tpu.memref_slice %arg6[%add3A_10, %dma_start3A] : memref<10128x128xf32, #tpu.memory_space<vmem_shared>> -> memref<128x128xf32, #tpu.memory_space<vmem_shared>>
      %dma_start3A_38 = arith.constant 0 : i32
      %dma_start3A_39 = tpu.memref_slice %arg6[%add3A_10, %dma_start3A_38] : memref<10128x128xf32, #tpu.memory_space<vmem_shared>> -> memref<128x128xf32, #tpu.memory_space<vmem_shared>>
      tpu.enqueue_dma source(%arg9 : memref<128x128xf32, #tpu.memory_space<vmem>>) target(%dma_start3A_39 : memref<128x128xf32, #tpu.memory_space<vmem_shared>>) target_semaphore(%run_scoped3A : memref<!tpu.dma_semaphore, #tpu.memory_space<semaphore_mem>>)
      %dma_wait3A = arith.constant 0 : i32
      %dma_wait3A_40 = tpu.memref_slice %arg6[%add3A_10, %dma_wait3A] : memref<10128x128xf32, #tpu.memory_space<vmem_shared>> -> memref<128x128xf32, #tpu.memory_space<vmem_shared>>
      %dma_wait3A_41 = arith.constant 0 : i32
      %dma_wait3A_42 = tpu.memref_slice %arg6[%add3A_10, %dma_wait3A_41] : memref<10128x128xf32, #tpu.memory_space<vmem_shared>> -> memref<128x128xf32, #tpu.memory_space<vmem_shared>>
      tpu.wait_dma2 semaphore(%run_scoped3A : memref<!tpu.dma_semaphore, #tpu.memory_space<semaphore_mem>>) src(%arg9 : memref<128x128xf32, #tpu.memory_space<vmem>>) dst(%dma_wait3A_42 : memref<128x128xf32, #tpu.memory_space<vmem_shared>>)
      tpu.yield
    }) : () -> ()
    %add3A_11 = arith.constant 128 : i32
    %add3A_12 = arith.addi %mul3A_8, %add3A_11 : i32
    "tpu.region"() ({
      %run_scoped3A = tpu.sem_alloc : memref<!tpu.dma_semaphore, #tpu.memory_space<semaphore_mem>>
      %dma_start3A = arith.constant 0 : i32
      %dma_start3A_37 = tpu.memref_slice %arg6[%add3A_12, %dma_start3A] : memref<10128x128xf32, #tpu.memory_space<vmem_shared>> -> memref<128x128xf32, #tpu.memory_space<vmem_shared>>
      %dma_start3A_38 = arith.constant 0 : i32
      %dma_start3A_39 = tpu.memref_slice %arg6[%add3A_12, %dma_start3A_38] : memref<10128x128xf32, #tpu.memory_space<vmem_shared>> -> memref<128x128xf32, #tpu.memory_space<vmem_shared>>
      tpu.enqueue_dma source(%arg9 : memref<128x128xf32, #tpu.memory_space<vmem>>) target(%dma_start3A_39 : memref<128x128xf32, #tpu.memory_space<vmem_shared>>) target_semaphore(%run_scoped3A : memref<!tpu.dma_semaphore, #tpu.memory_space<semaphore_mem>>)
      %dma_wait3A = arith.constant 0 : i32
      %dma_wait3A_40 = tpu.memref_slice %arg6[%add3A_12, %dma_wait3A] : memref<10128x128xf32, #tpu.memory_space<vmem_shared>> -> memref<128x128xf32, #tpu.memory_space<vmem_shared>>
      %dma_wait3A_41 = arith.constant 0 : i32
      %dma_wait3A_42 = tpu.memref_slice %arg6[%add3A_12, %dma_wait3A_41] : memref<10128x128xf32, #tpu.memory_space<vmem_shared>> -> memref<128x128xf32, #tpu.memory_space<vmem_shared>>
      tpu.wait_dma2 semaphore(%run_scoped3A : memref<!tpu.dma_semaphore, #tpu.memory_space<semaphore_mem>>) src(%arg9 : memref<128x128xf32, #tpu.memory_space<vmem>>) dst(%dma_wait3A_42 : memref<128x128xf32, #tpu.memory_space<vmem_shared>>)
      tpu.yield
    }) : () -> ()
    %add3A_13 = arith.constant 256 : i32
    %add3A_14 = arith.addi %mul3A_8, %add3A_13 : i32
    "tpu.region"() ({
      %run_scoped3A = tpu.sem_alloc : memref<!tpu.dma_semaphore, #tpu.memory_space<semaphore_mem>>
      %dma_start3A = arith.constant 0 : i32
      %dma_start3A_37 = tpu.memref_slice %arg6[%add3A_14, %dma_start3A] : memref<10128x128xf32, #tpu.memory_space<vmem_shared>> -> memref<128x128xf32, #tpu.memory_space<vmem_shared>>
      %dma_start3A_38 = arith.constant 0 : i32
      %dma_start3A_39 = tpu.memref_slice %arg6[%add3A_14, %dma_start3A_38] : memref<10128x128xf32, #tpu.memory_space<vmem_shared>> -> memref<128x128xf32, #tpu.memory_space<vmem_shared>>
      tpu.enqueue_dma source(%arg9 : memref<128x128xf32, #tpu.memory_space<vmem>>) target(%dma_start3A_39 : memref<128x128xf32, #tpu.memory_space<vmem_shared>>) target_semaphore(%run_scoped3A : memref<!tpu.dma_semaphore, #tpu.memory_space<semaphore_mem>>)
      %dma_wait3A = arith.constant 0 : i32
      %dma_wait3A_40 = tpu.memref_slice %arg6[%add3A_14, %dma_wait3A] : memref<10128x128xf32, #tpu.memory_space<vmem_shared>> -> memref<128x128xf32, #tpu.memory_space<vmem_shared>>
      %dma_wait3A_41 = arith.constant 0 : i32
      %dma_wait3A_42 = tpu.memref_slice %arg6[%add3A_14, %dma_wait3A_41] : memref<10128x128xf32, #tpu.memory_space<vmem_shared>> -> memref<128x128xf32, #tpu.memory_space<vmem_shared>>
      tpu.wait_dma2 semaphore(%run_scoped3A : memref<!tpu.dma_semaphore, #tpu.memory_space<semaphore_mem>>) src(%arg9 : memref<128x128xf32, #tpu.memory_space<vmem>>) dst(%dma_wait3A_42 : memref<128x128xf32, #tpu.memory_space<vmem_shared>>)
      tpu.yield
    }) : () -> ()
    %add3A_15 = arith.constant 384 : i32
    %add3A_16 = arith.addi %mul3A_8, %add3A_15 : i32
    "tpu.region"() ({
      %run_scoped3A = tpu.sem_alloc : memref<!tpu.dma_semaphore, #tpu.memory_space<semaphore_mem>>
      %dma_start3A = arith.constant 0 : i32
      %dma_start3A_37 = tpu.memref_slice %arg6[%add3A_16, %dma_start3A] : memref<10128x128xf32, #tpu.memory_space<vmem_shared>> -> memref<128x128xf32, #tpu.memory_space<vmem_shared>>
      %dma_start3A_38 = arith.constant 0 : i32
      %dma_start3A_39 = tpu.memref_slice %arg6[%add3A_16, %dma_start3A_38] : memref<10128x128xf32, #tpu.memory_space<vmem_shared>> -> memref<128x128xf32, #tpu.memory_space<vmem_shared>>
      tpu.enqueue_dma source(%arg9 : memref<128x128xf32, #tpu.memory_space<vmem>>) target(%dma_start3A_39 : memref<128x128xf32, #tpu.memory_space<vmem_shared>>) target_semaphore(%run_scoped3A : memref<!tpu.dma_semaphore, #tpu.memory_space<semaphore_mem>>)
      %dma_wait3A = arith.constant 0 : i32
      %dma_wait3A_40 = tpu.memref_slice %arg6[%add3A_16, %dma_wait3A] : memref<10128x128xf32, #tpu.memory_space<vmem_shared>> -> memref<128x128xf32, #tpu.memory_space<vmem_shared>>
      %dma_wait3A_41 = arith.constant 0 : i32
      %dma_wait3A_42 = tpu.memref_slice %arg6[%add3A_16, %dma_wait3A_41] : memref<10128x128xf32, #tpu.memory_space<vmem_shared>> -> memref<128x128xf32, #tpu.memory_space<vmem_shared>>
      tpu.wait_dma2 semaphore(%run_scoped3A : memref<!tpu.dma_semaphore, #tpu.memory_space<semaphore_mem>>) src(%arg9 : memref<128x128xf32, #tpu.memory_space<vmem>>) dst(%dma_wait3A_42 : memref<128x128xf32, #tpu.memory_space<vmem_shared>>)
      tpu.yield
    }) : () -> ()
    %lt3A = arith.constant 15 : i32
    %lt3A_17 = arith.cmpi slt, %arg1, %lt3A : i32
    %convert_element_type3A = arith.extui %lt3A_17 : i1 to i32
    %cond3A = arith.constant 0 : i32
    %cond3A_18 = arith.cmpi ne, %convert_element_type3A, %cond3A : i32
    scf.if %cond3A_18 {
      %add3A_37 = arith.constant 512 : i32
      %add3A_38 = arith.addi %mul3A_8, %add3A_37 : i32
      "tpu.region"() ({
        %run_scoped3A = tpu.sem_alloc : memref<!tpu.dma_semaphore, #tpu.memory_space<semaphore_mem>>
        %dma_start3A = arith.constant 0 : i32
        %dma_start3A_39 = arith.constant 0 : i32
        %dma_start3A_40 = tpu.memref_slice %arg9[%dma_start3A, %dma_start3A_39] : memref<128x128xf32, #tpu.memory_space<vmem>> -> memref<120x128xf32, #tpu.memory_space<vmem>>
        %dma_start3A_41 = arith.constant 0 : i32
        %dma_start3A_42 = tpu.memref_slice %arg6[%add3A_38, %dma_start3A_41] : memref<10128x128xf32, #tpu.memory_space<vmem_shared>> -> memref<120x128xf32, #tpu.memory_space<vmem_shared>>
        %dma_start3A_43 = arith.constant 0 : i32
        %dma_start3A_44 = tpu.memref_slice %arg6[%add3A_38, %dma_start3A_43] : memref<10128x128xf32, #tpu.memory_space<vmem_shared>> -> memref<120x128xf32, #tpu.memory_space<vmem_shared>>
        %dma_start3A_45 = arith.constant 0 : i32
        %dma_start3A_46 = arith.constant 0 : i32
        %dma_start3A_47 = tpu.memref_slice %arg9[%dma_start3A_45, %dma_start3A_46] : memref<128x128xf32, #tpu.memory_space<vmem>> -> memref<120x128xf32, #tpu.memory_space<vmem>>
        tpu.enqueue_dma source(%dma_start3A_47 : memref<120x128xf32, #tpu.memory_space<vmem>>) target(%dma_start3A_44 : memref<120x128xf32, #tpu.memory_space<vmem_shared>>) target_semaphore(%run_scoped3A : memref<!tpu.dma_semaphore, #tpu.memory_space<semaphore_mem>>)
        %dma_wait3A = arith.constant 0 : i32
        %dma_wait3A_48 = arith.constant 0 : i32
        %dma_wait3A_49 = tpu.memref_slice %arg9[%dma_wait3A, %dma_wait3A_48] : memref<128x128xf32, #tpu.memory_space<vmem>> -> memref<120x128xf32, #tpu.memory_space<vmem>>
        %dma_wait3A_50 = arith.constant 0 : i32
        %dma_wait3A_51 = tpu.memref_slice %arg6[%add3A_38, %dma_wait3A_50] : memref<10128x128xf32, #tpu.memory_space<vmem_shared>> -> memref<120x128xf32, #tpu.memory_space<vmem_shared>>
        %dma_wait3A_52 = arith.constant 0 : i32
        %dma_wait3A_53 = tpu.memref_slice %arg6[%add3A_38, %dma_wait3A_52] : memref<10128x128xf32, #tpu.memory_space<vmem_shared>> -> memref<120x128xf32, #tpu.memory_space<vmem_shared>>
        %dma_wait3A_54 = arith.constant 0 : i32
        %dma_wait3A_55 = arith.constant 0 : i32
        %dma_wait3A_56 = tpu.memref_slice %arg9[%dma_wait3A_54, %dma_wait3A_55] : memref<128x128xf32, #tpu.memory_space<vmem>> -> memref<120x128xf32, #tpu.memory_space<vmem>>
        tpu.wait_dma2 semaphore(%run_scoped3A : memref<!tpu.dma_semaphore, #tpu.memory_space<semaphore_mem>>) src(%dma_wait3A_56 : memref<120x128xf32, #tpu.memory_space<vmem>>) dst(%dma_wait3A_53 : memref<120x128xf32, #tpu.memory_space<vmem_shared>>)
        tpu.yield
      }) : () -> ()
    } else {
    }
    %eq3A = arith.constant 15 : i32
    %eq3A_19 = arith.cmpi eq, %arg1, %eq3A : i32
    %convert_element_type3A_20 = arith.extui %eq3A_19 : i1 to i32
    %cond3A_21 = arith.constant 0 : i32
    %cond3A_22 = arith.cmpi ne, %convert_element_type3A_20, %cond3A_21 : i32
    scf.if %cond3A_22 {
      %add3A_37 = arith.constant 512 : i32
      %add3A_38 = arith.addi %mul3A_8, %add3A_37 : i32
      "tpu.region"() ({
        %run_scoped3A = tpu.sem_alloc : memref<!tpu.dma_semaphore, #tpu.memory_space<semaphore_mem>>
        %dma_start3A = arith.constant 0 : i32
        %dma_start3A_41 = tpu.memref_slice %arg6[%add3A_38, %dma_start3A] : memref<10128x128xf32, #tpu.memory_space<vmem_shared>> -> memref<128x128xf32, #tpu.memory_space<vmem_shared>>
        %dma_start3A_42 = arith.constant 0 : i32
        %dma_start3A_43 = tpu.memref_slice %arg6[%add3A_38, %dma_start3A_42] : memref<10128x128xf32, #tpu.memory_space<vmem_shared>> -> memref<128x128xf32, #tpu.memory_space<vmem_shared>>
        tpu.enqueue_dma source(%arg9 : memref<128x128xf32, #tpu.memory_space<vmem>>) target(%dma_start3A_43 : memref<128x128xf32, #tpu.memory_space<vmem_shared>>) target_semaphore(%run_scoped3A : memref<!tpu.dma_semaphore, #tpu.memory_space<semaphore_mem>>)
        %dma_wait3A = arith.constant 0 : i32
        %dma_wait3A_44 = tpu.memref_slice %arg6[%add3A_38, %dma_wait3A] : memref<10128x128xf32, #tpu.memory_space<vmem_shared>> -> memref<128x128xf32, #tpu.memory_space<vmem_shared>>
        %dma_wait3A_45 = arith.constant 0 : i32
        %dma_wait3A_46 = tpu.memref_slice %arg6[%add3A_38, %dma_wait3A_45] : memref<10128x128xf32, #tpu.memory_space<vmem_shared>> -> memref<128x128xf32, #tpu.memory_space<vmem_shared>>
        tpu.wait_dma2 semaphore(%run_scoped3A : memref<!tpu.dma_semaphore, #tpu.memory_space<semaphore_mem>>) src(%arg9 : memref<128x128xf32, #tpu.memory_space<vmem>>) dst(%dma_wait3A_46 : memref<128x128xf32, #tpu.memory_space<vmem_shared>>)
        tpu.yield
      }) : () -> ()
      %add3A_39 = arith.constant 640 : i32
      %add3A_40 = arith.addi %mul3A_8, %add3A_39 : i32
      "tpu.region"() ({
        %run_scoped3A = tpu.sem_alloc : memref<!tpu.dma_semaphore, #tpu.memory_space<semaphore_mem>>
        %dma_start3A = arith.constant 0 : i32
        %dma_start3A_41 = arith.constant 0 : i32
        %dma_start3A_42 = tpu.memref_slice %arg9[%dma_start3A, %dma_start3A_41] : memref<128x128xf32, #tpu.memory_space<vmem>> -> memref<8x128xf32, #tpu.memory_space<vmem>>
        %dma_start3A_43 = arith.constant 0 : i32
        %dma_start3A_44 = tpu.memref_slice %arg6[%add3A_40, %dma_start3A_43] : memref<10128x128xf32, #tpu.memory_space<vmem_shared>> -> memref<8x128xf32, #tpu.memory_space<vmem_shared>>
        %dma_start3A_45 = arith.constant 0 : i32
        %dma_start3A_46 = tpu.memref_slice %arg6[%add3A_40, %dma_start3A_45] : memref<10128x128xf32, #tpu.memory_space<vmem_shared>> -> memref<8x128xf32, #tpu.memory_space<vmem_shared>>
        %dma_start3A_47 = arith.constant 0 : i32
        %dma_start3A_48 = arith.constant 0 : i32
        %dma_start3A_49 = tpu.memref_slice %arg9[%dma_start3A_47, %dma_start3A_48] : memref<128x128xf32, #tpu.memory_space<vmem>> -> memref<8x128xf32, #tpu.memory_space<vmem>>
        tpu.enqueue_dma source(%dma_start3A_49 : memref<8x128xf32, #tpu.memory_space<vmem>>) target(%dma_start3A_46 : memref<8x128xf32, #tpu.memory_space<vmem_shared>>) target_semaphore(%run_scoped3A : memref<!tpu.dma_semaphore, #tpu.memory_space<semaphore_mem>>)
        %dma_wait3A = arith.constant 0 : i32
        %dma_wait3A_50 = arith.constant 0 : i32
        %dma_wait3A_51 = tpu.memref_slice %arg9[%dma_wait3A, %dma_wait3A_50] : memref<128x128xf32, #tpu.memory_space<vmem>> -> memref<8x128xf32, #tpu.memory_space<vmem>>
        %dma_wait3A_52 = arith.constant 0 : i32
        %dma_wait3A_53 = tpu.memref_slice %arg6[%add3A_40, %dma_wait3A_52] : memref<10128x128xf32, #tpu.memory_space<vmem_shared>> -> memref<8x128xf32, #tpu.memory_space<vmem_shared>>
        %dma_wait3A_54 = arith.constant 0 : i32
        %dma_wait3A_55 = tpu.memref_slice %arg6[%add3A_40, %dma_wait3A_54] : memref<10128x128xf32, #tpu.memory_space<vmem_shared>> -> memref<8x128xf32, #tpu.memory_space<vmem_shared>>
        %dma_wait3A_56 = arith.constant 0 : i32
        %dma_wait3A_57 = arith.constant 0 : i32
        %dma_wait3A_58 = tpu.memref_slice %arg9[%dma_wait3A_56, %dma_wait3A_57] : memref<128x128xf32, #tpu.memory_space<vmem>> -> memref<8x128xf32, #tpu.memory_space<vmem>>
        tpu.wait_dma2 semaphore(%run_scoped3A : memref<!tpu.dma_semaphore, #tpu.memory_space<semaphore_mem>>) src(%dma_wait3A_58 : memref<8x128xf32, #tpu.memory_space<vmem>>) dst(%dma_wait3A_55 : memref<8x128xf32, #tpu.memory_space<vmem_shared>>)
        tpu.yield
      }) : () -> ()
    } else {
    }
    %barrier3A = arith.constant 0 : index
    tpu.barrier barrier_id(%barrier3A)
    %scan3A_23 = arith.constant 0 : i32
    %scan3A_24 = arith.constant 0 : i32
    %scan3A_25 = arith.constant 2 : i32
    %scan3A_26 = arith.addi %scan3A_24, %scan3A_25 : i32
    %scan3A_27 = arith.constant 1 : i32
    scf.for %scan3A_37 = %scan3A_24 to %scan3A_26 step %scan3A_27  : i32 {
      %mul3A_38 = arith.constant 80 : i32
      %mul3A_39 = arith.muli %add3A, %mul3A_38 : i32
      %mul3A_40 = arith.constant 40 : i32
      %mul3A_41 = arith.muli %scan3A_37, %mul3A_40 : i32
      %add3A_42 = arith.addi %mul3A_39, %mul3A_41 : i32
      "tpu.region"() ({
        %run_scoped3A = tpu.sem_alloc : memref<!tpu.dma_semaphore, #tpu.memory_space<semaphore_mem>>
        %dma_start3A_68 = arith.constant 0 : i32
        %dma_start3A_69 = tpu.memref_slice %arg3[%add3A_42, %dma_start3A_68] : memref<2560x128xi32, #tpu.memory_space<hbm>> -> memref<40x128xi32, #tpu.memory_space<hbm>>
        %dma_start3A_70 = arith.constant 0 : i32
        %dma_start3A_71 = tpu.memref_slice %arg3[%add3A_42, %dma_start3A_70] : memref<2560x128xi32, #tpu.memory_space<hbm>> -> memref<40x128xi32, #tpu.memory_space<hbm>>
        tpu.enqueue_dma source(%dma_start3A_71 : memref<40x128xi32, #tpu.memory_space<hbm>>) target(%arg7 : memref<40x128xi32, #tpu.memory_space<vmem>>) target_semaphore(%run_scoped3A : memref<!tpu.dma_semaphore, #tpu.memory_space<semaphore_mem>>)
        %dma_wait3A = arith.constant 0 : i32
        %dma_wait3A_72 = tpu.memref_slice %arg3[%add3A_42, %dma_wait3A] : memref<2560x128xi32, #tpu.memory_space<hbm>> -> memref<40x128xi32, #tpu.memory_space<hbm>>
        %dma_wait3A_73 = arith.constant 0 : i32
        %dma_wait3A_74 = tpu.memref_slice %arg3[%add3A_42, %dma_wait3A_73] : memref<2560x128xi32, #tpu.memory_space<hbm>> -> memref<40x128xi32, #tpu.memory_space<hbm>>
        tpu.wait_dma2 semaphore(%run_scoped3A : memref<!tpu.dma_semaphore, #tpu.memory_space<semaphore_mem>>) src(%dma_wait3A_74 : memref<40x128xi32, #tpu.memory_space<hbm>>) dst(%arg7 : memref<40x128xi32, #tpu.memory_space<vmem>>)
        tpu.yield
      }) : () -> ()
      "tpu.region"() ({
        %run_scoped3A = tpu.sem_alloc : memref<!tpu.dma_semaphore, #tpu.memory_space<semaphore_mem>>
        %dma_start3A_68 = arith.constant 0 : i32
        %dma_start3A_69 = tpu.memref_slice %arg4[%add3A_42, %dma_start3A_68] : memref<2560x128xi32, #tpu.memory_space<hbm>> -> memref<40x128xi32, #tpu.memory_space<hbm>>
        %dma_start3A_70 = arith.constant 0 : i32
        %dma_start3A_71 = tpu.memref_slice %arg4[%add3A_42, %dma_start3A_70] : memref<2560x128xi32, #tpu.memory_space<hbm>> -> memref<40x128xi32, #tpu.memory_space<hbm>>
        tpu.enqueue_dma source(%dma_start3A_71 : memref<40x128xi32, #tpu.memory_space<hbm>>) target(%arg8 : memref<40x128xi32, #tpu.memory_space<vmem>>) target_semaphore(%run_scoped3A : memref<!tpu.dma_semaphore, #tpu.memory_space<semaphore_mem>>)
        %dma_wait3A = arith.constant 0 : i32
        %dma_wait3A_72 = tpu.memref_slice %arg4[%add3A_42, %dma_wait3A] : memref<2560x128xi32, #tpu.memory_space<hbm>> -> memref<40x128xi32, #tpu.memory_space<hbm>>
        %dma_wait3A_73 = arith.constant 0 : i32
        %dma_wait3A_74 = tpu.memref_slice %arg4[%add3A_42, %dma_wait3A_73] : memref<2560x128xi32, #tpu.memory_space<hbm>> -> memref<40x128xi32, #tpu.memory_space<hbm>>
        tpu.wait_dma2 semaphore(%run_scoped3A : memref<!tpu.dma_semaphore, #tpu.memory_space<semaphore_mem>>) src(%dma_wait3A_74 : memref<40x128xi32, #tpu.memory_space<hbm>>) dst(%arg8 : memref<40x128xi32, #tpu.memory_space<vmem>>)
        tpu.yield
      }) : () -> ()
      %dma_start3A = arith.constant 0 : i32
      %dma_start3A_43 = arith.constant 0 : i32
      %dma_start3A_44 = arith.constant 0 : i32
      %dma_start3A_45 = tpu.memref_slice %arg9[%dma_start3A_43, %dma_start3A_44] : memref<128x128xf32, #tpu.memory_space<vmem>> -> memref<64x128xf32, #tpu.memory_space<vmem>>
      %dma_start3A_46 = arith.constant 0 : i32
      %dma_start3A_47 = tpu.memref_slice %arg7[%dma_start3A, %dma_start3A_46] : memref<40x128xi32, #tpu.memory_space<vmem>> -> memref<1x64xi32, #tpu.memory_space<vmem>>
      %dma_start3A_48 = tpu.memref_squeeze %dma_start3A_47 : memref<1x64xi32, #tpu.memory_space<vmem>> -> memref<64xi32, #tpu.memory_space<vmem>>
      %dma_start3A_49 = arith.constant 0 : i32
      %dma_start3A_50 = arith.constant 0 : i32
      %dma_start3A_51 = tpu.memref_slice %arg2[%dma_start3A_49, %dma_start3A_50] : memref<10000x128xf32, #tpu.memory_space<hbm>> -> memref<10000x128xf32, #tpu.memory_space<hbm>>
      tpu.enqueue_indirect_dma source(%dma_start3A_51 : memref<10000x128xf32, #tpu.memory_space<hbm>>) target(%dma_start3A_45 : memref<64x128xf32, #tpu.memory_space<vmem>>) offsets(%dma_start3A_48 : memref<64xi32, #tpu.memory_space<vmem>>) semaphore(%arg11 : memref<!tpu.dma_semaphore, #tpu.memory_space<semaphore_mem>>)
      %dma_start3A_52 = arith.constant 0 : i32
      %dma_start3A_53 = arith.constant 64 : i32
      %dma_start3A_54 = arith.constant 0 : i32
      %dma_start3A_55 = tpu.memref_slice %arg9[%dma_start3A_53, %dma_start3A_54] : memref<128x128xf32, #tpu.memory_space<vmem>> -> memref<64x128xf32, #tpu.memory_space<vmem>>
      %dma_start3A_56 = arith.constant 64 : i32
      %dma_start3A_57 = tpu.memref_slice %arg7[%dma_start3A_52, %dma_start3A_56] : memref<40x128xi32, #tpu.memory_space<vmem>> -> memref<1x64xi32, #tpu.memory_space<vmem>>
      %dma_start3A_58 = tpu.memref_squeeze %dma_start3A_57 : memref<1x64xi32, #tpu.memory_space<vmem>> -> memref<64xi32, #tpu.memory_space<vmem>>
      %dma_start3A_59 = arith.constant 0 : i32
      %dma_start3A_60 = arith.constant 0 : i32
      %dma_start3A_61 = tpu.memref_slice %arg2[%dma_start3A_59, %dma_start3A_60] : memref<10000x128xf32, #tpu.memory_space<hbm>> -> memref<10000x128xf32, #tpu.memory_space<hbm>>
      tpu.enqueue_indirect_dma source(%dma_start3A_61 : memref<10000x128xf32, #tpu.memory_space<hbm>>) target(%dma_start3A_55 : memref<64x128xf32, #tpu.memory_space<vmem>>) offsets(%dma_start3A_58 : memref<64xi32, #tpu.memory_space<vmem>>) semaphore(%arg12 : memref<!tpu.dma_semaphore, #tpu.memory_space<semaphore_mem>>)
      %scan3A_62 = arith.constant 0 : i32
      %scan3A_63 = arith.constant 0 : i32
      %scan3A_64 = arith.constant 20 : i32
      %scan3A_65 = arith.addi %scan3A_63, %scan3A_64 : i32
      %scan3A_66 = arith.constant 1 : i32
      scf.for %scan3A_68 = %scan3A_63 to %scan3A_65 step %scan3A_66  : i32 {
        %mul3A_69 = arith.constant 2 : i32
        %mul3A_70 = arith.muli %mul3A_69, %scan3A_68 : i32
        %add3A_71 = arith.constant 1 : i32
        %add3A_72 = arith.addi %mul3A_70, %add3A_71 : i32
        %dma_start3A_73 = arith.constant 0 : i32
        %dma_start3A_74 = arith.constant 0 : i32
        %dma_start3A_75 = tpu.memref_slice %arg10[%dma_start3A_73, %dma_start3A_74] : memref<128x128xf32, #tpu.memory_space<vmem>> -> memref<64x128xf32, #tpu.memory_space<vmem>>
        %dma_start3A_76 = arith.constant 0 : i32
        %dma_start3A_77 = tpu.memref_slice %arg7[%add3A_72, %dma_start3A_76] : memref<40x128xi32, #tpu.memory_space<vmem>> -> memref<1x64xi32, #tpu.memory_space<vmem>>
        %dma_start3A_78 = tpu.memref_squeeze %dma_start3A_77 : memref<1x64xi32, #tpu.memory_space<vmem>> -> memref<64xi32, #tpu.memory_space<vmem>>
        %dma_start3A_79 = arith.constant 0 : i32
        %dma_start3A_80 = arith.constant 0 : i32
        %dma_start3A_81 = tpu.memref_slice %arg2[%dma_start3A_79, %dma_start3A_80] : memref<10000x128xf32, #tpu.memory_space<hbm>> -> memref<10000x128xf32, #tpu.memory_space<hbm>>
        tpu.enqueue_indirect_dma source(%dma_start3A_81 : memref<10000x128xf32, #tpu.memory_space<hbm>>) target(%dma_start3A_75 : memref<64x128xf32, #tpu.memory_space<vmem>>) offsets(%dma_start3A_78 : memref<64xi32, #tpu.memory_space<vmem>>) semaphore(%arg13 : memref<!tpu.dma_semaphore, #tpu.memory_space<semaphore_mem>>)
        %dma_start3A_82 = arith.constant 64 : i32
        %dma_start3A_83 = arith.constant 0 : i32
        %dma_start3A_84 = tpu.memref_slice %arg10[%dma_start3A_82, %dma_start3A_83] : memref<128x128xf32, #tpu.memory_space<vmem>> -> memref<64x128xf32, #tpu.memory_space<vmem>>
        %dma_start3A_85 = arith.constant 64 : i32
        %dma_start3A_86 = tpu.memref_slice %arg7[%add3A_72, %dma_start3A_85] : memref<40x128xi32, #tpu.memory_space<vmem>> -> memref<1x64xi32, #tpu.memory_space<vmem>>
        %dma_start3A_87 = tpu.memref_squeeze %dma_start3A_86 : memref<1x64xi32, #tpu.memory_space<vmem>> -> memref<64xi32, #tpu.memory_space<vmem>>
        %dma_start3A_88 = arith.constant 0 : i32
        %dma_start3A_89 = arith.constant 0 : i32
        %dma_start3A_90 = tpu.memref_slice %arg2[%dma_start3A_88, %dma_start3A_89] : memref<10000x128xf32, #tpu.memory_space<hbm>> -> memref<10000x128xf32, #tpu.memory_space<hbm>>
        tpu.enqueue_indirect_dma source(%dma_start3A_90 : memref<10000x128xf32, #tpu.memory_space<hbm>>) target(%dma_start3A_84 : memref<64x128xf32, #tpu.memory_space<vmem>>) offsets(%dma_start3A_87 : memref<64xi32, #tpu.memory_space<vmem>>) semaphore(%arg14 : memref<!tpu.dma_semaphore, #tpu.memory_space<semaphore_mem>>)
        %dma_wait3A = arith.constant 0 : i32
        %dma_wait3A_91 = arith.constant 0 : i32
        %dma_wait3A_92 = tpu.memref_slice %arg9[%dma_wait3A, %dma_wait3A_91] : memref<128x128xf32, #tpu.memory_space<vmem>> -> memref<64x128xf32, #tpu.memory_space<vmem>>
        %dma_wait3A_93 = arith.constant 0 : i32
        %dma_wait3A_94 = tpu.memref_slice %arg7[%mul3A_70, %dma_wait3A_93] : memref<40x128xi32, #tpu.memory_space<vmem>> -> memref<1x64xi32, #tpu.memory_space<vmem>>
        %dma_wait3A_95 = tpu.memref_squeeze %dma_wait3A_94 : memref<1x64xi32, #tpu.memory_space<vmem>> -> memref<64xi32, #tpu.memory_space<vmem>>
        %dma_wait3A_96 = arith.constant 0 : i32
        %dma_wait3A_97 = arith.constant 0 : i32
        %dma_wait3A_98 = tpu.memref_slice %arg2[%dma_wait3A_96, %dma_wait3A_97] : memref<10000x128xf32, #tpu.memory_space<hbm>> -> memref<10000x128xf32, #tpu.memory_space<hbm>>
        tpu.wait_indirect_dma semaphore(%arg11 : memref<!tpu.dma_semaphore, #tpu.memory_space<semaphore_mem>>) src(%dma_wait3A_98 : memref<10000x128xf32, #tpu.memory_space<hbm>>) dst(%dma_wait3A_92 : memref<64x128xf32, #tpu.memory_space<vmem>>)
        %dma_wait3A_99 = arith.constant 64 : i32
        %dma_wait3A_100 = arith.constant 0 : i32
        %dma_wait3A_101 = tpu.memref_slice %arg9[%dma_wait3A_99, %dma_wait3A_100] : memref<128x128xf32, #tpu.memory_space<vmem>> -> memref<64x128xf32, #tpu.memory_space<vmem>>
        %dma_wait3A_102 = arith.constant 64 : i32
        %dma_wait3A_103 = tpu.memref_slice %arg7[%mul3A_70, %dma_wait3A_102] : memref<40x128xi32, #tpu.memory_space<vmem>> -> memref<1x64xi32, #tpu.memory_space<vmem>>
        %dma_wait3A_104 = tpu.memref_squeeze %dma_wait3A_103 : memref<1x64xi32, #tpu.memory_space<vmem>> -> memref<64xi32, #tpu.memory_space<vmem>>
        %dma_wait3A_105 = arith.constant 0 : i32
        %dma_wait3A_106 = arith.constant 0 : i32
        %dma_wait3A_107 = tpu.memref_slice %arg2[%dma_wait3A_105, %dma_wait3A_106] : memref<10000x128xf32, #tpu.memory_space<hbm>> -> memref<10000x128xf32, #tpu.memory_space<hbm>>
        tpu.wait_indirect_dma semaphore(%arg12 : memref<!tpu.dma_semaphore, #tpu.memory_space<semaphore_mem>>) src(%dma_wait3A_107 : memref<10000x128xf32, #tpu.memory_space<hbm>>) dst(%dma_wait3A_101 : memref<64x128xf32, #tpu.memory_space<vmem>>)
        "tpu.region"() ({
          %run_scoped3A = tpu.sem_alloc : memref<!tpu.dma_semaphore, #tpu.memory_space<semaphore_mem>>
          %dma_start3A_131 = arith.constant 0 : i32
          %dma_start3A_132 = tpu.memref_slice %arg8[%mul3A_70, %dma_start3A_131] : memref<40x128xi32, #tpu.memory_space<vmem>> -> memref<1x128xi32, #tpu.memory_space<vmem>>
          %dma_start3A_133 = tpu.memref_squeeze %dma_start3A_132 : memref<1x128xi32, #tpu.memory_space<vmem>> -> memref<128xi32, #tpu.memory_space<vmem>>
          %dma_start3A_134 = arith.constant 0 : i32
          %dma_start3A_135 = arith.constant 0 : i32
          %dma_start3A_136 = tpu.memref_slice %arg6[%dma_start3A_134, %dma_start3A_135] : memref<10128x128xf32, #tpu.memory_space<vmem_shared>> -> memref<10128x128xf32, #tpu.memory_space<vmem_shared>>
          tpu.enqueue_indirect_dma source(%arg9 : memref<128x128xf32, #tpu.memory_space<vmem>>) target(%dma_start3A_136 : memref<10128x128xf32, #tpu.memory_space<vmem_shared>>) offsets(%dma_start3A_133 : memref<128xi32, #tpu.memory_space<vmem>>) semaphore(%run_scoped3A : memref<!tpu.dma_semaphore, #tpu.memory_space<semaphore_mem>>) {add = true}
          %dma_wait3A_137 = arith.constant 0 : i32
          %dma_wait3A_138 = tpu.memref_slice %arg8[%mul3A_70, %dma_wait3A_137] : memref<40x128xi32, #tpu.memory_space<vmem>> -> memref<1x128xi32, #tpu.memory_space<vmem>>
          %dma_wait3A_139 = tpu.memref_squeeze %dma_wait3A_138 : memref<1x128xi32, #tpu.memory_space<vmem>> -> memref<128xi32, #tpu.memory_space<vmem>>
          %dma_wait3A_140 = arith.constant 0 : i32
          %dma_wait3A_141 = arith.constant 0 : i32
          %dma_wait3A_142 = tpu.memref_slice %arg6[%dma_wait3A_140, %dma_wait3A_141] : memref<10128x128xf32, #tpu.memory_space<vmem_shared>> -> memref<10128x128xf32, #tpu.memory_space<vmem_shared>>
          tpu.wait_indirect_dma semaphore(%run_scoped3A : memref<!tpu.dma_semaphore, #tpu.memory_space<semaphore_mem>>) src(%arg9 : memref<128x128xf32, #tpu.memory_space<vmem>>) dst(%dma_wait3A_142 : memref<10128x128xf32, #tpu.memory_space<vmem_shared>>)
          tpu.yield
        }) : () -> ()
        %lt3A_108 = arith.constant 19 : i32
        %lt3A_109 = arith.cmpi slt, %scan3A_68, %lt3A_108 : i32
        %convert_element_type3A_110 = arith.extui %lt3A_109 : i1 to i32
        %cond3A_111 = arith.constant 0 : i32
        %cond3A_112 = arith.cmpi ne, %convert_element_type3A_110, %cond3A_111 : i32
        scf.if %cond3A_112 {
          %add3A_131 = arith.constant 2 : i32
          %add3A_132 = arith.addi %mul3A_70, %add3A_131 : i32
          %dma_start3A_133 = arith.constant 0 : i32
          %dma_start3A_134 = arith.constant 0 : i32
          %dma_start3A_135 = tpu.memref_slice %arg9[%dma_start3A_133, %dma_start3A_134] : memref<128x128xf32, #tpu.memory_space<vmem>> -> memref<64x128xf32, #tpu.memory_space<vmem>>
          %dma_start3A_136 = arith.constant 0 : i32
          %dma_start3A_137 = tpu.memref_slice %arg7[%add3A_132, %dma_start3A_136] : memref<40x128xi32, #tpu.memory_space<vmem>> -> memref<1x64xi32, #tpu.memory_space<vmem>>
          %dma_start3A_138 = tpu.memref_squeeze %dma_start3A_137 : memref<1x64xi32, #tpu.memory_space<vmem>> -> memref<64xi32, #tpu.memory_space<vmem>>
          %dma_start3A_139 = arith.constant 0 : i32
          %dma_start3A_140 = arith.constant 0 : i32
          %dma_start3A_141 = tpu.memref_slice %arg2[%dma_start3A_139, %dma_start3A_140] : memref<10000x128xf32, #tpu.memory_space<hbm>> -> memref<10000x128xf32, #tpu.memory_space<hbm>>
          tpu.enqueue_indirect_dma source(%dma_start3A_141 : memref<10000x128xf32, #tpu.memory_space<hbm>>) target(%dma_start3A_135 : memref<64x128xf32, #tpu.memory_space<vmem>>) offsets(%dma_start3A_138 : memref<64xi32, #tpu.memory_space<vmem>>) semaphore(%arg11 : memref<!tpu.dma_semaphore, #tpu.memory_space<semaphore_mem>>)
          %dma_start3A_142 = arith.constant 64 : i32
          %dma_start3A_143 = arith.constant 0 : i32
          %dma_start3A_144 = tpu.memref_slice %arg9[%dma_start3A_142, %dma_start3A_143] : memref<128x128xf32, #tpu.memory_space<vmem>> -> memref<64x128xf32, #tpu.memory_space<vmem>>
          %dma_start3A_145 = arith.constant 64 : i32
          %dma_start3A_146 = tpu.memref_slice %arg7[%add3A_132, %dma_start3A_145] : memref<40x128xi32, #tpu.memory_space<vmem>> -> memref<1x64xi32, #tpu.memory_space<vmem>>
          %dma_start3A_147 = tpu.memref_squeeze %dma_start3A_146 : memref<1x64xi32, #tpu.memory_space<vmem>> -> memref<64xi32, #tpu.memory_space<vmem>>
          %dma_start3A_148 = arith.constant 0 : i32
          %dma_start3A_149 = arith.constant 0 : i32
          %dma_start3A_150 = tpu.memref_slice %arg2[%dma_start3A_148, %dma_start3A_149] : memref<10000x128xf32, #tpu.memory_space<hbm>> -> memref<10000x128xf32, #tpu.memory_space<hbm>>
          tpu.enqueue_indirect_dma source(%dma_start3A_150 : memref<10000x128xf32, #tpu.memory_space<hbm>>) target(%dma_start3A_144 : memref<64x128xf32, #tpu.memory_space<vmem>>) offsets(%dma_start3A_147 : memref<64xi32, #tpu.memory_space<vmem>>) semaphore(%arg12 : memref<!tpu.dma_semaphore, #tpu.memory_space<semaphore_mem>>)
        } else {
        }
        %dma_wait3A_113 = arith.constant 0 : i32
        %dma_wait3A_114 = arith.constant 0 : i32
        %dma_wait3A_115 = tpu.memref_slice %arg10[%dma_wait3A_113, %dma_wait3A_114] : memref<128x128xf32, #tpu.memory_space<vmem>> -> memref<64x128xf32, #tpu.memory_space<vmem>>
        %dma_wait3A_116 = arith.constant 0 : i32
        %dma_wait3A_117 = tpu.memref_slice %arg7[%add3A_72, %dma_wait3A_116] : memref<40x128xi32, #tpu.memory_space<vmem>> -> memref<1x64xi32, #tpu.memory_space<vmem>>
        %dma_wait3A_118 = tpu.memref_squeeze %dma_wait3A_117 : memref<1x64xi32, #tpu.memory_space<vmem>> -> memref<64xi32, #tpu.memory_space<vmem>>
        %dma_wait3A_119 = arith.constant 0 : i32
        %dma_wait3A_120 = arith.constant 0 : i32
        %dma_wait3A_121 = tpu.memref_slice %arg2[%dma_wait3A_119, %dma_wait3A_120] : memref<10000x128xf32, #tpu.memory_space<hbm>> -> memref<10000x128xf32, #tpu.memory_space<hbm>>
        tpu.wait_indirect_dma semaphore(%arg13 : memref<!tpu.dma_semaphore, #tpu.memory_space<semaphore_mem>>) src(%dma_wait3A_121 : memref<10000x128xf32, #tpu.memory_space<hbm>>) dst(%dma_wait3A_115 : memref<64x128xf32, #tpu.memory_space<vmem>>)
        %dma_wait3A_122 = arith.constant 64 : i32
        %dma_wait3A_123 = arith.constant 0 : i32
        %dma_wait3A_124 = tpu.memref_slice %arg10[%dma_wait3A_122, %dma_wait3A_123] : memref<128x128xf32, #tpu.memory_space<vmem>> -> memref<64x128xf32, #tpu.memory_space<vmem>>
        %dma_wait3A_125 = arith.constant 64 : i32
        %dma_wait3A_126 = tpu.memref_slice %arg7[%add3A_72, %dma_wait3A_125] : memref<40x128xi32, #tpu.memory_space<vmem>> -> memref<1x64xi32, #tpu.memory_space<vmem>>
        %dma_wait3A_127 = tpu.memref_squeeze %dma_wait3A_126 : memref<1x64xi32, #tpu.memory_space<vmem>> -> memref<64xi32, #tpu.memory_space<vmem>>
        %dma_wait3A_128 = arith.constant 0 : i32
        %dma_wait3A_129 = arith.constant 0 : i32
        %dma_wait3A_130 = tpu.memref_slice %arg2[%dma_wait3A_128, %dma_wait3A_129] : memref<10000x128xf32, #tpu.memory_space<hbm>> -> memref<10000x128xf32, #tpu.memory_space<hbm>>
        tpu.wait_indirect_dma semaphore(%arg14 : memref<!tpu.dma_semaphore, #tpu.memory_space<semaphore_mem>>) src(%dma_wait3A_130 : memref<10000x128xf32, #tpu.memory_space<hbm>>) dst(%dma_wait3A_124 : memref<64x128xf32, #tpu.memory_space<vmem>>)
        "tpu.region"() ({
          %run_scoped3A = tpu.sem_alloc : memref<!tpu.dma_semaphore, #tpu.memory_space<semaphore_mem>>
          %dma_start3A_131 = arith.constant 0 : i32
          %dma_start3A_132 = tpu.memref_slice %arg8[%add3A_72, %dma_start3A_131] : memref<40x128xi32, #tpu.memory_space<vmem>> -> memref<1x128xi32, #tpu.memory_space<vmem>>
          %dma_start3A_133 = tpu.memref_squeeze %dma_start3A_132 : memref<1x128xi32, #tpu.memory_space<vmem>> -> memref<128xi32, #tpu.memory_space<vmem>>
          %dma_start3A_134 = arith.constant 0 : i32
          %dma_start3A_135 = arith.constant 0 : i32
          %dma_start3A_136 = tpu.memref_slice %arg6[%dma_start3A_134, %dma_start3A_135] : memref<10128x128xf32, #tpu.memory_space<vmem_shared>> -> memref<10128x128xf32, #tpu.memory_space<vmem_shared>>
          tpu.enqueue_indirect_dma source(%arg10 : memref<128x128xf32, #tpu.memory_space<vmem>>) target(%dma_start3A_136 : memref<10128x128xf32, #tpu.memory_space<vmem_shared>>) offsets(%dma_start3A_133 : memref<128xi32, #tpu.memory_space<vmem>>) semaphore(%run_scoped3A : memref<!tpu.dma_semaphore, #tpu.memory_space<semaphore_mem>>) {add = true}
          %dma_wait3A_137 = arith.constant 0 : i32
          %dma_wait3A_138 = tpu.memref_slice %arg8[%add3A_72, %dma_wait3A_137] : memref<40x128xi32, #tpu.memory_space<vmem>> -> memref<1x128xi32, #tpu.memory_space<vmem>>
          %dma_wait3A_139 = tpu.memref_squeeze %dma_wait3A_138 : memref<1x128xi32, #tpu.memory_space<vmem>> -> memref<128xi32, #tpu.memory_space<vmem>>
          %dma_wait3A_140 = arith.constant 0 : i32
          %dma_wait3A_141 = arith.constant 0 : i32
          %dma_wait3A_142 = tpu.memref_slice %arg6[%dma_wait3A_140, %dma_wait3A_141] : memref<10128x128xf32, #tpu.memory_space<vmem_shared>> -> memref<10128x128xf32, #tpu.memory_space<vmem_shared>>
          tpu.wait_indirect_dma semaphore(%run_scoped3A : memref<!tpu.dma_semaphore, #tpu.memory_space<semaphore_mem>>) src(%arg10 : memref<128x128xf32, #tpu.memory_space<vmem>>) dst(%dma_wait3A_142 : memref<10128x128xf32, #tpu.memory_space<vmem_shared>>)
          tpu.yield
        }) : () -> ()
      }
      %scan3A_67 = arith.constant 20 : i32
    }
    %scan3A_28 = arith.constant 2 : i32
    %barrier3A_29 = arith.constant 0 : index
    tpu.barrier barrier_id(%barrier3A_29)
    %mul3A_30 = arith.constant 624 : i32
    %mul3A_31 = arith.muli %arg1, %mul3A_30 : i32
    "tpu.region"() ({
      %run_scoped3A = tpu.sem_alloc : memref<!tpu.dma_semaphore, #tpu.memory_space<semaphore_mem>>
      %dma_start3A = arith.constant 0 : i32
      %dma_start3A_37 = tpu.memref_slice %arg5[%arg0, %mul3A_31, %dma_start3A] : memref<2x10000x128xf32, #tpu.memory_space<hbm>> -> memref<1x624x128xf32, #tpu.memory_space<hbm>>
      %dma_start3A_38 = tpu.memref_squeeze %dma_start3A_37 : memref<1x624x128xf32, #tpu.memory_space<hbm>> -> memref<624x128xf32, #tpu.memory_space<hbm>>
      %dma_start3A_39 = arith.constant 0 : i32
      %dma_start3A_40 = tpu.memref_slice %arg6[%mul3A_31, %dma_start3A_39] : memref<10128x128xf32, #tpu.memory_space<vmem_shared>> -> memref<624x128xf32, #tpu.memory_space<vmem_shared>>
      tpu.enqueue_dma source(%dma_start3A_40 : memref<624x128xf32, #tpu.memory_space<vmem_shared>>) target(%dma_start3A_38 : memref<624x128xf32, #tpu.memory_space<hbm>>) target_semaphore(%run_scoped3A : memref<!tpu.dma_semaphore, #tpu.memory_space<semaphore_mem>>)
      %dma_wait3A = arith.constant 0 : i32
      %dma_wait3A_41 = tpu.memref_slice %arg5[%arg0, %mul3A_31, %dma_wait3A] : memref<2x10000x128xf32, #tpu.memory_space<hbm>> -> memref<1x624x128xf32, #tpu.memory_space<hbm>>
      %dma_wait3A_42 = tpu.memref_squeeze %dma_wait3A_41 : memref<1x624x128xf32, #tpu.memory_space<hbm>> -> memref<624x128xf32, #tpu.memory_space<hbm>>
      %dma_wait3A_43 = arith.constant 0 : i32
      %dma_wait3A_44 = tpu.memref_slice %arg6[%mul3A_31, %dma_wait3A_43] : memref<10128x128xf32, #tpu.memory_space<vmem_shared>> -> memref<624x128xf32, #tpu.memory_space<vmem_shared>>
      tpu.wait_dma2 semaphore(%run_scoped3A : memref<!tpu.dma_semaphore, #tpu.memory_space<semaphore_mem>>) src(%dma_wait3A_44 : memref<624x128xf32, #tpu.memory_space<vmem_shared>>) dst(%dma_wait3A_42 : memref<624x128xf32, #tpu.memory_space<hbm>>)
      tpu.yield
    }) : () -> ()
    %eq3A_32 = arith.constant 15 : i32
    %eq3A_33 = arith.cmpi eq, %arg1, %eq3A_32 : i32
    %convert_element_type3A_34 = arith.extui %eq3A_33 : i1 to i32
    %cond3A_35 = arith.constant 0 : i32
    %cond3A_36 = arith.cmpi ne, %convert_element_type3A_34, %cond3A_35 : i32
    scf.if %cond3A_36 {
      "tpu.region"() ({
        %run_scoped3A = tpu.sem_alloc : memref<!tpu.dma_semaphore, #tpu.memory_space<semaphore_mem>>
        %dma_start3A = arith.constant 9984 : i32
        %dma_start3A_37 = arith.constant 0 : i32
        %dma_start3A_38 = tpu.memref_slice %arg5[%arg0, %dma_start3A, %dma_start3A_37] : memref<2x10000x128xf32, #tpu.memory_space<hbm>> -> memref<1x16x128xf32, #tpu.memory_space<hbm>>
        %dma_start3A_39 = tpu.memref_squeeze %dma_start3A_38 : memref<1x16x128xf32, #tpu.memory_space<hbm>> -> memref<16x128xf32, #tpu.memory_space<hbm>>
        %dma_start3A_40 = arith.constant 9984 : i32
        %dma_start3A_41 = arith.constant 0 : i32
        %dma_start3A_42 = tpu.memref_slice %arg6[%dma_start3A_40, %dma_start3A_41] : memref<10128x128xf32, #tpu.memory_space<vmem_shared>> -> memref<16x128xf32, #tpu.memory_space<vmem_shared>>
        tpu.enqueue_dma source(%dma_start3A_42 : memref<16x128xf32, #tpu.memory_space<vmem_shared>>) target(%dma_start3A_39 : memref<16x128xf32, #tpu.memory_space<hbm>>) target_semaphore(%run_scoped3A : memref<!tpu.dma_semaphore, #tpu.memory_space<semaphore_mem>>)
        %dma_wait3A = arith.constant 9984 : i32
        %dma_wait3A_43 = arith.constant 0 : i32
        %dma_wait3A_44 = tpu.memref_slice %arg5[%arg0, %dma_wait3A, %dma_wait3A_43] : memref<2x10000x128xf32, #tpu.memory_space<hbm>> -> memref<1x16x128xf32, #tpu.memory_space<hbm>>
        %dma_wait3A_45 = tpu.memref_squeeze %dma_wait3A_44 : memref<1x16x128xf32, #tpu.memory_space<hbm>> -> memref<16x128xf32, #tpu.memory_space<hbm>>
        %dma_wait3A_46 = arith.constant 9984 : i32
        %dma_wait3A_47 = arith.constant 0 : i32
        %dma_wait3A_48 = tpu.memref_slice %arg6[%dma_wait3A_46, %dma_wait3A_47] : memref<10128x128xf32, #tpu.memory_space<vmem_shared>> -> memref<16x128xf32, #tpu.memory_space<vmem_shared>>
        tpu.wait_dma2 semaphore(%run_scoped3A : memref<!tpu.dma_semaphore, #tpu.memory_space<semaphore_mem>>) src(%dma_wait3A_48 : memref<16x128xf32, #tpu.memory_space<vmem_shared>>) dst(%dma_wait3A_45 : memref<16x128xf32, #tpu.memory_space<hbm>>)
        tpu.yield
      }) : () -> ()
    } else {
    }
    return
  }
}

#map = affine_map<(d0, d1) -> (0, 0)>
#map1 = affine_map<(d0, d1) -> (0, 0, 0)>
module attributes {stable_mosaic.version = 14 : i64} {
  func.func @body(%arg0: i32, %arg1: i32, %arg2: memref<2560x128xi32, #tpu.memory_space<hbm>>, %arg3: memref<2x10000x128xf32, #tpu.memory_space<hbm>>, %arg4: memref<10128x128xf32, #tpu.memory_space<vmem_shared>>, %arg5: memref<80x128xi32, #tpu.memory_space<vmem>>, %arg6: memref<128x128xf32, #tpu.memory_space<vmem>>, %arg7: memref<128x128xf32, #tpu.memory_space<vmem>>) attributes {dimension_semantics = [#tpu.dimension_semantics<core_parallel>, #tpu.dimension_semantics<subcore_parallel>], iteration_bounds = array<i64: 2, 16>, scalar_prefetch = 0 : i64, scratch_operands = 4 : i64, tpu.core_type = #tpu.core_type<sc_vector_subcore>, window_params = [{transform_indices = #map}, {transform_indices = #map1}]} {
    %mul3A = arith.constant 16 : i32
    %mul3A_0 = arith.muli %arg0, %mul3A : i32
    %add3A = arith.addi %mul3A_0, %arg1 : i32
    %iota3A = tpu.iota {dimensions = array<i32: 0>} : vector<16xi32>
    %eq3A = arith.constant 0 : i32
    %eq3A_1 = vector.broadcast %eq3A : i32 to vector<16xi32>
    %eq3A_2 = arith.cmpi eq, %iota3A, %eq3A_1 : vector<16xi32>
    %jit3A = arith.constant 1.000000e+00 : f32
    %jit3A_3 = arith.constant 0.000000e+00 : f32
    %broadcast_in_dim3A = vector.broadcast %jit3A : f32 to vector<16xf32>
    %broadcast_in_dim3A_4 = vector.broadcast %jit3A_3 : f32 to vector<16xf32>
    %select_n3A = arith.select %eq3A_2, %broadcast_in_dim3A, %broadcast_in_dim3A_4 : vector<16xi1>, vector<16xf32>
    %broadcast_in_dim3A_5 = arith.constant 0.000000e+00 : f32
    %broadcast_in_dim3A_6 = vector.broadcast %broadcast_in_dim3A_5 : f32 to vector<16xf32>
    %scan3A = arith.constant 0 : i32
    %scan3A_7 = arith.constant 0 : i32
    %scan3A_8 = arith.constant 128 : i32
    %scan3A_9 = arith.addi %scan3A_7, %scan3A_8 : i32
    %scan3A_10 = arith.constant 1 : i32
    scf.for %scan3A_53 = %scan3A_7 to %scan3A_9 step %scan3A_10  : i32 {
      %swap3A = arith.index_cast %scan3A_53 : i32 to index
      %swap3A_54 = arith.constant 0 : index
      %swap3A_55 = tpu.vector_load %arg6[%swap3A, %swap3A_54] {strides = array<i32>} : memref<128x128xf32, #tpu.memory_space<vmem>>, vector<1x16xf32>,
      %swap3A_56 = vector.shape_cast %swap3A_55 : vector<1x16xf32> to vector<16xf32>
      %swap3A_57 = vector.shape_cast %select_n3A : vector<16xf32> to vector<1x16xf32>
      tpu.vector_store %arg6[%swap3A, %swap3A_54], %swap3A_57 {strides = array<i32>} : memref<128x128xf32, #tpu.memory_space<vmem>>, vector<1x16xf32>,
      %swap3A_58 = arith.index_cast %scan3A_53 : i32 to index
      %swap3A_59 = arith.constant 16 : index
      %swap3A_60 = tpu.vector_load %arg6[%swap3A_58, %swap3A_59] {strides = array<i32>} : memref<128x128xf32, #tpu.memory_space<vmem>>, vector<1x16xf32>,
      %swap3A_61 = vector.shape_cast %swap3A_60 : vector<1x16xf32> to vector<16xf32>
      %swap3A_62 = vector.shape_cast %broadcast_in_dim3A_6 : vector<16xf32> to vector<1x16xf32>
      tpu.vector_store %arg6[%swap3A_58, %swap3A_59], %swap3A_62 {strides = array<i32>} : memref<128x128xf32, #tpu.memory_space<vmem>>, vector<1x16xf32>,
      %swap3A_63 = arith.index_cast %scan3A_53 : i32 to index
      %swap3A_64 = arith.constant 32 : index
      %swap3A_65 = tpu.vector_load %arg6[%swap3A_63, %swap3A_64] {strides = array<i32>} : memref<128x128xf32, #tpu.memory_space<vmem>>, vector<1x16xf32>,
      %swap3A_66 = vector.shape_cast %swap3A_65 : vector<1x16xf32> to vector<16xf32>
      %swap3A_67 = vector.shape_cast %broadcast_in_dim3A_6 : vector<16xf32> to vector<1x16xf32>
      tpu.vector_store %arg6[%swap3A_63, %swap3A_64], %swap3A_67 {strides = array<i32>} : memref<128x128xf32, #tpu.memory_space<vmem>>, vector<1x16xf32>,
      %swap3A_68 = arith.index_cast %scan3A_53 : i32 to index
      %swap3A_69 = arith.constant 48 : index
      %swap3A_70 = tpu.vector_load %arg6[%swap3A_68, %swap3A_69] {strides = array<i32>} : memref<128x128xf32, #tpu.memory_space<vmem>>, vector<1x16xf32>,
      %swap3A_71 = vector.shape_cast %swap3A_70 : vector<1x16xf32> to vector<16xf32>
      %swap3A_72 = vector.shape_cast %broadcast_in_dim3A_6 : vector<16xf32> to vector<1x16xf32>
      tpu.vector_store %arg6[%swap3A_68, %swap3A_69], %swap3A_72 {strides = array<i32>} : memref<128x128xf32, #tpu.memory_space<vmem>>, vector<1x16xf32>,
      %swap3A_73 = arith.index_cast %scan3A_53 : i32 to index
      %swap3A_74 = arith.constant 64 : index
      %swap3A_75 = tpu.vector_load %arg6[%swap3A_73, %swap3A_74] {strides = array<i32>} : memref<128x128xf32, #tpu.memory_space<vmem>>, vector<1x16xf32>,
      %swap3A_76 = vector.shape_cast %swap3A_75 : vector<1x16xf32> to vector<16xf32>
      %swap3A_77 = vector.shape_cast %broadcast_in_dim3A_6 : vector<16xf32> to vector<1x16xf32>
      tpu.vector_store %arg6[%swap3A_73, %swap3A_74], %swap3A_77 {strides = array<i32>} : memref<128x128xf32, #tpu.memory_space<vmem>>, vector<1x16xf32>,
      %swap3A_78 = arith.index_cast %scan3A_53 : i32 to index
      %swap3A_79 = arith.constant 80 : index
      %swap3A_80 = tpu.vector_load %arg6[%swap3A_78, %swap3A_79] {strides = array<i32>} : memref<128x128xf32, #tpu.memory_space<vmem>>, vector<1x16xf32>,
      %swap3A_81 = vector.shape_cast %swap3A_80 : vector<1x16xf32> to vector<16xf32>
      %swap3A_82 = vector.shape_cast %broadcast_in_dim3A_6 : vector<16xf32> to vector<1x16xf32>
      tpu.vector_store %arg6[%swap3A_78, %swap3A_79], %swap3A_82 {strides = array<i32>} : memref<128x128xf32, #tpu.memory_space<vmem>>, vector<1x16xf32>,
      %swap3A_83 = arith.index_cast %scan3A_53 : i32 to index
      %swap3A_84 = arith.constant 96 : index
      %swap3A_85 = tpu.vector_load %arg6[%swap3A_83, %swap3A_84] {strides = array<i32>} : memref<128x128xf32, #tpu.memory_space<vmem>>, vector<1x16xf32>,
      %swap3A_86 = vector.shape_cast %swap3A_85 : vector<1x16xf32> to vector<16xf32>
      %swap3A_87 = vector.shape_cast %broadcast_in_dim3A_6 : vector<16xf32> to vector<1x16xf32>
      tpu.vector_store %arg6[%swap3A_83, %swap3A_84], %swap3A_87 {strides = array<i32>} : memref<128x128xf32, #tpu.memory_space<vmem>>, vector<1x16xf32>,
      %swap3A_88 = arith.index_cast %scan3A_53 : i32 to index
      %swap3A_89 = arith.constant 112 : index
      %swap3A_90 = tpu.vector_load %arg6[%swap3A_88, %swap3A_89] {strides = array<i32>} : memref<128x128xf32, #tpu.memory_space<vmem>>, vector<1x16xf32>,
      %swap3A_91 = vector.shape_cast %swap3A_90 : vector<1x16xf32> to vector<16xf32>
      %swap3A_92 = vector.shape_cast %broadcast_in_dim3A_6 : vector<16xf32> to vector<1x16xf32>
      tpu.vector_store %arg6[%swap3A_88, %swap3A_89], %swap3A_92 {strides = array<i32>} : memref<128x128xf32, #tpu.memory_space<vmem>>, vector<1x16xf32>,
    }
    %scan3A_11 = arith.constant 128 : i32
    %broadcast_in_dim3A_12 = arith.constant 0.000000e+00 : f32
    %broadcast_in_dim3A_13 = vector.broadcast %broadcast_in_dim3A_12 : f32 to vector<16xf32>
    %scan3A_14 = arith.constant 0 : i32
    %scan3A_15 = arith.constant 0 : i32
    %scan3A_16 = arith.constant 128 : i32
    %scan3A_17 = arith.addi %scan3A_15, %scan3A_16 : i32
    %scan3A_18 = arith.constant 1 : i32
    scf.for %scan3A_53 = %scan3A_15 to %scan3A_17 step %scan3A_18  : i32 {
      %swap3A = arith.index_cast %scan3A_53 : i32 to index
      %swap3A_54 = arith.constant 0 : index
      %swap3A_55 = tpu.vector_load %arg7[%swap3A, %swap3A_54] {strides = array<i32>} : memref<128x128xf32, #tpu.memory_space<vmem>>, vector<1x16xf32>,
      %swap3A_56 = vector.shape_cast %swap3A_55 : vector<1x16xf32> to vector<16xf32>
      %swap3A_57 = vector.shape_cast %broadcast_in_dim3A_13 : vector<16xf32> to vector<1x16xf32>
      tpu.vector_store %arg7[%swap3A, %swap3A_54], %swap3A_57 {strides = array<i32>} : memref<128x128xf32, #tpu.memory_space<vmem>>, vector<1x16xf32>,
      %swap3A_58 = arith.index_cast %scan3A_53 : i32 to index
      %swap3A_59 = arith.constant 16 : index
      %swap3A_60 = tpu.vector_load %arg7[%swap3A_58, %swap3A_59] {strides = array<i32>} : memref<128x128xf32, #tpu.memory_space<vmem>>, vector<1x16xf32>,
      %swap3A_61 = vector.shape_cast %swap3A_60 : vector<1x16xf32> to vector<16xf32>
      %swap3A_62 = vector.shape_cast %broadcast_in_dim3A_13 : vector<16xf32> to vector<1x16xf32>
      tpu.vector_store %arg7[%swap3A_58, %swap3A_59], %swap3A_62 {strides = array<i32>} : memref<128x128xf32, #tpu.memory_space<vmem>>, vector<1x16xf32>,
      %swap3A_63 = arith.index_cast %scan3A_53 : i32 to index
      %swap3A_64 = arith.constant 32 : index
      %swap3A_65 = tpu.vector_load %arg7[%swap3A_63, %swap3A_64] {strides = array<i32>} : memref<128x128xf32, #tpu.memory_space<vmem>>, vector<1x16xf32>,
      %swap3A_66 = vector.shape_cast %swap3A_65 : vector<1x16xf32> to vector<16xf32>
      %swap3A_67 = vector.shape_cast %broadcast_in_dim3A_13 : vector<16xf32> to vector<1x16xf32>
      tpu.vector_store %arg7[%swap3A_63, %swap3A_64], %swap3A_67 {strides = array<i32>} : memref<128x128xf32, #tpu.memory_space<vmem>>, vector<1x16xf32>,
      %swap3A_68 = arith.index_cast %scan3A_53 : i32 to index
      %swap3A_69 = arith.constant 48 : index
      %swap3A_70 = tpu.vector_load %arg7[%swap3A_68, %swap3A_69] {strides = array<i32>} : memref<128x128xf32, #tpu.memory_space<vmem>>, vector<1x16xf32>,
      %swap3A_71 = vector.shape_cast %swap3A_70 : vector<1x16xf32> to vector<16xf32>
      %swap3A_72 = vector.shape_cast %broadcast_in_dim3A_13 : vector<16xf32> to vector<1x16xf32>
      tpu.vector_store %arg7[%swap3A_68, %swap3A_69], %swap3A_72 {strides = array<i32>} : memref<128x128xf32, #tpu.memory_space<vmem>>, vector<1x16xf32>,
      %swap3A_73 = arith.index_cast %scan3A_53 : i32 to index
      %swap3A_74 = arith.constant 64 : index
      %swap3A_75 = tpu.vector_load %arg7[%swap3A_73, %swap3A_74] {strides = array<i32>} : memref<128x128xf32, #tpu.memory_space<vmem>>, vector<1x16xf32>,
      %swap3A_76 = vector.shape_cast %swap3A_75 : vector<1x16xf32> to vector<16xf32>
      %swap3A_77 = vector.shape_cast %broadcast_in_dim3A_13 : vector<16xf32> to vector<1x16xf32>
      tpu.vector_store %arg7[%swap3A_73, %swap3A_74], %swap3A_77 {strides = array<i32>} : memref<128x128xf32, #tpu.memory_space<vmem>>, vector<1x16xf32>,
      %swap3A_78 = arith.index_cast %scan3A_53 : i32 to index
      %swap3A_79 = arith.constant 80 : index
      %swap3A_80 = tpu.vector_load %arg7[%swap3A_78, %swap3A_79] {strides = array<i32>} : memref<128x128xf32, #tpu.memory_space<vmem>>, vector<1x16xf32>,
      %swap3A_81 = vector.shape_cast %swap3A_80 : vector<1x16xf32> to vector<16xf32>
      %swap3A_82 = vector.shape_cast %broadcast_in_dim3A_13 : vector<16xf32> to vector<1x16xf32>
      tpu.vector_store %arg7[%swap3A_78, %swap3A_79], %swap3A_82 {strides = array<i32>} : memref<128x128xf32, #tpu.memory_space<vmem>>, vector<1x16xf32>,
      %swap3A_83 = arith.index_cast %scan3A_53 : i32 to index
      %swap3A_84 = arith.constant 96 : index
      %swap3A_85 = tpu.vector_load %arg7[%swap3A_83, %swap3A_84] {strides = array<i32>} : memref<128x128xf32, #tpu.memory_space<vmem>>, vector<1x16xf32>,
      %swap3A_86 = vector.shape_cast %swap3A_85 : vector<1x16xf32> to vector<16xf32>
      %swap3A_87 = vector.shape_cast %broadcast_in_dim3A_13 : vector<16xf32> to vector<1x16xf32>
      tpu.vector_store %arg7[%swap3A_83, %swap3A_84], %swap3A_87 {strides = array<i32>} : memref<128x128xf32, #tpu.memory_space<vmem>>, vector<1x16xf32>,
      %swap3A_88 = arith.index_cast %scan3A_53 : i32 to index
      %swap3A_89 = arith.constant 112 : index
      %swap3A_90 = tpu.vector_load %arg7[%swap3A_88, %swap3A_89] {strides = array<i32>} : memref<128x128xf32, #tpu.memory_space<vmem>>, vector<1x16xf32>,
      %swap3A_91 = vector.shape_cast %swap3A_90 : vector<1x16xf32> to vector<16xf32>
      %swap3A_92 = vector.shape_cast %broadcast_in_dim3A_13 : vector<16xf32> to vector<1x16xf32>
      tpu.vector_store %arg7[%swap3A_88, %swap3A_89], %swap3A_92 {strides = array<i32>} : memref<128x128xf32, #tpu.memory_space<vmem>>, vector<1x16xf32>,
    }
    %scan3A_19 = arith.constant 128 : i32
    %mul3A_20 = arith.constant 632 : i32
    %mul3A_21 = arith.muli %arg1, %mul3A_20 : i32
    %add3A_22 = arith.constant 0 : i32
    %add3A_23 = arith.addi %mul3A_21, %add3A_22 : i32
    "tpu.region"() ({
      %run_scoped3A = tpu.sem_alloc : memref<!tpu.dma_semaphore, #tpu.memory_space<semaphore_mem>>
      %dma_start3A = arith.constant 0 : i32
      %dma_start3A_53 = tpu.memref_slice %arg4[%add3A_23, %dma_start3A] : memref<10128x128xf32, #tpu.memory_space<vmem_shared>> -> memref<128x128xf32, #tpu.memory_space<vmem_shared>>
      %dma_start3A_54 = arith.constant 0 : i32
      %dma_start3A_55 = tpu.memref_slice %arg4[%add3A_23, %dma_start3A_54] : memref<10128x128xf32, #tpu.memory_space<vmem_shared>> -> memref<128x128xf32, #tpu.memory_space<vmem_shared>>
      tpu.enqueue_dma source(%arg7 : memref<128x128xf32, #tpu.memory_space<vmem>>) target(%dma_start3A_55 : memref<128x128xf32, #tpu.memory_space<vmem_shared>>) target_semaphore(%run_scoped3A : memref<!tpu.dma_semaphore, #tpu.memory_space<semaphore_mem>>)
      %dma_wait3A = arith.constant 0 : i32
      %dma_wait3A_56 = tpu.memref_slice %arg4[%add3A_23, %dma_wait3A] : memref<10128x128xf32, #tpu.memory_space<vmem_shared>> -> memref<128x128xf32, #tpu.memory_space<vmem_shared>>
      %dma_wait3A_57 = arith.constant 0 : i32
      %dma_wait3A_58 = tpu.memref_slice %arg4[%add3A_23, %dma_wait3A_57] : memref<10128x128xf32, #tpu.memory_space<vmem_shared>> -> memref<128x128xf32, #tpu.memory_space<vmem_shared>>
      tpu.wait_dma2 semaphore(%run_scoped3A : memref<!tpu.dma_semaphore, #tpu.memory_space<semaphore_mem>>) src(%arg7 : memref<128x128xf32, #tpu.memory_space<vmem>>) dst(%dma_wait3A_58 : memref<128x128xf32, #tpu.memory_space<vmem_shared>>)
      tpu.yield
    }) : () -> ()
    %add3A_24 = arith.constant 128 : i32
    %add3A_25 = arith.addi %mul3A_21, %add3A_24 : i32
    "tpu.region"() ({
      %run_scoped3A = tpu.sem_alloc : memref<!tpu.dma_semaphore, #tpu.memory_space<semaphore_mem>>
      %dma_start3A = arith.constant 0 : i32
      %dma_start3A_53 = tpu.memref_slice %arg4[%add3A_25, %dma_start3A] : memref<10128x128xf32, #tpu.memory_space<vmem_shared>> -> memref<128x128xf32, #tpu.memory_space<vmem_shared>>
      %dma_start3A_54 = arith.constant 0 : i32
      %dma_start3A_55 = tpu.memref_slice %arg4[%add3A_25, %dma_start3A_54] : memref<10128x128xf32, #tpu.memory_space<vmem_shared>> -> memref<128x128xf32, #tpu.memory_space<vmem_shared>>
      tpu.enqueue_dma source(%arg7 : memref<128x128xf32, #tpu.memory_space<vmem>>) target(%dma_start3A_55 : memref<128x128xf32, #tpu.memory_space<vmem_shared>>) target_semaphore(%run_scoped3A : memref<!tpu.dma_semaphore, #tpu.memory_space<semaphore_mem>>)
      %dma_wait3A = arith.constant 0 : i32
      %dma_wait3A_56 = tpu.memref_slice %arg4[%add3A_25, %dma_wait3A] : memref<10128x128xf32, #tpu.memory_space<vmem_shared>> -> memref<128x128xf32, #tpu.memory_space<vmem_shared>>
      %dma_wait3A_57 = arith.constant 0 : i32
      %dma_wait3A_58 = tpu.memref_slice %arg4[%add3A_25, %dma_wait3A_57] : memref<10128x128xf32, #tpu.memory_space<vmem_shared>> -> memref<128x128xf32, #tpu.memory_space<vmem_shared>>
      tpu.wait_dma2 semaphore(%run_scoped3A : memref<!tpu.dma_semaphore, #tpu.memory_space<semaphore_mem>>) src(%arg7 : memref<128x128xf32, #tpu.memory_space<vmem>>) dst(%dma_wait3A_58 : memref<128x128xf32, #tpu.memory_space<vmem_shared>>)
      tpu.yield
    }) : () -> ()
    %add3A_26 = arith.constant 256 : i32
    %add3A_27 = arith.addi %mul3A_21, %add3A_26 : i32
    "tpu.region"() ({
      %run_scoped3A = tpu.sem_alloc : memref<!tpu.dma_semaphore, #tpu.memory_space<semaphore_mem>>
      %dma_start3A = arith.constant 0 : i32
      %dma_start3A_53 = tpu.memref_slice %arg4[%add3A_27, %dma_start3A] : memref<10128x128xf32, #tpu.memory_space<vmem_shared>> -> memref<128x128xf32, #tpu.memory_space<vmem_shared>>
      %dma_start3A_54 = arith.constant 0 : i32
      %dma_start3A_55 = tpu.memref_slice %arg4[%add3A_27, %dma_start3A_54] : memref<10128x128xf32, #tpu.memory_space<vmem_shared>> -> memref<128x128xf32, #tpu.memory_space<vmem_shared>>
      tpu.enqueue_dma source(%arg7 : memref<128x128xf32, #tpu.memory_space<vmem>>) target(%dma_start3A_55 : memref<128x128xf32, #tpu.memory_space<vmem_shared>>) target_semaphore(%run_scoped3A : memref<!tpu.dma_semaphore, #tpu.memory_space<semaphore_mem>>)
      %dma_wait3A = arith.constant 0 : i32
      %dma_wait3A_56 = tpu.memref_slice %arg4[%add3A_27, %dma_wait3A] : memref<10128x128xf32, #tpu.memory_space<vmem_shared>> -> memref<128x128xf32, #tpu.memory_space<vmem_shared>>
      %dma_wait3A_57 = arith.constant 0 : i32
      %dma_wait3A_58 = tpu.memref_slice %arg4[%add3A_27, %dma_wait3A_57] : memref<10128x128xf32, #tpu.memory_space<vmem_shared>> -> memref<128x128xf32, #tpu.memory_space<vmem_shared>>
      tpu.wait_dma2 semaphore(%run_scoped3A : memref<!tpu.dma_semaphore, #tpu.memory_space<semaphore_mem>>) src(%arg7 : memref<128x128xf32, #tpu.memory_space<vmem>>) dst(%dma_wait3A_58 : memref<128x128xf32, #tpu.memory_space<vmem_shared>>)
      tpu.yield
    }) : () -> ()
    %add3A_28 = arith.constant 384 : i32
    %add3A_29 = arith.addi %mul3A_21, %add3A_28 : i32
    "tpu.region"() ({
      %run_scoped3A = tpu.sem_alloc : memref<!tpu.dma_semaphore, #tpu.memory_space<semaphore_mem>>
      %dma_start3A = arith.constant 0 : i32
      %dma_start3A_53 = tpu.memref_slice %arg4[%add3A_29, %dma_start3A] : memref<10128x128xf32, #tpu.memory_space<vmem_shared>> -> memref<128x128xf32, #tpu.memory_space<vmem_shared>>
      %dma_start3A_54 = arith.constant 0 : i32
      %dma_start3A_55 = tpu.memref_slice %arg4[%add3A_29, %dma_start3A_54] : memref<10128x128xf32, #tpu.memory_space<vmem_shared>> -> memref<128x128xf32, #tpu.memory_space<vmem_shared>>
      tpu.enqueue_dma source(%arg7 : memref<128x128xf32, #tpu.memory_space<vmem>>) target(%dma_start3A_55 : memref<128x128xf32, #tpu.memory_space<vmem_shared>>) target_semaphore(%run_scoped3A : memref<!tpu.dma_semaphore, #tpu.memory_space<semaphore_mem>>)
      %dma_wait3A = arith.constant 0 : i32
      %dma_wait3A_56 = tpu.memref_slice %arg4[%add3A_29, %dma_wait3A] : memref<10128x128xf32, #tpu.memory_space<vmem_shared>> -> memref<128x128xf32, #tpu.memory_space<vmem_shared>>
      %dma_wait3A_57 = arith.constant 0 : i32
      %dma_wait3A_58 = tpu.memref_slice %arg4[%add3A_29, %dma_wait3A_57] : memref<10128x128xf32, #tpu.memory_space<vmem_shared>> -> memref<128x128xf32, #tpu.memory_space<vmem_shared>>
      tpu.wait_dma2 semaphore(%run_scoped3A : memref<!tpu.dma_semaphore, #tpu.memory_space<semaphore_mem>>) src(%arg7 : memref<128x128xf32, #tpu.memory_space<vmem>>) dst(%dma_wait3A_58 : memref<128x128xf32, #tpu.memory_space<vmem_shared>>)
      tpu.yield
    }) : () -> ()
    %lt3A = arith.constant 15 : i32
    %lt3A_30 = arith.cmpi slt, %arg1, %lt3A : i32
    %convert_element_type3A = arith.extui %lt3A_30 : i1 to i32
    %cond3A = arith.constant 0 : i32
    %cond3A_31 = arith.cmpi ne, %convert_element_type3A, %cond3A : i32
    scf.if %cond3A_31 {
      %add3A_53 = arith.constant 512 : i32
      %add3A_54 = arith.addi %mul3A_21, %add3A_53 : i32
      "tpu.region"() ({
        %run_scoped3A = tpu.sem_alloc : memref<!tpu.dma_semaphore, #tpu.memory_space<semaphore_mem>>
        %dma_start3A = arith.constant 0 : i32
        %dma_start3A_55 = arith.constant 0 : i32
        %dma_start3A_56 = tpu.memref_slice %arg7[%dma_start3A, %dma_start3A_55] : memref<128x128xf32, #tpu.memory_space<vmem>> -> memref<120x128xf32, #tpu.memory_space<vmem>>
        %dma_start3A_57 = arith.constant 0 : i32
        %dma_start3A_58 = tpu.memref_slice %arg4[%add3A_54, %dma_start3A_57] : memref<10128x128xf32, #tpu.memory_space<vmem_shared>> -> memref<120x128xf32, #tpu.memory_space<vmem_shared>>
        %dma_start3A_59 = arith.constant 0 : i32
        %dma_start3A_60 = tpu.memref_slice %arg4[%add3A_54, %dma_start3A_59] : memref<10128x128xf32, #tpu.memory_space<vmem_shared>> -> memref<120x128xf32, #tpu.memory_space<vmem_shared>>
        %dma_start3A_61 = arith.constant 0 : i32
        %dma_start3A_62 = arith.constant 0 : i32
        %dma_start3A_63 = tpu.memref_slice %arg7[%dma_start3A_61, %dma_start3A_62] : memref<128x128xf32, #tpu.memory_space<vmem>> -> memref<120x128xf32, #tpu.memory_space<vmem>>
        tpu.enqueue_dma source(%dma_start3A_63 : memref<120x128xf32, #tpu.memory_space<vmem>>) target(%dma_start3A_60 : memref<120x128xf32, #tpu.memory_space<vmem_shared>>) target_semaphore(%run_scoped3A : memref<!tpu.dma_semaphore, #tpu.memory_space<semaphore_mem>>)
        %dma_wait3A = arith.constant 0 : i32
        %dma_wait3A_64 = arith.constant 0 : i32
        %dma_wait3A_65 = tpu.memref_slice %arg7[%dma_wait3A, %dma_wait3A_64] : memref<128x128xf32, #tpu.memory_space<vmem>> -> memref<120x128xf32, #tpu.memory_space<vmem>>
        %dma_wait3A_66 = arith.constant 0 : i32
        %dma_wait3A_67 = tpu.memref_slice %arg4[%add3A_54, %dma_wait3A_66] : memref<10128x128xf32, #tpu.memory_space<vmem_shared>> -> memref<120x128xf32, #tpu.memory_space<vmem_shared>>
        %dma_wait3A_68 = arith.constant 0 : i32
        %dma_wait3A_69 = tpu.memref_slice %arg4[%add3A_54, %dma_wait3A_68] : memref<10128x128xf32, #tpu.memory_space<vmem_shared>> -> memref<120x128xf32, #tpu.memory_space<vmem_shared>>
        %dma_wait3A_70 = arith.constant 0 : i32
        %dma_wait3A_71 = arith.constant 0 : i32
        %dma_wait3A_72 = tpu.memref_slice %arg7[%dma_wait3A_70, %dma_wait3A_71] : memref<128x128xf32, #tpu.memory_space<vmem>> -> memref<120x128xf32, #tpu.memory_space<vmem>>
        tpu.wait_dma2 semaphore(%run_scoped3A : memref<!tpu.dma_semaphore, #tpu.memory_space<semaphore_mem>>) src(%dma_wait3A_72 : memref<120x128xf32, #tpu.memory_space<vmem>>) dst(%dma_wait3A_69 : memref<120x128xf32, #tpu.memory_space<vmem_shared>>)
        tpu.yield
      }) : () -> ()
    } else {
    }
    %eq3A_32 = arith.constant 15 : i32
    %eq3A_33 = arith.cmpi eq, %arg1, %eq3A_32 : i32
    %convert_element_type3A_34 = arith.extui %eq3A_33 : i1 to i32
    %cond3A_35 = arith.constant 0 : i32
    %cond3A_36 = arith.cmpi ne, %convert_element_type3A_34, %cond3A_35 : i32
    scf.if %cond3A_36 {
      %add3A_53 = arith.constant 512 : i32
      %add3A_54 = arith.addi %mul3A_21, %add3A_53 : i32
      "tpu.region"() ({
        %run_scoped3A = tpu.sem_alloc : memref<!tpu.dma_semaphore, #tpu.memory_space<semaphore_mem>>
        %dma_start3A = arith.constant 0 : i32
        %dma_start3A_57 = tpu.memref_slice %arg4[%add3A_54, %dma_start3A] : memref<10128x128xf32, #tpu.memory_space<vmem_shared>> -> memref<128x128xf32, #tpu.memory_space<vmem_shared>>
        %dma_start3A_58 = arith.constant 0 : i32
        %dma_start3A_59 = tpu.memref_slice %arg4[%add3A_54, %dma_start3A_58] : memref<10128x128xf32, #tpu.memory_space<vmem_shared>> -> memref<128x128xf32, #tpu.memory_space<vmem_shared>>
        tpu.enqueue_dma source(%arg7 : memref<128x128xf32, #tpu.memory_space<vmem>>) target(%dma_start3A_59 : memref<128x128xf32, #tpu.memory_space<vmem_shared>>) target_semaphore(%run_scoped3A : memref<!tpu.dma_semaphore, #tpu.memory_space<semaphore_mem>>)
        %dma_wait3A = arith.constant 0 : i32
        %dma_wait3A_60 = tpu.memref_slice %arg4[%add3A_54, %dma_wait3A] : memref<10128x128xf32, #tpu.memory_space<vmem_shared>> -> memref<128x128xf32, #tpu.memory_space<vmem_shared>>
        %dma_wait3A_61 = arith.constant 0 : i32
        %dma_wait3A_62 = tpu.memref_slice %arg4[%add3A_54, %dma_wait3A_61] : memref<10128x128xf32, #tpu.memory_space<vmem_shared>> -> memref<128x128xf32, #tpu.memory_space<vmem_shared>>
        tpu.wait_dma2 semaphore(%run_scoped3A : memref<!tpu.dma_semaphore, #tpu.memory_space<semaphore_mem>>) src(%arg7 : memref<128x128xf32, #tpu.memory_space<vmem>>) dst(%dma_wait3A_62 : memref<128x128xf32, #tpu.memory_space<vmem_shared>>)
        tpu.yield
      }) : () -> ()
      %add3A_55 = arith.constant 640 : i32
      %add3A_56 = arith.addi %mul3A_21, %add3A_55 : i32
      "tpu.region"() ({
        %run_scoped3A = tpu.sem_alloc : memref<!tpu.dma_semaphore, #tpu.memory_space<semaphore_mem>>
        %dma_start3A = arith.constant 0 : i32
        %dma_start3A_57 = arith.constant 0 : i32
        %dma_start3A_58 = tpu.memref_slice %arg7[%dma_start3A, %dma_start3A_57] : memref<128x128xf32, #tpu.memory_space<vmem>> -> memref<8x128xf32, #tpu.memory_space<vmem>>
        %dma_start3A_59 = arith.constant 0 : i32
        %dma_start3A_60 = tpu.memref_slice %arg4[%add3A_56, %dma_start3A_59] : memref<10128x128xf32, #tpu.memory_space<vmem_shared>> -> memref<8x128xf32, #tpu.memory_space<vmem_shared>>
        %dma_start3A_61 = arith.constant 0 : i32
        %dma_start3A_62 = tpu.memref_slice %arg4[%add3A_56, %dma_start3A_61] : memref<10128x128xf32, #tpu.memory_space<vmem_shared>> -> memref<8x128xf32, #tpu.memory_space<vmem_shared>>
        %dma_start3A_63 = arith.constant 0 : i32
        %dma_start3A_64 = arith.constant 0 : i32
        %dma_start3A_65 = tpu.memref_slice %arg7[%dma_start3A_63, %dma_start3A_64] : memref<128x128xf32, #tpu.memory_space<vmem>> -> memref<8x128xf32, #tpu.memory_space<vmem>>
        tpu.enqueue_dma source(%dma_start3A_65 : memref<8x128xf32, #tpu.memory_space<vmem>>) target(%dma_start3A_62 : memref<8x128xf32, #tpu.memory_space<vmem_shared>>) target_semaphore(%run_scoped3A : memref<!tpu.dma_semaphore, #tpu.memory_space<semaphore_mem>>)
        %dma_wait3A = arith.constant 0 : i32
        %dma_wait3A_66 = arith.constant 0 : i32
        %dma_wait3A_67 = tpu.memref_slice %arg7[%dma_wait3A, %dma_wait3A_66] : memref<128x128xf32, #tpu.memory_space<vmem>> -> memref<8x128xf32, #tpu.memory_space<vmem>>
        %dma_wait3A_68 = arith.constant 0 : i32
        %dma_wait3A_69 = tpu.memref_slice %arg4[%add3A_56, %dma_wait3A_68] : memref<10128x128xf32, #tpu.memory_space<vmem_shared>> -> memref<8x128xf32, #tpu.memory_space<vmem_shared>>
        %dma_wait3A_70 = arith.constant 0 : i32
        %dma_wait3A_71 = tpu.memref_slice %arg4[%add3A_56, %dma_wait3A_70] : memref<10128x128xf32, #tpu.memory_space<vmem_shared>> -> memref<8x128xf32, #tpu.memory_space<vmem_shared>>
        %dma_wait3A_72 = arith.constant 0 : i32
        %dma_wait3A_73 = arith.constant 0 : i32
        %dma_wait3A_74 = tpu.memref_slice %arg7[%dma_wait3A_72, %dma_wait3A_73] : memref<128x128xf32, #tpu.memory_space<vmem>> -> memref<8x128xf32, #tpu.memory_space<vmem>>
        tpu.wait_dma2 semaphore(%run_scoped3A : memref<!tpu.dma_semaphore, #tpu.memory_space<semaphore_mem>>) src(%dma_wait3A_74 : memref<8x128xf32, #tpu.memory_space<vmem>>) dst(%dma_wait3A_71 : memref<8x128xf32, #tpu.memory_space<vmem_shared>>)
        tpu.yield
      }) : () -> ()
    } else {
    }
    %mul3A_37 = arith.constant 80 : i32
    %mul3A_38 = arith.muli %add3A, %mul3A_37 : i32
    "tpu.region"() ({
      %run_scoped3A = tpu.sem_alloc : memref<!tpu.dma_semaphore, #tpu.memory_space<semaphore_mem>>
      %dma_start3A = arith.constant 0 : i32
      %dma_start3A_53 = tpu.memref_slice %arg2[%mul3A_38, %dma_start3A] : memref<2560x128xi32, #tpu.memory_space<hbm>> -> memref<80x128xi32, #tpu.memory_space<hbm>>
      %dma_start3A_54 = arith.constant 0 : i32
      %dma_start3A_55 = tpu.memref_slice %arg2[%mul3A_38, %dma_start3A_54] : memref<2560x128xi32, #tpu.memory_space<hbm>> -> memref<80x128xi32, #tpu.memory_space<hbm>>
      tpu.enqueue_dma source(%dma_start3A_55 : memref<80x128xi32, #tpu.memory_space<hbm>>) target(%arg5 : memref<80x128xi32, #tpu.memory_space<vmem>>) target_semaphore(%run_scoped3A : memref<!tpu.dma_semaphore, #tpu.memory_space<semaphore_mem>>)
      %dma_wait3A = arith.constant 0 : i32
      %dma_wait3A_56 = tpu.memref_slice %arg2[%mul3A_38, %dma_wait3A] : memref<2560x128xi32, #tpu.memory_space<hbm>> -> memref<80x128xi32, #tpu.memory_space<hbm>>
      %dma_wait3A_57 = arith.constant 0 : i32
      %dma_wait3A_58 = tpu.memref_slice %arg2[%mul3A_38, %dma_wait3A_57] : memref<2560x128xi32, #tpu.memory_space<hbm>> -> memref<80x128xi32, #tpu.memory_space<hbm>>
      tpu.wait_dma2 semaphore(%run_scoped3A : memref<!tpu.dma_semaphore, #tpu.memory_space<semaphore_mem>>) src(%dma_wait3A_58 : memref<80x128xi32, #tpu.memory_space<hbm>>) dst(%arg5 : memref<80x128xi32, #tpu.memory_space<vmem>>)
      tpu.yield
    }) : () -> ()
    %barrier3A = arith.constant 0 : index
    tpu.barrier barrier_id(%barrier3A)
    %scan3A_39 = arith.constant 0 : i32
    %scan3A_40 = arith.constant 0 : i32
    %scan3A_41 = arith.constant 80 : i32
    %scan3A_42 = arith.addi %scan3A_40, %scan3A_41 : i32
    %scan3A_43 = arith.constant 1 : i32
    scf.for %scan3A_53 = %scan3A_40 to %scan3A_42 step %scan3A_43  : i32 {
      "tpu.region"() ({
        %run_scoped3A = tpu.sem_alloc : memref<!tpu.dma_semaphore, #tpu.memory_space<semaphore_mem>>
        %dma_start3A = arith.constant 0 : i32
        %dma_start3A_54 = tpu.memref_slice %arg5[%scan3A_53, %dma_start3A] : memref<80x128xi32, #tpu.memory_space<vmem>> -> memref<1x128xi32, #tpu.memory_space<vmem>>
        %dma_start3A_55 = tpu.memref_squeeze %dma_start3A_54 : memref<1x128xi32, #tpu.memory_space<vmem>> -> memref<128xi32, #tpu.memory_space<vmem>>
        %dma_start3A_56 = arith.constant 0 : i32
        %dma_start3A_57 = arith.constant 0 : i32
        %dma_start3A_58 = tpu.memref_slice %arg4[%dma_start3A_56, %dma_start3A_57] : memref<10128x128xf32, #tpu.memory_space<vmem_shared>> -> memref<10128x128xf32, #tpu.memory_space<vmem_shared>>
        tpu.enqueue_indirect_dma source(%arg6 : memref<128x128xf32, #tpu.memory_space<vmem>>) target(%dma_start3A_58 : memref<10128x128xf32, #tpu.memory_space<vmem_shared>>) offsets(%dma_start3A_55 : memref<128xi32, #tpu.memory_space<vmem>>) semaphore(%run_scoped3A : memref<!tpu.dma_semaphore, #tpu.memory_space<semaphore_mem>>) {add = true}
        %dma_wait3A = arith.constant 0 : i32
        %dma_wait3A_59 = tpu.memref_slice %arg5[%scan3A_53, %dma_wait3A] : memref<80x128xi32, #tpu.memory_space<vmem>> -> memref<1x128xi32, #tpu.memory_space<vmem>>
        %dma_wait3A_60 = tpu.memref_squeeze %dma_wait3A_59 : memref<1x128xi32, #tpu.memory_space<vmem>> -> memref<128xi32, #tpu.memory_space<vmem>>
        %dma_wait3A_61 = arith.constant 0 : i32
        %dma_wait3A_62 = arith.constant 0 : i32
        %dma_wait3A_63 = tpu.memref_slice %arg4[%dma_wait3A_61, %dma_wait3A_62] : memref<10128x128xf32, #tpu.memory_space<vmem_shared>> -> memref<10128x128xf32, #tpu.memory_space<vmem_shared>>
        tpu.wait_indirect_dma semaphore(%run_scoped3A : memref<!tpu.dma_semaphore, #tpu.memory_space<semaphore_mem>>) src(%arg6 : memref<128x128xf32, #tpu.memory_space<vmem>>) dst(%dma_wait3A_63 : memref<10128x128xf32, #tpu.memory_space<vmem_shared>>)
        tpu.yield
      }) : () -> ()
    }
    %scan3A_44 = arith.constant 80 : i32
    %barrier3A_45 = arith.constant 0 : index
    tpu.barrier barrier_id(%barrier3A_45)
    %mul3A_46 = arith.constant 624 : i32
    %mul3A_47 = arith.muli %arg1, %mul3A_46 : i32
    "tpu.region"() ({
      %run_scoped3A = tpu.sem_alloc : memref<!tpu.dma_semaphore, #tpu.memory_space<semaphore_mem>>
      %dma_start3A = arith.constant 0 : i32
      %dma_start3A_53 = tpu.memref_slice %arg3[%arg0, %mul3A_47, %dma_start3A] : memref<2x10000x128xf32, #tpu.memory_space<hbm>> -> memref<1x624x128xf32, #tpu.memory_space<hbm>>
      %dma_start3A_54 = tpu.memref_squeeze %dma_start3A_53 : memref<1x624x128xf32, #tpu.memory_space<hbm>> -> memref<624x128xf32, #tpu.memory_space<hbm>>
      %dma_start3A_55 = arith.constant 0 : i32
      %dma_start3A_56 = tpu.memref_slice %arg4[%mul3A_47, %dma_start3A_55] : memref<10128x128xf32, #tpu.memory_space<vmem_shared>> -> memref<624x128xf32, #tpu.memory_space<vmem_shared>>
      tpu.enqueue_dma source(%dma_start3A_56 : memref<624x128xf32, #tpu.memory_space<vmem_shared>>) target(%dma_start3A_54 : memref<624x128xf32, #tpu.memory_space<hbm>>) target_semaphore(%run_scoped3A : memref<!tpu.dma_semaphore, #tpu.memory_space<semaphore_mem>>)
      %dma_wait3A = arith.constant 0 : i32
      %dma_wait3A_57 = tpu.memref_slice %arg3[%arg0, %mul3A_47, %dma_wait3A] : memref<2x10000x128xf32, #tpu.memory_space<hbm>> -> memref<1x624x128xf32, #tpu.memory_space<hbm>>
      %dma_wait3A_58 = tpu.memref_squeeze %dma_wait3A_57 : memref<1x624x128xf32, #tpu.memory_space<hbm>> -> memref<624x128xf32, #tpu.memory_space<hbm>>
      %dma_wait3A_59 = arith.constant 0 : i32
      %dma_wait3A_60 = tpu.memref_slice %arg4[%mul3A_47, %dma_wait3A_59] : memref<10128x128xf32, #tpu.memory_space<vmem_shared>> -> memref<624x128xf32, #tpu.memory_space<vmem_shared>>
      tpu.wait_dma2 semaphore(%run_scoped3A : memref<!tpu.dma_semaphore, #tpu.memory_space<semaphore_mem>>) src(%dma_wait3A_60 : memref<624x128xf32, #tpu.memory_space<vmem_shared>>) dst(%dma_wait3A_58 : memref<624x128xf32, #tpu.memory_space<hbm>>)
      tpu.yield
    }) : () -> ()
    %eq3A_48 = arith.constant 15 : i32
    %eq3A_49 = arith.cmpi eq, %arg1, %eq3A_48 : i32
    %convert_element_type3A_50 = arith.extui %eq3A_49 : i1 to i32
    %cond3A_51 = arith.constant 0 : i32
    %cond3A_52 = arith.cmpi ne, %convert_element_type3A_50, %cond3A_51 : i32
    scf.if %cond3A_52 {
      "tpu.region"() ({
        %run_scoped3A = tpu.sem_alloc : memref<!tpu.dma_semaphore, #tpu.memory_space<semaphore_mem>>
        %dma_start3A = arith.constant 9984 : i32
        %dma_start3A_53 = arith.constant 0 : i32
        %dma_start3A_54 = tpu.memref_slice %arg3[%arg0, %dma_start3A, %dma_start3A_53] : memref<2x10000x128xf32, #tpu.memory_space<hbm>> -> memref<1x16x128xf32, #tpu.memory_space<hbm>>
        %dma_start3A_55 = tpu.memref_squeeze %dma_start3A_54 : memref<1x16x128xf32, #tpu.memory_space<hbm>> -> memref<16x128xf32, #tpu.memory_space<hbm>>
        %dma_start3A_56 = arith.constant 9984 : i32
        %dma_start3A_57 = arith.constant 0 : i32
        %dma_start3A_58 = tpu.memref_slice %arg4[%dma_start3A_56, %dma_start3A_57] : memref<10128x128xf32, #tpu.memory_space<vmem_shared>> -> memref<16x128xf32, #tpu.memory_space<vmem_shared>>
        tpu.enqueue_dma source(%dma_start3A_58 : memref<16x128xf32, #tpu.memory_space<vmem_shared>>) target(%dma_start3A_55 : memref<16x128xf32, #tpu.memory_space<hbm>>) target_semaphore(%run_scoped3A : memref<!tpu.dma_semaphore, #tpu.memory_space<semaphore_mem>>)
        %dma_wait3A = arith.constant 9984 : i32
        %dma_wait3A_59 = arith.constant 0 : i32
        %dma_wait3A_60 = tpu.memref_slice %arg3[%arg0, %dma_wait3A, %dma_wait3A_59] : memref<2x10000x128xf32, #tpu.memory_space<hbm>> -> memref<1x16x128xf32, #tpu.memory_space<hbm>>
        %dma_wait3A_61 = tpu.memref_squeeze %dma_wait3A_60 : memref<1x16x128xf32, #tpu.memory_space<hbm>> -> memref<16x128xf32, #tpu.memory_space<hbm>>
        %dma_wait3A_62 = arith.constant 9984 : i32
        %dma_wait3A_63 = arith.constant 0 : i32
        %dma_wait3A_64 = tpu.memref_slice %arg4[%dma_wait3A_62, %dma_wait3A_63] : memref<10128x128xf32, #tpu.memory_space<vmem_shared>> -> memref<16x128xf32, #tpu.memory_space<vmem_shared>>
        tpu.wait_dma2 semaphore(%run_scoped3A : memref<!tpu.dma_semaphore, #tpu.memory_space<semaphore_mem>>) src(%dma_wait3A_64 : memref<16x128xf32, #tpu.memory_space<vmem_shared>>) dst(%dma_wait3A_61 : memref<16x128xf32, #tpu.memory_space<hbm>>)
        tpu.yield
      }) : () -> ()
    } else {
    }
    return
  }
}

module attributes {stable_mosaic.version = 14 : i64} {
  func.func @_tc_a_body(%arg0: i32, %arg1: memref<2000x128xf32, #tpu.memory_space<vmem>>, %arg2: memref<128x128xf32, #tpu.memory_space<vmem>>, %arg3: memref<128x128xf32, #tpu.memory_space<vmem>>, %arg4: memref<1x128xf32, #tpu.memory_space<vmem>>, %arg5: memref<2000x128xf32, #tpu.memory_space<vmem>>, %arg6: memref<2000x128xf32, #tpu.memory_space<vmem>>) attributes {dimension_semantics = [#tpu.dimension_semantics<arbitrary>], iteration_bounds = array<i64: 5>, scalar_prefetch = 0 : i64, scratch_operands = 0 : i64, tpu.core_type = #tpu.core_type<tc>, window_params = [{transform_indices = @transform_0, window_bounds = array<i64: 2000, 128>}, {pipeline_mode = #tpu.pipeline_mode<synchronous>, transform_indices = @transform_1, window_bounds = array<i64: 128, 128>}, {pipeline_mode = #tpu.pipeline_mode<synchronous>, transform_indices = @transform_2, window_bounds = array<i64: 128, 128>}, {pipeline_mode = #tpu.pipeline_mode<synchronous>, transform_indices = @transform_3, window_bounds = array<i64: 1, 128>}, {transform_indices = @transform_4, window_bounds = array<i64: 2000, 128>}, {transform_indices = @transform_5, window_bounds = array<i64: 2000, 128>}]} {
    %get3A = arith.constant 0 : index
    %get3A_0 = arith.constant 0 : index
    %get3A_1 = vector.load %arg1[%get3A, %get3A_0] : memref<2000x128xf32, #tpu.memory_space<vmem>>, vector<2000x128xf32>
    %get3A_2 = arith.constant 0 : index
    %get3A_3 = arith.constant 0 : index
    %get3A_4 = vector.load %arg2[%get3A_2, %get3A_3] : memref<128x128xf32, #tpu.memory_space<vmem>>, vector<128x128xf32>
    %dot_general3A = arith.constant dense<0.000000e+00> : vector<2000x128xf32>
    %dot_general3A_5 = tpu.matmul %get3A_1, %get3A_4, %dot_general3A {dimension_numbers = #tpu.dot_dimension_numbers<[1], [1], [0], [0], [0, 0, 1, 0], [], []>, transpose_lhs_hint = false} : vector<2000x128xf32>, vector<128x128xf32>, vector<2000x128xf32> -> vector<2000x128xf32>
    %swap3A = arith.constant 0 : index
    %swap3A_6 = arith.constant 0 : index
    %swap3A_7 = vector.load %arg5[%swap3A, %swap3A_6] : memref<2000x128xf32, #tpu.memory_space<vmem>>, vector<2000x128xf32>
    tpu.vector_store %arg5[%swap3A, %swap3A_6], %dot_general3A_5 {strides = array<i32>} : memref<2000x128xf32, #tpu.memory_space<vmem>>, vector<2000x128xf32>,
    %get3A_8 = arith.constant 0 : index
    %get3A_9 = arith.constant 0 : index
    %get3A_10 = vector.load %arg3[%get3A_8, %get3A_9] : memref<128x128xf32, #tpu.memory_space<vmem>>, vector<128x128xf32>
    %dot_general3A_11 = arith.constant dense<0.000000e+00> : vector<2000x128xf32>
    %dot_general3A_12 = tpu.matmul %get3A_1, %get3A_10, %dot_general3A_11 {dimension_numbers = #tpu.dot_dimension_numbers<[1], [1], [0], [0], [0, 0, 1, 0], [], []>, transpose_lhs_hint = false} : vector<2000x128xf32>, vector<128x128xf32>, vector<2000x128xf32> -> vector<2000x128xf32>
    %get3A_13 = arith.constant 0 : index
    %get3A_14 = arith.constant 0 : index
    %get3A_15 = vector.load %arg4[%get3A_13, %get3A_14] : memref<1x128xf32, #tpu.memory_space<vmem>>, vector<1x128xf32>
    %add3A = vector.broadcast %get3A_15 : vector<1x128xf32> to vector<2000x128xf32>
    %add3A_16 = arith.addf %dot_general3A_12, %add3A : vector<2000x128xf32>
    %swap3A_17 = arith.constant 0 : index
    %swap3A_18 = arith.constant 0 : index
    %swap3A_19 = vector.load %arg6[%swap3A_17, %swap3A_18] : memref<2000x128xf32, #tpu.memory_space<vmem>>, vector<2000x128xf32>
    tpu.vector_store %arg6[%swap3A_17, %swap3A_18], %add3A_16 {strides = array<i32>} : memref<2000x128xf32, #tpu.memory_space<vmem>>, vector<2000x128xf32>,
    return
  }
  func.func @transform_0(%arg0: i32) -> (i32, i32) {
    %c0_i32 = arith.constant 0 : i32
    %c0_i32_0 = arith.constant 0 : i32
    return %arg0, %c0_i32 : i32, i32
  }
  func.func @transform_1(%arg0: i32) -> (i32, i32) {
    %c0_i32 = arith.constant 0 : i32
    %c0_i32_0 = arith.constant 0 : i32
    %c0_i32_1 = arith.constant 0 : i32
    return %c0_i32, %c0_i32_0 : i32, i32
  }
  func.func @transform_2(%arg0: i32) -> (i32, i32) {
    %c0_i32 = arith.constant 0 : i32
    %c0_i32_0 = arith.constant 0 : i32
    %c0_i32_1 = arith.constant 0 : i32
    return %c0_i32, %c0_i32_0 : i32, i32
  }
  func.func @transform_3(%arg0: i32) -> (i32, i32) {
    %c0_i32 = arith.constant 0 : i32
    %c0_i32_0 = arith.constant 0 : i32
    %c0_i32_1 = arith.constant 0 : i32
    return %c0_i32, %c0_i32_0 : i32, i32
  }
  func.func @transform_4(%arg0: i32) -> (i32, i32) {
    %c0_i32 = arith.constant 0 : i32
    %c0_i32_0 = arith.constant 0 : i32
    return %arg0, %c0_i32 : i32, i32
  }
  func.func @transform_5(%arg0: i32) -> (i32, i32) {
    %c0_i32 = arith.constant 0 : i32
    %c0_i32_0 = arith.constant 0 : i32
    return %arg0, %c0_i32 : i32, i32
  }
}

module attributes {stable_mosaic.version = 14 : i64} {
  func.func @_tc_b_body(%arg0: i32, %arg1: memref<2x2000x128xf32, #tpu.memory_space<vmem>>, %arg2: memref<2x2000x128xf32, #tpu.memory_space<vmem>>, %arg3: memref<2000x128xf32, #tpu.memory_space<vmem>>, %arg4: memref<128x128xf32, #tpu.memory_space<vmem>>, %arg5: memref<128x128xf32, #tpu.memory_space<vmem>>, %arg6: memref<1x128xf32, #tpu.memory_space<vmem>>, %arg7: memref<2000x128xf32, #tpu.memory_space<vmem>>, %arg8: memref<2000x128xf32, #tpu.memory_space<vmem>>, %arg9: memref<2000x1xf32, #tpu.memory_space<vmem>>) attributes {dimension_semantics = [#tpu.dimension_semantics<arbitrary>], iteration_bounds = array<i64: 5>, scalar_prefetch = 0 : i64, scratch_operands = 0 : i64, tpu.core_type = #tpu.core_type<tc>, window_params = [{transform_indices = @transform_0, window_bounds = array<i64: 2, 2000, 128>}, {transform_indices = @transform_1, window_bounds = array<i64: 2, 2000, 128>}, {transform_indices = @transform_2, window_bounds = array<i64: 2000, 128>}, {pipeline_mode = #tpu.pipeline_mode<synchronous>, transform_indices = @transform_3, window_bounds = array<i64: 128, 128>}, {pipeline_mode = #tpu.pipeline_mode<synchronous>, transform_indices = @transform_4, window_bounds = array<i64: 128, 128>}, {pipeline_mode = #tpu.pipeline_mode<synchronous>, transform_indices = @transform_5, window_bounds = array<i64: 1, 128>}, {transform_indices = @transform_6, window_bounds = array<i64: 2000, 128>}, {transform_indices = @transform_7, window_bounds = array<i64: 2000, 128>}, {transform_indices = @transform_8, window_bounds = array<i64: 2000, 1>}]} {
    %get3A = arith.constant 0 : index
    %get3A_0 = arith.constant 0 : index
    %get3A_1 = arith.constant 0 : index
    %get3A_2 = vector.load %arg2[%get3A, %get3A_0, %get3A_1] : memref<2x2000x128xf32, #tpu.memory_space<vmem>>, vector<1x2000x1xf32>
    %get3A_3 = vector.shape_cast %get3A_2 : vector<1x2000x1xf32> to vector<2000x1xf32>
    %get3A_4 = arith.constant 1 : index
    %get3A_5 = arith.constant 0 : index
    %get3A_6 = arith.constant 0 : index
    %get3A_7 = vector.load %arg2[%get3A_4, %get3A_5, %get3A_6] : memref<2x2000x128xf32, #tpu.memory_space<vmem>>, vector<1x2000x1xf32>
    %get3A_8 = vector.shape_cast %get3A_7 : vector<1x2000x1xf32> to vector<2000x1xf32>
    %add3A = arith.addf %get3A_3, %get3A_8 : vector<2000x1xf32>
    %max3A = arith.constant 1.000000e+00 : f32
    %max3A_9 = vector.broadcast %max3A : f32 to vector<2000x1xf32>
    %max3A_10 = arith.maximumf %add3A, %max3A_9 : vector<2000x1xf32>
    %div3A = arith.constant 1.000000e+00 : f32
    %div3A_11 = vector.broadcast %div3A : f32 to vector<2000x1xf32>
    %div3A_12 = arith.divf %div3A_11, %max3A_10 : vector<2000x1xf32>
    %swap3A = arith.constant 0 : index
    %swap3A_13 = arith.constant 0 : index
    %swap3A_14 = vector.load %arg9[%swap3A, %swap3A_13] : memref<2000x1xf32, #tpu.memory_space<vmem>>, vector<2000x1xf32>
    tpu.vector_store %arg9[%swap3A, %swap3A_13], %div3A_12 {strides = array<i32>} : memref<2000x1xf32, #tpu.memory_space<vmem>>, vector<2000x1xf32>,
    %get3A_15 = arith.constant 0 : index
    %get3A_16 = arith.constant 0 : index
    %get3A_17 = arith.constant 0 : index
    %get3A_18 = vector.load %arg1[%get3A_15, %get3A_16, %get3A_17] : memref<2x2000x128xf32, #tpu.memory_space<vmem>>, vector<1x2000x128xf32>
    %get3A_19 = vector.shape_cast %get3A_18 : vector<1x2000x128xf32> to vector<2000x128xf32>
    %get3A_20 = arith.constant 1 : index
    %get3A_21 = arith.constant 0 : index
    %get3A_22 = arith.constant 0 : index
    %get3A_23 = vector.load %arg1[%get3A_20, %get3A_21, %get3A_22] : memref<2x2000x128xf32, #tpu.memory_space<vmem>>, vector<1x2000x128xf32>
    %get3A_24 = vector.shape_cast %get3A_23 : vector<1x2000x128xf32> to vector<2000x128xf32>
    %add3A_25 = arith.addf %get3A_19, %get3A_24 : vector<2000x128xf32>
    %mul3A = vector.broadcast %div3A_12 : vector<2000x1xf32> to vector<2000x128xf32>
    %mul3A_26 = arith.mulf %add3A_25, %mul3A : vector<2000x128xf32>
    %get3A_27 = arith.constant 0 : index
    %get3A_28 = arith.constant 0 : index
    %get3A_29 = vector.load %arg3[%get3A_27, %get3A_28] : memref<2000x128xf32, #tpu.memory_space<vmem>>, vector<2000x128xf32>
    %add3A_30 = arith.addf %mul3A_26, %get3A_29 : vector<2000x128xf32>
    %max3A_31 = arith.constant 0.000000e+00 : f32
    %max3A_32 = vector.broadcast %max3A_31 : f32 to vector<2000x128xf32>
    %max3A_33 = arith.maximumf %add3A_30, %max3A_32 : vector<2000x128xf32>
    %get3A_34 = arith.constant 0 : index
    %get3A_35 = arith.constant 0 : index
    %get3A_36 = vector.load %arg4[%get3A_34, %get3A_35] : memref<128x128xf32, #tpu.memory_space<vmem>>, vector<128x128xf32>
    %dot_general3A = arith.constant dense<0.000000e+00> : vector<2000x128xf32>
    %dot_general3A_37 = tpu.matmul %max3A_33, %get3A_36, %dot_general3A {dimension_numbers = #tpu.dot_dimension_numbers<[1], [1], [0], [0], [0, 0, 1, 0], [], []>, transpose_lhs_hint = false} : vector<2000x128xf32>, vector<128x128xf32>, vector<2000x128xf32> -> vector<2000x128xf32>
    %swap3A_38 = arith.constant 0 : index
    %swap3A_39 = arith.constant 0 : index
    %swap3A_40 = vector.load %arg7[%swap3A_38, %swap3A_39] : memref<2000x128xf32, #tpu.memory_space<vmem>>, vector<2000x128xf32>
    tpu.vector_store %arg7[%swap3A_38, %swap3A_39], %dot_general3A_37 {strides = array<i32>} : memref<2000x128xf32, #tpu.memory_space<vmem>>, vector<2000x128xf32>,
    %get3A_41 = arith.constant 0 : index
    %get3A_42 = arith.constant 0 : index
    %get3A_43 = vector.load %arg5[%get3A_41, %get3A_42] : memref<128x128xf32, #tpu.memory_space<vmem>>, vector<128x128xf32>
    %dot_general3A_44 = arith.constant dense<0.000000e+00> : vector<2000x128xf32>
    %dot_general3A_45 = tpu.matmul %max3A_33, %get3A_43, %dot_general3A_44 {dimension_numbers = #tpu.dot_dimension_numbers<[1], [1], [0], [0], [0, 0, 1, 0], [], []>, transpose_lhs_hint = false} : vector<2000x128xf32>, vector<128x128xf32>, vector<2000x128xf32> -> vector<2000x128xf32>
    %get3A_46 = arith.constant 0 : index
    %get3A_47 = arith.constant 0 : index
    %get3A_48 = vector.load %arg6[%get3A_46, %get3A_47] : memref<1x128xf32, #tpu.memory_space<vmem>>, vector<1x128xf32>
    %add3A_49 = vector.broadcast %get3A_48 : vector<1x128xf32> to vector<2000x128xf32>
    %add3A_50 = arith.addf %dot_general3A_45, %add3A_49 : vector<2000x128xf32>
    %swap3A_51 = arith.constant 0 : index
    %swap3A_52 = arith.constant 0 : index
    %swap3A_53 = vector.load %arg8[%swap3A_51, %swap3A_52] : memref<2000x128xf32, #tpu.memory_space<vmem>>, vector<2000x128xf32>
    tpu.vector_store %arg8[%swap3A_51, %swap3A_52], %add3A_50 {strides = array<i32>} : memref<2000x128xf32, #tpu.memory_space<vmem>>, vector<2000x128xf32>,
    return
  }
  func.func @transform_0(%arg0: i32) -> (i32, i32, i32) {
    %c0_i32 = arith.constant 0 : i32
    %c0_i32_0 = arith.constant 0 : i32
    %c0_i32_1 = arith.constant 0 : i32
    return %c0_i32, %arg0, %c0_i32_0 : i32, i32, i32
  }
  func.func @transform_1(%arg0: i32) -> (i32, i32, i32) {
    %c0_i32 = arith.constant 0 : i32
    %c0_i32_0 = arith.constant 0 : i32
    %c0_i32_1 = arith.constant 0 : i32
    return %c0_i32, %arg0, %c0_i32_0 : i32, i32, i32
  }
  func.func @transform_2(%arg0: i32) -> (i32, i32) {
    %c0_i32 = arith.constant 0 : i32
    %c0_i32_0 = arith.constant 0 : i32
    return %arg0, %c0_i32 : i32, i32
  }
  func.func @transform_3(%arg0: i32) -> (i32, i32) {
    %c0_i32 = arith.constant 0 : i32
    %c0_i32_0 = arith.constant 0 : i32
    %c0_i32_1 = arith.constant 0 : i32
    return %c0_i32, %c0_i32_0 : i32, i32
  }
  func.func @transform_4(%arg0: i32) -> (i32, i32) {
    %c0_i32 = arith.constant 0 : i32
    %c0_i32_0 = arith.constant 0 : i32
    %c0_i32_1 = arith.constant 0 : i32
    return %c0_i32, %c0_i32_0 : i32, i32
  }
  func.func @transform_5(%arg0: i32) -> (i32, i32) {
    %c0_i32 = arith.constant 0 : i32
    %c0_i32_0 = arith.constant 0 : i32
    %c0_i32_1 = arith.constant 0 : i32
    return %c0_i32, %c0_i32_0 : i32, i32
  }
  func.func @transform_6(%arg0: i32) -> (i32, i32) {
    %c0_i32 = arith.constant 0 : i32
    %c0_i32_0 = arith.constant 0 : i32
    return %arg0, %c0_i32 : i32, i32
  }
  func.func @transform_7(%arg0: i32) -> (i32, i32) {
    %c0_i32 = arith.constant 0 : i32
    %c0_i32_0 = arith.constant 0 : i32
    return %arg0, %c0_i32 : i32, i32
  }
  func.func @transform_8(%arg0: i32) -> (i32, i32) {
    %c0_i32 = arith.constant 0 : i32
    %c0_i32_0 = arith.constant 0 : i32
    return %arg0, %c0_i32 : i32, i32
  }
}

module attributes {stable_mosaic.version = 14 : i64} {
  func.func @_tc_c_body(%arg0: i32, %arg1: memref<2x2000x128xf32, #tpu.memory_space<vmem>>, %arg2: memref<2000x1xf32, #tpu.memory_space<vmem>>, %arg3: memref<2000x128xf32, #tpu.memory_space<vmem>>, %arg4: memref<2000x128xf32, #tpu.memory_space<vmem>>) attributes {dimension_semantics = [#tpu.dimension_semantics<arbitrary>], iteration_bounds = array<i64: 5>, scalar_prefetch = 0 : i64, scratch_operands = 0 : i64, tpu.core_type = #tpu.core_type<tc>, window_params = [{transform_indices = @transform_0, window_bounds = array<i64: 2, 2000, 128>}, {transform_indices = @transform_1, window_bounds = array<i64: 2000, 1>}, {transform_indices = @transform_2, window_bounds = array<i64: 2000, 128>}, {transform_indices = @transform_3, window_bounds = array<i64: 2000, 128>}]} {
    %get3A = arith.constant 0 : index
    %get3A_0 = arith.constant 0 : index
    %get3A_1 = arith.constant 0 : index
    %get3A_2 = vector.load %arg1[%get3A, %get3A_0, %get3A_1] : memref<2x2000x128xf32, #tpu.memory_space<vmem>>, vector<1x2000x128xf32>
    %get3A_3 = vector.shape_cast %get3A_2 : vector<1x2000x128xf32> to vector<2000x128xf32>
    %get3A_4 = arith.constant 1 : index
    %get3A_5 = arith.constant 0 : index
    %get3A_6 = arith.constant 0 : index
    %get3A_7 = vector.load %arg1[%get3A_4, %get3A_5, %get3A_6] : memref<2x2000x128xf32, #tpu.memory_space<vmem>>, vector<1x2000x128xf32>
    %get3A_8 = vector.shape_cast %get3A_7 : vector<1x2000x128xf32> to vector<2000x128xf32>
    %add3A = arith.addf %get3A_3, %get3A_8 : vector<2000x128xf32>
    %get3A_9 = arith.constant 0 : index
    %get3A_10 = arith.constant 0 : index
    %get3A_11 = vector.load %arg2[%get3A_9, %get3A_10] : memref<2000x1xf32, #tpu.memory_space<vmem>>, vector<2000x1xf32>
    %mul3A = vector.broadcast %get3A_11 : vector<2000x1xf32> to vector<2000x128xf32>
    %mul3A_12 = arith.mulf %add3A, %mul3A : vector<2000x128xf32>
    %get3A_13 = arith.constant 0 : index
    %get3A_14 = arith.constant 0 : index
    %get3A_15 = vector.load %arg3[%get3A_13, %get3A_14] : memref<2000x128xf32, #tpu.memory_space<vmem>>, vector<2000x128xf32>
    %add3A_16 = arith.addf %mul3A_12, %get3A_15 : vector<2000x128xf32>
    %swap3A = arith.constant 0 : index
    %swap3A_17 = arith.constant 0 : index
    %swap3A_18 = vector.load %arg4[%swap3A, %swap3A_17] : memref<2000x128xf32, #tpu.memory_space<vmem>>, vector<2000x128xf32>
    tpu.vector_store %arg4[%swap3A, %swap3A_17], %add3A_16 {strides = array<i32>} : memref<2000x128xf32, #tpu.memory_space<vmem>>, vector<2000x128xf32>,
    return
  }
  func.func @transform_0(%arg0: i32) -> (i32, i32, i32) {
    %c0_i32 = arith.constant 0 : i32
    %c0_i32_0 = arith.constant 0 : i32
    %c0_i32_1 = arith.constant 0 : i32
    return %c0_i32, %arg0, %c0_i32_0 : i32, i32, i32
  }
  func.func @transform_1(%arg0: i32) -> (i32, i32) {
    %c0_i32 = arith.constant 0 : i32
    %c0_i32_0 = arith.constant 0 : i32
    return %arg0, %c0_i32 : i32, i32
  }
  func.func @transform_2(%arg0: i32) -> (i32, i32) {
    %c0_i32 = arith.constant 0 : i32
    %c0_i32_0 = arith.constant 0 : i32
    return %arg0, %c0_i32 : i32, i32
  }
  func.func @transform_3(%arg0: i32) -> (i32, i32) {
    %c0_i32 = arith.constant 0 : i32
    %c0_i32_0 = arith.constant 0 : i32
    return %arg0, %c0_i32 : i32, i32
  }
}

</mosaic_0001>

<sc_bundles>
// kernel: kernel.11.cloned.1.call-start
scs
__scs_entry_jumppad:
0x0: {  	(pc) =	sbr.rel $0x88, $3  }
0x1: {  	(tag) =	ssettag $0x0;
	lr =	simm.s32 $0x1  }
0x2: {  	[smem:$0x3F99] =	sst lr;
	_ =	strace $0xD0000000  }
0x3: {  	_ = 	snop  }
0x4: {  	_ = 	snop  }
0x5: {  	_ = 	snop  }
0x6: {  	_ = 	snop  }
0x7: {  	_ = 	snop  }
__scs_overlays_trampoline_lowered:
0x8: {  	[smem:$0x3FA8] =	sst s0  }
0x9: {  	[smem:$0x3FA9] =	sst s1  }
0xa: {  	[smem:$0x3FAA] =	sst s2  }
0xb: {  	[smem:$0x3FAB] =	sst s3  }
0xc: {  	[smem:$0x3FAC] =	sst s4  }
0xd: {  	[smem:$0x3FAD] =	sst s5  }
0xe: {  	[smem:$0x3FAE] =	sst s6  }
0xf: {  	[smem:$0x3FAF] =	sst s7  }
0x10: {  	[smem:$0x3FB0] =	sst s8  }
0x11: {  	[smem:$0x3FB1] =	sst s9;
	s0 =	simm.s32 @!p0 $0x0  }
0x12: {  	s1 =	sld [smem:$0x3F97];
	s0 =	simm.s32 @p0 $0x1  }
0x13: {  	[smem:$0x3FB2] =	sst s0;
	s0 =	simm.s32 @!p1 $0x0  }
0x14: {  	s2 =	sld [smem:$0x3F96];
	s0 =	simm.s32 @p1 $0x1  }
0x15: {  	[smem:$0x3FB3] =	sst s0;
	s0 =	simm.s32 @!p2 $0x0  }
0x16: {  	s3 =	sld [smem:$0x3FDB];
	s0 =	simm.s32 @p2 $0x1  }
0x17: {  	s4 =	simm.s32 $0x1BF5;
	[smem:$0x3FB5] =	sst s0  }
0x18: {  	s0 =	sld [smem:$0x3F98];
	_ =	swait.ge [sflag:s4], $0x0  }
0x19: {  	s7 =	sld [smem:$0x3F99]  }
0x1a: {  	s8 =	sadd.s32 $0xFFFFE003, lr  }
0x1b: {  	s9 =	sadd.s32 $0xFFFFFEF7, lr;
	s5 =	simm.s32 $0xFFFFFFFF;
	p2 =	slt.u32 s8, $0xFFFFF086  }
0x1c: {  	p1 =	slt.u32 s9, $0xF7A;
	s5 =	simm.s32 @!p2 $0x0  }
0x1d: {  	s5 =	simm.s32 @p1 $0x1;
	p0 =	seq.s32 s7, s2  }
0x1e: {  	s7 =	smul.u32 @!p0 $0xF7A, s2;
	p2 =	seq.s32 @!p0 s5, $0x0  }
0x1f: {  	s9 =	smul.u32 $0xF7A, s1;
	s8 =	simm.s32 @!p0 $0x1BF5;
	p2 =	por !p2, p0  }
0x20: {  	[sflag:s8] =	ssyncset.s32 @!p0 $0xFFFFF086;
	s6 =	sadd.s32 @!p0 s3, s7;
	s7 =	simm.s32 @!p0 $0x108  }
0x21: {  	s3 =	sadd.s32 s3, s9;
	s6 =	sadd.s32 @!p0 $0x88, s6;
	s7 =	simm.s32 @p2 $0x1082  }
0x22: {  	[simem:s7], [sflag:s8] =	dma.local @!p0 [hbm:s6], $0xF7A  }
0x23: {  	s9 =	sor.u32 $0xD0000000, s2;
	s6 =	simm.s32 $0x108;
	_ =	swait.ge @!p0 [sflag:s8], $0x0  }
0x24: {  	s3 =	sadd.s32 $0x88, s3;
	s6 =	simm.s32 @!p1 $0x1082;
	[sflag:s4] =	ssyncset.s32 $0xFFFFF086  }
0x25: {  	[simem:s6], [sflag:s4] =	dma.local [hbm:s3], $0xF7A  }
0x26: {  	[smem:$0x3F99] =	sst s1;
	(tag) =	ssettag s2;
	_ =	strace s9  }
0x27: {  	s1 =	sld [smem:$0x3FA9]  }
0x28: {  	s2 =	sld [smem:$0x3FAA]  }
0x29: {  	s4 =	sld [smem:$0x3FAC]  }
0x2a: {  	p0 =	seq.s32 s5, $0x0;
	s5 =	sld [smem:$0x3FAD]  }
0x2b: {  	s6 =	sld [smem:$0x3FAE]  }
0x2c: {  	s7 =	sld [smem:$0x3FAF]  }
0x2d: {  	s3 =	simm.s32 $0x108;
	s8 =	sld [smem:$0x3FB0]  }
0x2e: {  	s3 =	simm.s32 @!p0 $0x1082;
	s9 =	sld [smem:$0x3FB1]  }
0x2f: {  	lr =	sadd.s32 s0, s3;
	s0 =	sld [smem:$0x3FA8]  }
0x30: {  	s3 =	sld [smem:$0x3FAB]  }
0x31: {  	[smem:$0x3FB4] =	sst s10  }
0x32: {  	s10 =	sld [smem:$0x3FB2];
	_ =	sdelay $0x3  }
0x33: {  	p0 =	seq.s32 s10, $0x1;
	s10 =	sld [smem:$0x3FB4];
	_ =	sdelay $0x3  }
0x34: {  	[smem:$0x3FB4] =	sst s10  }
0x35: {  	s10 =	sld [smem:$0x3FB3];
	_ =	sdelay $0x3  }
0x36: {  	p1 =	seq.s32 s10, $0x1;
	s10 =	sld [smem:$0x3FB4];
	_ =	sdelay $0x3  }
0x37: {  	[smem:$0x3FB4] =	sst s10  }
0x38: {  	s10 =	sld [smem:$0x3FB5]  }
0x39: {  	_ = 	snop;
	(pc) =	sbr.ind lr, $3  }
0x3a: {  	_ = 	snop  }
0x3b: {  	_ = 	snop  }
0x3c: {  	p2 =	seq.s32 s10, $0x1;
	s10 =	sld [smem:$0x3FB4]  }
0x3d: {  	_ =	shalt  }
0x3e: {  	_ =	shalt  }
0x3f: {  	_ =	shalt  }
0x40: {  	_ =	shalt  }
0x41: {  	_ =	shalt  }
0x42: {  	_ =	shalt  }
0x43: {  	_ =	shalt  }
0x44: {  	_ =	shalt  }
0x45: {  	_ =	shalt  }
0x46: {  	_ =	shalt  }
0x47: {  	_ =	shalt  }
0x48: {  	_ =	shalt  }
0x49: {  	_ =	shalt  }
0x4a: {  	_ =	shalt  }
0x4b: {  	_ =	shalt  }
0x4c: {  	_ =	shalt  }
0x4d: {  	_ =	shalt  }
0x4e: {  	_ =	shalt  }
0x4f: {  	_ =	shalt  }
0x50: {  	_ =	shalt  }
0x51: {  	_ =	shalt  }
0x52: {  	_ =	shalt  }
0x53: {  	_ =	shalt  }
0x54: {  	_ =	shalt  }
0x55: {  	_ =	shalt  }
0x56: {  	_ =	shalt  }
0x57: {  	_ =	shalt  }
0x58: {  	_ =	shalt  }
0x59: {  	_ =	shalt  }
0x5a: {  	_ =	shalt  }
0x5b: {  	_ =	shalt  }
0x5c: {  	_ =	shalt  }
0x5d: {  	_ =	shalt  }
0x5e: {  	_ =	shalt  }
0x5f: {  	_ =	shalt  }
0x60: {  	_ =	shalt  }
0x61: {  	_ =	shalt  }
0x62: {  	_ =	shalt  }
0x63: {  	_ =	shalt  }
0x64: {  	_ =	shalt  }
0x65: {  	_ =	shalt  }
0x66: {  	_ =	shalt  }
0x67: {  	_ =	shalt  }
0x68: {  	_ =	shalt  }
0x69: {  	_ =	shalt  }
0x6a: {  	_ =	shalt  }
0x6b: {  	_ =	shalt  }
0x6c: {  	_ =	shalt  }
0x6d: {  	_ =	shalt  }
0x6e: {  	_ =	shalt  }
0x6f: {  	_ =	shalt  }
0x70: {  	_ =	shalt  }
0x71: {  	_ =	shalt  }
0x72: {  	_ =	shalt  }
0x73: {  	_ =	shalt  }
0x74: {  	_ =	shalt  }
0x75: {  	_ =	shalt  }
0x76: {  	_ =	shalt  }
0x77: {  	_ =	shalt  }
0x78: {  	_ =	shalt  }
0x79: {  	_ =	shalt  }
0x7a: {  	_ =	shalt  }
0x7b: {  	_ =	shalt  }
0x7c: {  	_ =	shalt  }
0x7d: {  	_ =	shalt  }
0x7e: {  	_ =	shalt  }
0x7f: {  	_ =	shalt  }
0x80: {  	_ =	shalt  }
0x81: {  	_ =	shalt  }
0x82: {  	_ =	shalt  }
0x83: {  	_ =	shalt  }
0x84: {  	_ =	shalt  }
0x85: {  	_ =	shalt  }
0x86: {  	_ =	shalt  }
0x87: {  	_ =	shalt  }
.Lfunc_end0:
.L_simem_size_0:
called_computation.1_lowered:
.L_overlay_start_0:
0x88: {  	s2 =	sld [smem:$0x3FD9]  }
0x89: {  	s3 =	sld [smem:$0x3FFE];
	_ =	sdelay $0x1  }
0x8a: {  	s1 =	srdreg.scid  }
0x8b: {  	s0 =	sand.u32 $0x1, s1  }
0x8c: {  	s17 =	sshll.u32 s0, $0xA;
	s2 =	sadd.s32 s3, s2  }
0x8d: {  	s2 =	sadd.s32 s2, s17  }
0x8e: {  	[smem:$0x3FC0] =	sst s2  }
0x8f: {  	_ = 	snop  }
0x90: {  	s2 =	sld [smem:$0x3FD0];
	(tm) =	ssettm $0x1  }
0x91: {  	s18 =	sld [smem:$0x3FFB];
	_ =	sdelay $0x3  }
0x92: {  	_ =	strace s18  }
0x93: {  	s3 =	sld [smem:$0x3FFC];
	_ =	sdelay $0x3  }
0x94: {  	_ =	strace s3  }
0x95: {  	s3 =	sld [smem:$0x3FFD];
	_ =	sdelay $0x3  }
0x96: {  	_ =	strace s3  }
0x97: {  	_ =	strace $0x8FFFFFFF  }
0x98: {  	s19 =	sld [smem:$0x3FDB];
	_ =	sdelay $0x1  }
0x99: {  	s4 =	simm.s32 $_scs_section_size  }
0x9a: {  	s5 =	simm.s32 $_size__tile_overlayer_lowered;
	s6 =	simm.s32 $_tile_overlayer_lowered  }
0x9b: {  	s22 =	simm.s32 $0x1BFF;
	s21 =	sshll.u32 s6, $0x1;
	s3 =	sadd.s32 s4, s19  }
0x9c: {  	s7 =	simm.s32 $0x0;
	s20 =	sshll.u32 s5, $0x1;
	s5 =	sadd.s32 s21, s3  }
0x9d: {  	[timem:s7], [sflag:s22] =	dma.local [hbm:s5], s20  }
0x9e: {  	_ =	swait.ge [sflag:s22], s20  }
0x9f: {  	s4 =	ssub.s32 $0x0, s20;
	[sflag:s22] =	ssyncset.done $0x0  }
0xa0: {  	[sflag:s22] =	ssyncadd.s32 s4;
	_ =	sdelay $0x1  }
0xa1: {  	s23 =	simm.s32 $0x1B8B  }
0xa2: {  	_ =	swait.ge [sflag:s23], $0x1  }
0xa3: {  	[sflag:s23] =	ssyncset.done $0x0  }
0xa4: {  	s25 =	simm.s32 $0x1B8E;
	s24 =	sld [smem:$0x3FFE];
	[sflag:s23] =	ssyncadd.s32 $0xFFFFFFFF  }
0xa5: {  	s26 =	simm.s32 $execute0_lowered;
	[smem:$0x3FD2] =	sst s25  }
0xa6: {  	s5 =	sshll.u32 s26, $0x1;
	_ =	strace $0x80000046;
	[dreg:$0x1] =	wrdreg $0xFFFFFFFF  }
0xa7: {  	s28 =	simm.s32 $_size_execute0_lowered;
	s3 =	sadd.s32 s3, s5;
	[dreg:$0x0] =	wrdreg $0x0  }
0xa8: {  	s5 =	sshll.u32 s28, $0x1;
	[dreg:$0x2] =	wrdreg s3  }
0xa9: {  	[dreg:$0x3] =	wrdreg s5  }
0xaa: {  	[dreg:$0x4] =	wrdreg $0xC0  }
0xab: {  	_ =	task [dreg:s7], $0x5FFFF  }
0xac: {  	[dreg:$0x1] =	wrdreg $0xFFFFFFFF  }
0xad: {  	[dreg:$0x0] =	wrdreg $0x60  }
0xae: {  	[dreg:$0x2] =	wrdreg s2  }
0xaf: {  	[dreg:$0x3] =	wrdreg s24  }
0xb0: {  	[dreg:$0x4] =	wrdreg $0x0  }
0xb1: {  	[dreg:$0x5] =	wrdreg $0xA  }
0xb2: {  	_ =	task.clear_ibuf [dreg:s7], $0x6FFFF;
	_ =	strace $0x90000046  }
0xb3: {  	s29 =	simm.s32 $0xA;
	_ =	strace $0x80000048  }
0xb4: {  	_ =	swait.ge [sflag:s29], $0x1  }
0xb5: {  	[sflag:s29] =	ssyncadd.s32 $0xFFFFFFFF  }
0xb6: {  	_ =	strace $0x90000048  }
0xb7: {  	_ =	sfence  }
0xb8: {  	s30 =	sld [smem:$0x0];
	_ =	sdelay $0x2  }
0xb9: {  	s31 =	sshll.u32 s1, $0xD;
	s1 =	sshrl.u32 s1, $0x2  }
0xba: {  	s3 =	sand.u32 $0x4000, s31;
	s1 =	sadd.s32 s1, s30  }
0xbb: {  	s0 =	sor.u32 s3, s0;
	s1 =	sshll.u32 s1, $0x11  }
0xbc: {  	s0 =	sor.u32 s1, s0  }
0xbd: {  	s0 =	sadd.s32 $0x8F2B, s0  }
0xbe: {  	[sflag:s0] =	ssyncadd.remote.s32 $0x1  }
0xbf: {  	_ =	sfence.sel $0xFFFF  }
0xc0: {  	[dreg:$0x0] =	wrdreg $0xFFFFFFFF;
	(pc) =	sbr.abs _section_cstart, $3  }
0xc1: {  	[dreg:$0x1] =	wrdreg $0xFFFFFFFF  }
0xc2: {  	_ =	task.clear_ibuf [dreg:s7], $0x2FFFF;
	_ =	strace $0x9FFFFFFF  }
0xc3: {  	(tm) =	ssettm $0x7FFFFFFF  }
tec
execute0_lowered:
.L_overlay_start_1:
0x0: {  	(tag) =	ssettag $0x1  }
0x1: {  	s1 =	rddreg [dreg:$0x0]  }
0x2: {  	s0 =	rddreg [dreg:$0x1]  }
0x3: {  	s2 =	rddreg [dreg:$0x2];
	s4 =	simm.s32 $0x0  }
0x4: {  	s3 =	srdreg.scid;
	s12 =	stileid.u32;
	s28 =	simm.s32 $0x1A480  }
0x5: {  	s29 =	simm.s32 $0x1C480;
	s30 =	simm.s32 $0x1;
	s31 =	simm.s32 $0x2  }
0x6: {  	[smem:$0x7FF] =	sst s4;
	s5 =	sadd.s32 $0x1E00, s0;
	s3 =	sand.u32 $0x1, s3  }
0x7: {  	s7 =	smul.u32 $0x4F000, s12;
	s6 =	sadd.s32 $0xBE00, s0;
	s20 =	sadd.s32 $0x138400, s2  }
0x8: {  	s0 =	sadd.s32 $0x15E00, s0;
	s21 =	smul.u32 $0x13800, s12;
	s22 =	sadd.s32 $0x13C400, s2  }
0x9: {  	s23 =	smul.u32 $0x4E000, s12;
	p0 =	seq.s32 s12, $0xF;
	p1 =	sne.s32 s12, $0xF  }
0xa: {  	_ =	strace $0x80000047;
	s8 =	ssub.s32 $0x2, s3;
	[dreg:$0x7] =	wrdreg s20  }
0xb: {  	s10 =	sshll.u32 s3, $0x4;
	s3 =	smul.u32 $0x138800, s3;
	[dreg:$0x9] =	wrdreg s22  }
0xc: {  	s20 =	simm.s32 $0x13C80;
	s22 =	simm.s32 $0x40;
	s9 =	sshrl.u32 s8, $0x1  }
0xd: {  	s7 =	sshrl.u32 s7, $0x2;
	s16 =	sor.u32 s12, s10;
	s25 =	sshrl.u32 s23, $0x2  }
0xe: {  	s23 =	simm.s32 $0x13CC0;
	s10 =	simm.s32 $0x15040;
	s12 =	simm.s32 $0x16400  }
0xf: {  	s8 =	ssub.s32 s8, s9;
	s7 =	sadd.s32 s7, s2;
	s14 =	smul.u32 $0x50, s16  }
0x10: {  	s24 =	sadd.s32 s21, s3;
	s3 =	sshrl.u32 s3, $0x3;
	s17 =	sadd.s32 $0x4000, s7  }
0x11: {  	s26 =	sadd.s32 s25, s2;
	s18 =	sadd.s32 $0x8000, s7;
	[dreg:$0x4] =	wrdreg s17  }
0x12: {  	s21 =	simm.s32 $0x15080;
	s19 =	sadd.s32 $0xC000, s7;
	[dreg:$0x5] =	wrdreg s18  }
0x13: {  	s11 =	sadd.s32 $0x10000, s7;
	s9 =	sshrl.u32 s24, $0x3;
	[dreg:$0x6] =	wrdreg s19  }
0x14: {  	s3 =	sadd.s32 s0, s3;
	s8 =	smax.u32 s8, $0x1;
	[dreg:$0x8] =	wrdreg s11  }
0x15: {  	s0 =	sadd.s32 s0, s9;
	s3 =	sadd.s32 $0x27000, s3;
	[dreg:$0xc] =	wrdreg s8  }
0x16: {  	s18 =	simm.s32 $0x16480;
	s19 =	simm.s32 $0x5;
	s8 =	simm.s32 $0x4  }
0x17: {  	s9 =	simm.s32 $0x15000;
	s11 =	simm.s32 $0x16380;
	[dreg:$0xa] =	wrdreg s0  }
0x18: {  	[dreg:$0xb] =	wrdreg s3;
	s3 =	sadd.s32 $0x138000, s2;
	s0 =	sshrl.u32 s26, $0x3  }
0x19: {  	s26 =	simm.s32 $0x18480;
	[dreg:$0xd] =	wrdreg s0;
	s0 =	sshrl.u32 @!p1 s3, $0x3  }
0x1a: {  	v0 =	vimm.f32 $0.0e+00;
	s3 =	simm.s32 $0x3;
	[dreg:$0xe] =	wrdreg s0;
	s0 =	simm.s32 $0x80  }
.LBB2_1:
0x1b: {  	s13 =	simm.s32 $0x0;
	s15 =	simm.s32 $0x200  }
.LBB2_2:
0x1c: {  	p2 =	sne.s32 s15, $0xFE00;
	[tilespmem:s13+$0x164F0] =	vst v0  }
0x1d: {  	[tilespmem:s13+$0x16480] =	vst v0  }
0x1e: {  	[tilespmem:s13+$0x16490] =	vst v0  }
.Ltmp0:
0x1f: {  	[tilespmem:s13+$0x164A0] =	vst v0;
	(pc) =	sbr.rel @p2 .LBB2_2-.Ltmp0, $4  }
0x20: {  	[tilespmem:s13+$0x164B0] =	vst v0  }
0x21: {  	[tilespmem:s13+$0x164C0] =	vst v0  }
0x22: {  	[tilespmem:s13+$0x164D0] =	vst v0  }
0x23: {  	[tilespmem:s13+$0x164E0] =	vst v0;
	s13 =	sshra.s32 s15, $0x2;
	s15 =	sadd.s32 $0x200, s15  }
0x24: {  	[tilespmem:s13+$0x164F0] =	vst v0  }
0x25: {  	[tilespmem:s13+$0x16480] =	vst v0  }
0x26: {  	[tilespmem:s13+$0x16490] =	vst v0  }
0x27: {  	[tilespmem:s13+$0x164A0] =	vst v0  }
0x28: {  	[tilespmem:s13+$0x164B0] =	vst v0  }
0x29: {  	[tilespmem:s13+$0x164C0] =	vst v0  }
0x2a: {  	[tilespmem:s13+$0x164D0] =	vst v0  }
0x2b: {  	[tilespmem:s13+$0x164E0] =	vst v0  }
0x2c: {  	[spmem:s7] =	stream.linear.scatter [tilespmem:s18], [sflag:$0x5], $0x4000, $0x38;
	[tilespmem:$0x1E480] =	vst v63  }
0x2d: {  	_ =	swait.ge [sflag:s19], $0x4000  }
0x2e: {  	[sflag:s19] =	ssyncset.done $0x0  }
0x2f: {  	s17 =	rddreg [dreg:$0x4];
	[sflag:s19] =	ssyncadd.s32 $0xFFFFC000  }
0x30: {  	[spmem:s17] =	stream.linear.scatter [tilespmem:s18], [sflag:$0x5], $0x4000, $0x38;
	[tilespmem:$0x1E480] =	vst v63  }
0x31: {  	_ =	swait.ge [sflag:s19], $0x4000  }
0x32: {  	[sflag:s19] =	ssyncset.done $0x0  }
0x33: {  	s24 =	rddreg [dreg:$0x5];
	[sflag:s19] =	ssyncadd.s32 $0xFFFFC000  }
0x34: {  	[spmem:s24] =	stream.linear.scatter [tilespmem:s18], [sflag:$0x5], $0x4000, $0x38;
	[tilespmem:$0x1E480] =	vst v63  }
0x35: {  	_ =	swait.ge [sflag:s19], $0x4000  }
0x36: {  	[sflag:s19] =	ssyncset.done $0x0  }
0x37: {  	s25 =	rddreg [dreg:$0x6];
	[sflag:s19] =	ssyncadd.s32 $0xFFFFC000  }
0x38: {  	[spmem:s25] =	stream.linear.scatter [tilespmem:s18], [sflag:$0x5], $0x4000, $0x38;
	[tilespmem:$0x1E480] =	vst v63  }
0x39: {  	_ =	swait.ge [sflag:s19], $0x4000  }
0x3a: {  	[sflag:s19] =	ssyncset.done $0x0  }
0x3b: {  	s13 =	simm.s32 @p0 $0x16480;
	s15 =	rddreg [dreg:$0x7];
	[sflag:s19] =	ssyncadd.s32 $0xFFFFC000  }
0x3c: {  	[spmem:s15] =	stream.linear.scatter @p0 [tilespmem:s13], [sflag:$0x5], $0x4000, $0x38;
	[tilespmem:$0x1E480] =	vst v63  }
0x3d: {  	s15 =	simm.s32 @p0 $0x5  }
0x3e: {  	_ =	swait.ge @p0 [sflag:s15], $0x4000  }
0x3f: {  	[sflag:s15] =	ssyncset.done @p0 $0x0  }
0x40: {  	s16 =	rddreg [dreg:$0x9];
	[sflag:s15] =	ssyncadd.s32 @p0 $0xFFFFC000  }
0x41: {  	[spmem:s16] =	stream.linear.scatter @p0 [tilespmem:s13], [sflag:$0x5], $0x400, $0x38;
	[tilespmem:$0x1E480] =	vst v63  }
0x42: {  	_ =	swait.ge @p0 [sflag:s15], $0x400  }
0x43: {  	[sflag:s15] =	ssyncset.done @p0 $0x0  }
0x44: {  	s13 =	simm.s32 @!p0 $0x16480;
	[sflag:s15] =	ssyncadd.s32 @p0 $0xFFFFFC00;
	s15 =	rddreg [dreg:$0x8]  }
0x45: {  	[spmem:s15] =	stream.linear.scatter @!p0 [tilespmem:s13], [sflag:$0x5], $0x3C00, $0x38;
	[tilespmem:$0x1E480] =	vst v63  }
0x46: {  	s13 =	simm.s32 @!p0 $0x5  }
0x47: {  	_ =	swait.ge @!p0 [sflag:s13], $0x3C00  }
0x48: {  	[sflag:s13] =	ssyncset.done @!p0 $0x0  }
0x49: {  	p3 =	por $0x1, $0x1;
	[sflag:s13] =	ssyncadd.s32 @!p0 $0xFFFFC400  }
0x4a: {  	s15 =	simm.s32 $0x0;
	s13 =	simm.s32 $0x0;
	[bflag:$0x0] =	sbarrier.arrive $0xFFFF  }
.LBB2_4:
0x4b: {  	s15 =	sadd.s32 s14, s15  }
0x4c: {  	s15 =	sshll.u32 s15, $0x4  }
0x4d: {  	s16 =	sadd.s32 s5, s15  }
0x4e: {  	[tilespmem:s20], [sflag:$0x5] =	stream.linear.gather [hbm4b:s16+s13], $0x1400, $0x38;
	[tilespmem:$0x1E480] =	vst v63  }
0x4f: {  	_ =	swait.ge [sflag:s19], $0x1400  }
0x50: {  	[sflag:s19] =	ssyncset.done $0x0  }
0x51: {  	s15 =	sadd.s32 s6, s15;
	[sflag:s19] =	ssyncadd.s32 $0xFFFFEC00  }
0x52: {  	[tilespmem:s21], [sflag:$0x5] =	stream.linear.gather [hbm4b:s15+s13], $0x1400, $0x38;
	[tilespmem:$0x1E480] =	vst v63  }
0x53: {  	_ =	swait.ge [sflag:s19], $0x1400  }
0x54: {  	[sflag:s19] =	ssyncset.done $0x0  }
0x55: {  	[sflag:s19] =	ssyncadd.s32 $0xFFFFEC00  }
0x56: {  	[tilespmem:s18], [sflag:$0x1] =	stream.indirect.gather [hbm4b:s1+s22], $0x80, s20, s22, $0xb8;
	[tilespmem:$0x1E480] =	vst v63  }
0x57: {  	_ = 	snop  }
0x58: {  	[tilespmem:s26], [sflag:$0x2] =	stream.indirect.gather [hbm4b:s1+s22], $0x80, s23, s22, $0xb8;
	[tilespmem:$0x1E480] =	vst v63  }
0x59: {  	s24 =	simm.s32 $0x13D00  }
0x5a: {  	[tilespmem:s28], [sflag:$0x3] =	stream.indirect.gather [hbm4b:s1+s22], $0x80, s24, s22, $0xb8;
	[tilespmem:$0x1E480] =	vst v63  }
0x5b: {  	s25 =	simm.s32 $0x13D40  }
0x5c: {  	[tilespmem:s29], [sflag:$0x4] =	stream.indirect.gather [hbm4b:s1+s22], $0x80, s25, s22, $0xb8;
	[tilespmem:$0x1E480] =	vst v63  }
0x5d: {  	_ =	swait.ge [sflag:s30], $0x2000  }
0x5e: {  	[sflag:s30] =	ssyncset.done $0x0  }
0x5f: {  	[sflag:s30] =	ssyncadd.s32 $0xFFFFE000  }
0x60: {  	_ =	swait.ge [sflag:s31], $0x2000  }
0x61: {  	[sflag:s31] =	ssyncset.done $0x0  }
0x62: {  	s16 =	simm.s32 $0x15080;
	[sflag:s31] =	ssyncadd.s32 $0xFFFFE000  }
0x63: {  	[spmem:s2] =	stream.indirect.scatter.add.f32 [tilespmem:s18], [sflag:$0x5], $0x80, s16, s0, $0xb8;
	[tilespmem:$0x1E480] =	vst v63  }
0x64: {  	_ =	swait.ge [sflag:s19], $0x4000  }
0x65: {  	[sflag:s19] =	ssyncset.done $0x0  }
0x66: {  	s17 =	simm.s32 $0x13D80;
	[sflag:s19] =	ssyncadd.s32 $0xFFFFC000  }
0x67: {  	[tilespmem:s18], [sflag:$0x1] =	stream.indirect.gather [hbm4b:s1+s22], $0x80, s17, s22, $0xb8;
	[tilespmem:$0x1E480] =	vst v63  }
0x68: {  	s24 =	simm.s32 $0x13DC0  }
0x69: {  	[tilespmem:s26], [sflag:$0x2] =	stream.indirect.gather [hbm4b:s1+s22], $0x80, s24, s22, $0xb8;
	[tilespmem:$0x1E480] =	vst v63  }
0x6a: {  	_ =	swait.ge [sflag:s3], $0x2000  }
0x6b: {  	[sflag:s3] =	ssyncset.done $0x0  }
0x6c: {  	[sflag:s3] =	ssyncadd.s32 $0xFFFFE000  }
0x6d: {  	_ =	swait.ge [sflag:s8], $0x2000  }
0x6e: {  	[sflag:s8] =	ssyncset.done $0x0  }
0x6f: {  	s25 =	simm.s32 $0x15100;
	[sflag:s8] =	ssyncadd.s32 $0xFFFFE000  }
0x70: {  	[spmem:s2] =	stream.indirect.scatter.add.f32 [tilespmem:s28], [sflag:$0x5], $0x80, s25, s0, $0xb8;
	[tilespmem:$0x1E480] =	vst v63  }
0x71: {  	p2 =	por p3, p3;
	_ =	swait.ge [sflag:s19], $0x4000  }
0x72: {  	s15 =	simm.s32 $0x100;
	s16 =	simm.s32 $0x800;
	[sflag:s19] =	ssyncset.done $0x0  }
.LBB2_5:
0x73: {  	s17 =	sadd.s32 $0x13D00, s15  }
0x74: {  	[sflag:s19] =	ssyncadd.s32 $0xFFFFC000;
	s24 =	smov.u32 s16;
	s25 =	sadd.s32 $0x400, s16  }
0x75: {  	[tilespmem:s28], [sflag:$0x3] =	stream.indirect.gather [hbm4b:s1+s22], $0x80, s17, s22, $0xb8;
	[tilespmem:$0x1E480] =	vst v63  }
0x76: {  	p3 =	sne.s32 s16, $0x4800;
	s16 =	sadd.s32 $0x13D40, s15  }
0x77: {  	[tilespmem:s29], [sflag:$0x4] =	stream.indirect.gather [hbm4b:s1+s22], $0x80, s16, s22, $0xb8;
	[tilespmem:$0x1E480] =	vst v63  }
0x78: {  	_ =	swait.ge [sflag:s30], $0x2000  }
0x79: {  	[sflag:s30] =	ssyncset.done $0x0  }
0x7a: {  	[sflag:s30] =	ssyncadd.s32 $0xFFFFE000  }
0x7b: {  	_ =	swait.ge [sflag:s31], $0x2000  }
0x7c: {  	[sflag:s31] =	ssyncset.done $0x0  }
0x7d: {  	s16 =	sadd.s32 $0x15080, s15;
	[sflag:s31] =	ssyncadd.s32 $0xFFFFE000  }
0x7e: {  	[spmem:s2] =	stream.indirect.scatter.add.f32 [tilespmem:s18], [sflag:$0x5], $0x80, s16, s0, $0xb8;
	[tilespmem:$0x1E480] =	vst v63  }
0x7f: {  	_ =	swait.ge [sflag:s19], $0x4000  }
0x80: {  	[sflag:s19] =	ssyncset.done $0x0  }
0x81: {  	s16 =	sadd.s32 $0x13D80, s15;
	[sflag:s19] =	ssyncadd.s32 $0xFFFFC000  }
0x82: {  	[tilespmem:s18], [sflag:$0x1] =	stream.indirect.gather [hbm4b:s1+s22], $0x80, s16, s22, $0xb8;
	[tilespmem:$0x1E480] =	vst v63  }
0x83: {  	s16 =	sadd.s32 $0x13DC0, s15  }
0x84: {  	[tilespmem:s26], [sflag:$0x2] =	stream.indirect.gather [hbm4b:s1+s22], $0x80, s16, s22, $0xb8;
	[tilespmem:$0x1E480] =	vst v63  }
0x85: {  	_ =	swait.ge [sflag:s3], $0x2000  }
0x86: {  	[sflag:s3] =	ssyncset.done $0x0  }
0x87: {  	[sflag:s3] =	ssyncadd.s32 $0xFFFFE000  }
0x88: {  	_ =	swait.ge [sflag:s8], $0x2000  }
.Ltmp1:
0x89: {  	[sflag:s8] =	ssyncset.done $0x0;
	(pc) =	sbr.rel @p3 .LBB2_5-.Ltmp1, $4  }
0x8a: {  	s15 =	sadd.s32 $0x15100, s15;
	[sflag:s8] =	ssyncadd.s32 $0xFFFFE000  }
0x8b: {  	[spmem:s2] =	stream.indirect.scatter.add.f32 [tilespmem:s28], [sflag:$0x5], $0x80, s15, s0, $0xb8;
	[tilespmem:$0x1E480] =	vst v63  }
0x8c: {  	_ =	swait.ge [sflag:s19], $0x4000  }
0x8d: {  	s16 =	smov.u32 s25;
	s15 =	sshra.s32 s24, $0x2;
	[sflag:s19] =	ssyncset.done $0x0  }
0x8e: {  	s16 =	sadd.s32 $0x13D00, s15;
	[sflag:s19] =	ssyncadd.s32 $0xFFFFC000  }
0x8f: {  	[tilespmem:s28], [sflag:$0x3] =	stream.indirect.gather [hbm4b:s1+s22], $0x80, s16, s22, $0xb8;
	[tilespmem:$0x1E480] =	vst v63  }
0x90: {  	s24 =	sadd.s32 $0x13D40, s15  }
0x91: {  	[tilespmem:s29], [sflag:$0x4] =	stream.indirect.gather [hbm4b:s1+s22], $0x80, s24, s22, $0xb8;
	[tilespmem:$0x1E480] =	vst v63  }
0x92: {  	_ =	swait.ge [sflag:s30], $0x2000  }
0x93: {  	[sflag:s30] =	ssyncset.done $0x0  }
0x94: {  	[sflag:s30] =	ssyncadd.s32 $0xFFFFE000  }
0x95: {  	_ =	swait.ge [sflag:s31], $0x2000  }
0x96: {  	[sflag:s31] =	ssyncset.done $0x0  }
0x97: {  	s25 =	sadd.s32 $0x15080, s15;
	[sflag:s31] =	ssyncadd.s32 $0xFFFFE000  }
0x98: {  	[spmem:s2] =	stream.indirect.scatter.add.f32 [tilespmem:s18], [sflag:$0x5], $0x80, s25, s0, $0xb8;
	[tilespmem:$0x1E480] =	vst v63  }
0x99: {  	_ =	swait.ge [sflag:s19], $0x4000  }
0x9a: {  	[sflag:s19] =	ssyncset.done $0x0  }
0x9b: {  	s17 =	sadd.s32 $0x13D80, s15;
	[sflag:s19] =	ssyncadd.s32 $0xFFFFC000  }
0x9c: {  	[tilespmem:s18], [sflag:$0x1] =	stream.indirect.gather [hbm4b:s1+s22], $0x80, s17, s22, $0xb8;
	[tilespmem:$0x1E480] =	vst v63  }
0x9d: {  	s24 =	sadd.s32 $0x13DC0, s15  }
0x9e: {  	[tilespmem:s26], [sflag:$0x2] =	stream.indirect.gather [hbm4b:s1+s22], $0x80, s24, s22, $0xb8;
	[tilespmem:$0x1E480] =	vst v63  }
0x9f: {  	_ =	swait.ge [sflag:s3], $0x2000  }
0xa0: {  	[sflag:s3] =	ssyncset.done $0x0  }
0xa1: {  	[sflag:s3] =	ssyncadd.s32 $0xFFFFE000  }
0xa2: {  	_ =	swait.ge [sflag:s8], $0x2000  }
0xa3: {  	[sflag:s8] =	ssyncset.done $0x0  }
0xa4: {  	s25 =	sadd.s32 $0x15100, s15;
	[sflag:s8] =	ssyncadd.s32 $0xFFFFE000  }
0xa5: {  	[spmem:s2] =	stream.indirect.scatter.add.f32 [tilespmem:s28], [sflag:$0x5], $0x80, s25, s0, $0xb8;
	[tilespmem:$0x1E480] =	vst v63  }
0xa6: {  	_ =	swait.ge [sflag:s19], $0x4000  }
0xa7: {  	[sflag:s19] =	ssyncset.done $0x0  }
0xa8: {  	[sflag:s19] =	ssyncadd.s32 $0xFFFFC000  }
0xa9: {  	[tilespmem:s28], [sflag:$0x3] =	stream.indirect.gather [hbm4b:s1+s22], $0x80, s9, s22, $0xb8;
	[tilespmem:$0x1E480] =	vst v63  }
0xaa: {  	_ = 	snop  }
0xab: {  	[tilespmem:s29], [sflag:$0x4] =	stream.indirect.gather [hbm4b:s1+s22], $0x80, s10, s22, $0xb8;
	[tilespmem:$0x1E480] =	vst v63  }
0xac: {  	_ =	swait.ge [sflag:s30], $0x2000  }
0xad: {  	[sflag:s30] =	ssyncset.done $0x0  }
0xae: {  	[sflag:s30] =	ssyncadd.s32 $0xFFFFE000  }
0xaf: {  	_ =	swait.ge [sflag:s31], $0x2000  }
0xb0: {  	[sflag:s31] =	ssyncset.done $0x0  }
0xb1: {  	[sflag:s31] =	ssyncadd.s32 $0xFFFFE000  }
0xb2: {  	[spmem:s2] =	stream.indirect.scatter.add.f32 [tilespmem:s18], [sflag:$0x5], $0x80, s11, s0, $0xb8;
	[tilespmem:$0x1E480] =	vst v63  }
0xb3: {  	_ =	swait.ge [sflag:s19], $0x4000  }
0xb4: {  	[sflag:s19] =	ssyncset.done $0x0  }
0xb5: {  	[sflag:s19] =	ssyncadd.s32 $0xFFFFC000  }
0xb6: {  	_ =	swait.ge [sflag:s3], $0x2000  }
0xb7: {  	[sflag:s3] =	ssyncset.done $0x0  }
0xb8: {  	[sflag:s3] =	ssyncadd.s32 $0xFFFFE000  }
0xb9: {  	_ =	swait.ge [sflag:s8], $0x2000  }
0xba: {  	[sflag:s8] =	ssyncset.done $0x0  }
.Ltmp2:
0xbb: {  	[sflag:s8] =	ssyncadd.s32 $0xFFFFE000;
	(pc) =	sbr.rel @p2 .LBB2_4-.Ltmp2, $4  }
0xbc: {  	[spmem:s2] =	stream.indirect.scatter.add.f32 [tilespmem:s28], [sflag:$0x5], $0x80, s12, s0, $0xb8;
	[tilespmem:$0x1E480] =	vst v63  }
0xbd: {  	_ =	swait.ge [sflag:s19], $0x4000  }
0xbe: {  	[sflag:s19] =	ssyncset.done $0x0  }
0xbf: {  	p3 =	por $0x0, $0x0;
	s15 =	simm.s32 $0x28;
	[sflag:s19] =	ssyncadd.s32 $0xFFFFC000  }
0xc0: {  	s13 =	stileid.u32;
	[bflag:$0x0] =	sbarrier.arrive $0xFFFF  }
0xc1: {  	s13 =	sshll.u32 s13, $0x6;
	s15 =	rddreg [dreg:$0xa]  }
0xc2: {  	s16 =	rddreg [dreg:$0xd];
	s13 =	sor.u32 $0x1C05, s13  }
0xc3: {  	[hbm:s15], [sflag:s13] =	dma.local [spmem:s16], $0x2700  }
0xc4: {  	_ =	swait.ge [sflag:s19], $0x2700  }
0xc5: {  	[sflag:s19] =	ssyncset.done $0x0;
	s15 =	rddreg [dreg:$0xb]  }
0xc6: {  	s16 =	rddreg [dreg:$0xe];
	[sflag:s19] =	ssyncadd.s32 $0xFFFFD900  }
0xc7: {  	[hbm:s15], [sflag:s13] =	dma.local @!p1 [spmem:s16], $0x100  }
0xc8: {  	s13 =	simm.s32 @!p1 $0x5  }
0xc9: {  	_ =	swait.ge @!p1 [sflag:s13], $0x100  }
0xca: {  	s4 =	sadd.s32 $0x1, s4;
	s25 =	rddreg [dreg:$0xc]  }
0xcb: {  	p2 =	sne.s32 s4, s25  }
.Ltmp3:
0xcc: {  	_ = 	snop;
	(pc) =	sbr.rel @p2 .LBB2_1-.Ltmp3, $3  }
0xcd: {  	_ =	sdelay $0x1  }
0xce: {  	[sflag:s13] =	ssyncset.done @!p1 $0x0  }
0xcf: {  	[sflag:s13] =	ssyncadd.s32 @!p1 $0xFFFFFF00  }
0xd0: {  	_ =	sfence.sel $0x180000  }
0xd1: {  	[bflag:$0x0] =	sbarrier.arrive $0xFFFF  }
0xd2: {  	_ =	strace $0x90000047  }
0xd3: {  	s0 =	stileid.u32;
	[bflag:$0x2] =	sbarrier.arrive $0xFFFF  }
0xd4: {  	p0 =	sne.s32 s0, $0x0;
	s0 =	rddreg [dreg:$0x3]  }
0xd5: {  	s0 =	sadd.s32 @!p0 $0x100000, s0  }
0xd6: {  	[sflag:s0] =	ssyncadd.tile.s32 @!p0 $0x1;
	_ =	shalt  }
.Lfunc_end2:
_tile_overlayer_lowered:
.L_overlay_start_2:
0xd7: {  	(tag) =	ssettag $0x2  }
0xd8: {  	s0 =	rddreg [dreg:$0x0];
	s2 =	stileid.u32  }
0xd9: {  	s1 =	rddreg [dreg:$0x1];
	p0 =	sne.s32 s2, $0x0  }
0xda: {  	s3 =	rddreg [dreg:$0x2];
	[bflag:$0x3] =	sbarrier.arrive $0xFFFF;
	s2 =	simm.s32 @!p0 $0x1C05  }
0xdb: {  	[timem:s3], [sflag:s2] =	dma.local @!p0 [hbm:s0], s1  }
0xdc: {  	s0 =	simm.s32 @!p0 $0x5  }
0xdd: {  	_ =	swait.ge @!p0 [sflag:s0], s1  }
0xde: {  	s1 =	ssub.s32 @!p0 $0x0, s1;
	[sflag:s0] =	ssyncset.done @!p0 $0x0  }
0xdf: {  	[sflag:s0] =	ssyncadd.s32 @!p0 s1  }
0xe0: {  	[bflag:$0x3] =	sbarrier.arrive $0xFFFF  }
0xe1: {  	_ =	shalt  }

// kernel: kernel.14.cloned.1.call-start
scs
__scs_entry_jumppad:
0x0: {  	(pc) =	sbr.rel $0x88, $3  }
0x1: {  	(tag) =	ssettag $0x0;
	lr =	simm.s32 $0x1  }
0x2: {  	[smem:$0x3F99] =	sst lr;
	_ =	strace $0xD0000000  }
0x3: {  	_ = 	snop  }
0x4: {  	_ = 	snop  }
0x5: {  	_ = 	snop  }
0x6: {  	_ = 	snop  }
0x7: {  	_ = 	snop  }
__scs_overlays_trampoline_lowered:
0x8: {  	[smem:$0x3FA8] =	sst s0  }
0x9: {  	[smem:$0x3FA9] =	sst s1  }
0xa: {  	[smem:$0x3FAA] =	sst s2  }
0xb: {  	[smem:$0x3FAB] =	sst s3  }
0xc: {  	[smem:$0x3FAC] =	sst s4  }
0xd: {  	[smem:$0x3FAD] =	sst s5  }
0xe: {  	[smem:$0x3FAE] =	sst s6  }
0xf: {  	[smem:$0x3FAF] =	sst s7  }
0x10: {  	[smem:$0x3FB0] =	sst s8  }
0x11: {  	[smem:$0x3FB1] =	sst s9;
	s0 =	simm.s32 @!p0 $0x0  }
0x12: {  	s1 =	sld [smem:$0x3F97];
	s0 =	simm.s32 @p0 $0x1  }
0x13: {  	[smem:$0x3FB2] =	sst s0;
	s0 =	simm.s32 @!p1 $0x0  }
0x14: {  	s2 =	sld [smem:$0x3F96];
	s0 =	simm.s32 @p1 $0x1  }
0x15: {  	[smem:$0x3FB3] =	sst s0;
	s0 =	simm.s32 @!p2 $0x0  }
0x16: {  	s3 =	sld [smem:$0x3FDB];
	s0 =	simm.s32 @p2 $0x1  }
0x17: {  	s4 =	simm.s32 $0x1BF5;
	[smem:$0x3FB5] =	sst s0  }
0x18: {  	s0 =	sld [smem:$0x3F98];
	_ =	swait.ge [sflag:s4], $0x0  }
0x19: {  	s7 =	sld [smem:$0x3F99]  }
0x1a: {  	s8 =	sadd.s32 $0xFFFFE003, lr  }
0x1b: {  	s9 =	sadd.s32 $0xFFFFFEF7, lr;
	s5 =	simm.s32 $0xFFFFFFFF;
	p2 =	slt.u32 s8, $0xFFFFF086  }
0x1c: {  	p1 =	slt.u32 s9, $0xF7A;
	s5 =	simm.s32 @!p2 $0x0  }
0x1d: {  	s5 =	simm.s32 @p1 $0x1;
	p0 =	seq.s32 s7, s2  }
0x1e: {  	s7 =	smul.u32 @!p0 $0xF7A, s2;
	p2 =	seq.s32 @!p0 s5, $0x0  }
0x1f: {  	s9 =	smul.u32 $0xF7A, s1;
	s8 =	simm.s32 @!p0 $0x1BF5;
	p2 =	por !p2, p0  }
0x20: {  	[sflag:s8] =	ssyncset.s32 @!p0 $0xFFFFF086;
	s6 =	sadd.s32 @!p0 s3, s7;
	s7 =	simm.s32 @!p0 $0x108  }
0x21: {  	s3 =	sadd.s32 s3, s9;
	s6 =	sadd.s32 @!p0 $0x88, s6;
	s7 =	simm.s32 @p2 $0x1082  }
0x22: {  	[simem:s7], [sflag:s8] =	dma.local @!p0 [hbm:s6], $0xF7A  }
0x23: {  	s9 =	sor.u32 $0xD0000000, s2;
	s6 =	simm.s32 $0x108;
	_ =	swait.ge @!p0 [sflag:s8], $0x0  }
0x24: {  	s3 =	sadd.s32 $0x88, s3;
	s6 =	simm.s32 @!p1 $0x1082;
	[sflag:s4] =	ssyncset.s32 $0xFFFFF086  }
0x25: {  	[simem:s6], [sflag:s4] =	dma.local [hbm:s3], $0xF7A  }
0x26: {  	[smem:$0x3F99] =	sst s1;
	(tag) =	ssettag s2;
	_ =	strace s9  }
0x27: {  	s1 =	sld [smem:$0x3FA9]  }
0x28: {  	s2 =	sld [smem:$0x3FAA]  }
0x29: {  	s4 =	sld [smem:$0x3FAC]  }
0x2a: {  	p0 =	seq.s32 s5, $0x0;
	s5 =	sld [smem:$0x3FAD]  }
0x2b: {  	s6 =	sld [smem:$0x3FAE]  }
0x2c: {  	s7 =	sld [smem:$0x3FAF]  }
0x2d: {  	s3 =	simm.s32 $0x108;
	s8 =	sld [smem:$0x3FB0]  }
0x2e: {  	s3 =	simm.s32 @!p0 $0x1082;
	s9 =	sld [smem:$0x3FB1]  }
0x2f: {  	lr =	sadd.s32 s0, s3;
	s0 =	sld [smem:$0x3FA8]  }
0x30: {  	s3 =	sld [smem:$0x3FAB]  }
0x31: {  	[smem:$0x3FB4] =	sst s10  }
0x32: {  	s10 =	sld [smem:$0x3FB2];
	_ =	sdelay $0x3  }
0x33: {  	p0 =	seq.s32 s10, $0x1;
	s10 =	sld [smem:$0x3FB4];
	_ =	sdelay $0x3  }
0x34: {  	[smem:$0x3FB4] =	sst s10  }
0x35: {  	s10 =	sld [smem:$0x3FB3];
	_ =	sdelay $0x3  }
0x36: {  	p1 =	seq.s32 s10, $0x1;
	s10 =	sld [smem:$0x3FB4];
	_ =	sdelay $0x3  }
0x37: {  	[smem:$0x3FB4] =	sst s10  }
0x38: {  	s10 =	sld [smem:$0x3FB5]  }
0x39: {  	_ = 	snop;
	(pc) =	sbr.ind lr, $3  }
0x3a: {  	_ = 	snop  }
0x3b: {  	_ = 	snop  }
0x3c: {  	p2 =	seq.s32 s10, $0x1;
	s10 =	sld [smem:$0x3FB4]  }
0x3d: {  	_ =	shalt  }
0x3e: {  	_ =	shalt  }
0x3f: {  	_ =	shalt  }
0x40: {  	_ =	shalt  }
0x41: {  	_ =	shalt  }
0x42: {  	_ =	shalt  }
0x43: {  	_ =	shalt  }
0x44: {  	_ =	shalt  }
0x45: {  	_ =	shalt  }
0x46: {  	_ =	shalt  }
0x47: {  	_ =	shalt  }
0x48: {  	_ =	shalt  }
0x49: {  	_ =	shalt  }
0x4a: {  	_ =	shalt  }
0x4b: {  	_ =	shalt  }
0x4c: {  	_ =	shalt  }
0x4d: {  	_ =	shalt  }
0x4e: {  	_ =	shalt  }
0x4f: {  	_ =	shalt  }
0x50: {  	_ =	shalt  }
0x51: {  	_ =	shalt  }
0x52: {  	_ =	shalt  }
0x53: {  	_ =	shalt  }
0x54: {  	_ =	shalt  }
0x55: {  	_ =	shalt  }
0x56: {  	_ =	shalt  }
0x57: {  	_ =	shalt  }
0x58: {  	_ =	shalt  }
0x59: {  	_ =	shalt  }
0x5a: {  	_ =	shalt  }
0x5b: {  	_ =	shalt  }
0x5c: {  	_ =	shalt  }
0x5d: {  	_ =	shalt  }
0x5e: {  	_ =	shalt  }
0x5f: {  	_ =	shalt  }
0x60: {  	_ =	shalt  }
0x61: {  	_ =	shalt  }
0x62: {  	_ =	shalt  }
0x63: {  	_ =	shalt  }
0x64: {  	_ =	shalt  }
0x65: {  	_ =	shalt  }
0x66: {  	_ =	shalt  }
0x67: {  	_ =	shalt  }
0x68: {  	_ =	shalt  }
0x69: {  	_ =	shalt  }
0x6a: {  	_ =	shalt  }
0x6b: {  	_ =	shalt  }
0x6c: {  	_ =	shalt  }
0x6d: {  	_ =	shalt  }
0x6e: {  	_ =	shalt  }
0x6f: {  	_ =	shalt  }
0x70: {  	_ =	shalt  }
0x71: {  	_ =	shalt  }
0x72: {  	_ =	shalt  }
0x73: {  	_ =	shalt  }
0x74: {  	_ =	shalt  }
0x75: {  	_ =	shalt  }
0x76: {  	_ =	shalt  }
0x77: {  	_ =	shalt  }
0x78: {  	_ =	shalt  }
0x79: {  	_ =	shalt  }
0x7a: {  	_ =	shalt  }
0x7b: {  	_ =	shalt  }
0x7c: {  	_ =	shalt  }
0x7d: {  	_ =	shalt  }
0x7e: {  	_ =	shalt  }
0x7f: {  	_ =	shalt  }
0x80: {  	_ =	shalt  }
0x81: {  	_ =	shalt  }
0x82: {  	_ =	shalt  }
0x83: {  	_ =	shalt  }
0x84: {  	_ =	shalt  }
0x85: {  	_ =	shalt  }
0x86: {  	_ =	shalt  }
0x87: {  	_ =	shalt  }
.Lfunc_end0:
.L_simem_size_0:
called_computation.2_lowered:
.L_overlay_start_0:
0x88: {  	s2 =	sld [smem:$0x3FD9]  }
0x89: {  	s3 =	sld [smem:$0x3FFE];
	_ =	sdelay $0x1  }
0x8a: {  	s1 =	srdreg.scid  }
0x8b: {  	s0 =	sand.u32 $0x1, s1  }
0x8c: {  	s17 =	sshll.u32 s0, $0xA;
	s2 =	sadd.s32 s3, s2  }
0x8d: {  	s2 =	sadd.s32 s2, s17  }
0x8e: {  	[smem:$0x3FC0] =	sst s2  }
0x8f: {  	_ = 	snop  }
0x90: {  	s2 =	sld [smem:$0x3FD0];
	(tm) =	ssettm $0x1  }
0x91: {  	s18 =	sld [smem:$0x3FFB];
	_ =	sdelay $0x3  }
0x92: {  	_ =	strace s18  }
0x93: {  	s3 =	sld [smem:$0x3FFC];
	_ =	sdelay $0x3  }
0x94: {  	_ =	strace s3  }
0x95: {  	s3 =	sld [smem:$0x3FFD];
	_ =	sdelay $0x3  }
0x96: {  	_ =	strace s3  }
0x97: {  	_ =	strace $0x8FFFFFFF  }
0x98: {  	s19 =	sld [smem:$0x3FDB];
	_ =	sdelay $0x1  }
0x99: {  	s4 =	simm.s32 $_scs_section_size  }
0x9a: {  	s5 =	simm.s32 $_size__tile_overlayer_lowered;
	s6 =	simm.s32 $_tile_overlayer_lowered  }
0x9b: {  	s22 =	simm.s32 $0x1BFF;
	s21 =	sshll.u32 s6, $0x1;
	s3 =	sadd.s32 s4, s19  }
0x9c: {  	s7 =	simm.s32 $0x0;
	s20 =	sshll.u32 s5, $0x1;
	s5 =	sadd.s32 s21, s3  }
0x9d: {  	[timem:s7], [sflag:s22] =	dma.local [hbm:s5], s20  }
0x9e: {  	_ =	swait.ge [sflag:s22], s20  }
0x9f: {  	s4 =	ssub.s32 $0x0, s20;
	[sflag:s22] =	ssyncset.done $0x0  }
0xa0: {  	[sflag:s22] =	ssyncadd.s32 s4;
	_ =	sdelay $0x1  }
0xa1: {  	s23 =	simm.s32 $0x1B8B  }
0xa2: {  	_ =	swait.ge [sflag:s23], $0x1  }
0xa3: {  	[sflag:s23] =	ssyncset.done $0x0  }
0xa4: {  	s25 =	simm.s32 $0x1B8E;
	s24 =	sld [smem:$0x3FFE];
	[sflag:s23] =	ssyncadd.s32 $0xFFFFFFFF  }
0xa5: {  	s26 =	simm.s32 $execute0_lowered;
	[smem:$0x3FD2] =	sst s25  }
0xa6: {  	s5 =	sshll.u32 s26, $0x1;
	_ =	strace $0x8000004C;
	[dreg:$0x1] =	wrdreg $0xFFFFFFFF  }
0xa7: {  	s28 =	simm.s32 $_size_execute0_lowered;
	s3 =	sadd.s32 s3, s5;
	[dreg:$0x0] =	wrdreg $0x0  }
0xa8: {  	s5 =	sshll.u32 s28, $0x1;
	[dreg:$0x2] =	wrdreg s3  }
0xa9: {  	[dreg:$0x3] =	wrdreg s5  }
0xaa: {  	[dreg:$0x4] =	wrdreg $0xC0  }
0xab: {  	_ =	task [dreg:s7], $0x5FFFF  }
0xac: {  	[dreg:$0x1] =	wrdreg $0xFFFFFFFF  }
0xad: {  	[dreg:$0x0] =	wrdreg $0x60  }
0xae: {  	[dreg:$0x2] =	wrdreg s2  }
0xaf: {  	[dreg:$0x3] =	wrdreg s24  }
0xb0: {  	[dreg:$0x4] =	wrdreg $0x0  }
0xb1: {  	[dreg:$0x5] =	wrdreg $0x9  }
0xb2: {  	_ =	task.clear_ibuf [dreg:s7], $0x6FFFF;
	_ =	strace $0x9000004C  }
0xb3: {  	s29 =	simm.s32 $0x9;
	_ =	strace $0x8000004E  }
0xb4: {  	_ =	swait.ge [sflag:s29], $0x1  }
0xb5: {  	[sflag:s29] =	ssyncadd.s32 $0xFFFFFFFF  }
0xb6: {  	_ =	strace $0x9000004E  }
0xb7: {  	_ =	sfence  }
0xb8: {  	s30 =	sld [smem:$0x0];
	_ =	sdelay $0x2  }
0xb9: {  	s31 =	sshll.u32 s1, $0xD;
	s1 =	sshrl.u32 s1, $0x2  }
0xba: {  	s3 =	sand.u32 $0x4000, s31;
	s1 =	sadd.s32 s1, s30  }
0xbb: {  	s0 =	sor.u32 s3, s0;
	s1 =	sshll.u32 s1, $0x11  }
0xbc: {  	s0 =	sor.u32 s1, s0  }
0xbd: {  	s0 =	sadd.s32 $0x8F2B, s0  }
0xbe: {  	[sflag:s0] =	ssyncadd.remote.s32 $0x1  }
0xbf: {  	_ =	sfence.sel $0xFFFF  }
0xc0: {  	[dreg:$0x0] =	wrdreg $0xFFFFFFFF;
	(pc) =	sbr.abs _section_cstart, $3  }
0xc1: {  	[dreg:$0x1] =	wrdreg $0xFFFFFFFF  }
0xc2: {  	_ =	task.clear_ibuf [dreg:s7], $0x2FFFF;
	_ =	strace $0x9FFFFFFF  }
0xc3: {  	(tm) =	ssettm $0x7FFFFFFF  }
tec
execute0_lowered:
.L_overlay_start_1:
0x0: {  	(tag) =	ssettag $0x1  }
0x1: {  	s1 =	rddreg [dreg:$0x0]  }
0x2: {  	s0 =	rddreg [dreg:$0x1]  }
0x3: {  	s2 =	rddreg [dreg:$0x2];
	s4 =	simm.s32 $0x0  }
0x4: {  	s3 =	srdreg.scid;
	s12 =	stileid.u32;
	s28 =	simm.s32 $0x1A480  }
0x5: {  	s29 =	simm.s32 $0x1C480;
	s30 =	simm.s32 $0x1;
	s31 =	simm.s32 $0x2  }
0x6: {  	[smem:$0x7FF] =	sst s4;
	s5 =	sadd.s32 $0x1E00, s0;
	s3 =	sand.u32 $0x1, s3  }
0x7: {  	s7 =	smul.u32 $0x4F000, s12;
	s6 =	sadd.s32 $0xBE00, s0;
	s20 =	sadd.s32 $0x138400, s2  }
0x8: {  	s0 =	sadd.s32 $0x15E00, s0;
	s21 =	smul.u32 $0x13800, s12;
	s22 =	sadd.s32 $0x13C400, s2  }
0x9: {  	s23 =	smul.u32 $0x4E000, s12;
	p0 =	seq.s32 s12, $0xF;
	p1 =	sne.s32 s12, $0xF  }
0xa: {  	_ =	strace $0x8000004D;
	s8 =	ssub.s32 $0x2, s3;
	[dreg:$0x7] =	wrdreg s20  }
0xb: {  	s10 =	sshll.u32 s3, $0x4;
	s3 =	smul.u32 $0x138800, s3;
	[dreg:$0x9] =	wrdreg s22  }
0xc: {  	s20 =	simm.s32 $0x13C80;
	s22 =	simm.s32 $0x40;
	s9 =	sshrl.u32 s8, $0x1  }
0xd: {  	s7 =	sshrl.u32 s7, $0x2;
	s16 =	sor.u32 s12, s10;
	s25 =	sshrl.u32 s23, $0x2  }
0xe: {  	s23 =	simm.s32 $0x13CC0;
	s10 =	simm.s32 $0x15040;
	s12 =	simm.s32 $0x16400  }
0xf: {  	s8 =	ssub.s32 s8, s9;
	s7 =	sadd.s32 s7, s2;
	s14 =	smul.u32 $0x50, s16  }
0x10: {  	s24 =	sadd.s32 s21, s3;
	s3 =	sshrl.u32 s3, $0x3;
	s17 =	sadd.s32 $0x4000, s7  }
0x11: {  	s26 =	sadd.s32 s25, s2;
	s18 =	sadd.s32 $0x8000, s7;
	[dreg:$0x4] =	wrdreg s17  }
0x12: {  	s21 =	simm.s32 $0x15080;
	s19 =	sadd.s32 $0xC000, s7;
	[dreg:$0x5] =	wrdreg s18  }
0x13: {  	s11 =	sadd.s32 $0x10000, s7;
	s9 =	sshrl.u32 s24, $0x3;
	[dreg:$0x6] =	wrdreg s19  }
0x14: {  	s3 =	sadd.s32 s0, s3;
	s8 =	smax.u32 s8, $0x1;
	[dreg:$0x8] =	wrdreg s11  }
0x15: {  	s0 =	sadd.s32 s0, s9;
	s3 =	sadd.s32 $0x27000, s3;
	[dreg:$0xc] =	wrdreg s8  }
0x16: {  	s18 =	simm.s32 $0x16480;
	s19 =	simm.s32 $0x5;
	s8 =	simm.s32 $0x4  }
0x17: {  	s9 =	simm.s32 $0x15000;
	s11 =	simm.s32 $0x16380;
	[dreg:$0xa] =	wrdreg s0  }
0x18: {  	[dreg:$0xb] =	wrdreg s3;
	s3 =	sadd.s32 $0x138000, s2;
	s0 =	sshrl.u32 s26, $0x3  }
0x19: {  	s26 =	simm.s32 $0x18480;
	[dreg:$0xd] =	wrdreg s0;
	s0 =	sshrl.u32 @!p1 s3, $0x3  }
0x1a: {  	v0 =	vimm.f32 $0.0e+00;
	s3 =	simm.s32 $0x3;
	[dreg:$0xe] =	wrdreg s0;
	s0 =	simm.s32 $0x80  }
.LBB2_1:
0x1b: {  	s13 =	simm.s32 $0x0;
	s15 =	simm.s32 $0x200  }
.LBB2_2:
0x1c: {  	p2 =	sne.s32 s15, $0xFE00;
	[tilespmem:s13+$0x164F0] =	vst v0  }
0x1d: {  	[tilespmem:s13+$0x16480] =	vst v0  }
0x1e: {  	[tilespmem:s13+$0x16490] =	vst v0  }
.Ltmp0:
0x1f: {  	[tilespmem:s13+$0x164A0] =	vst v0;
	(pc) =	sbr.rel @p2 .LBB2_2-.Ltmp0, $4  }
0x20: {  	[tilespmem:s13+$0x164B0] =	vst v0  }
0x21: {  	[tilespmem:s13+$0x164C0] =	vst v0  }
0x22: {  	[tilespmem:s13+$0x164D0] =	vst v0  }
0x23: {  	[tilespmem:s13+$0x164E0] =	vst v0;
	s13 =	sshra.s32 s15, $0x2;
	s15 =	sadd.s32 $0x200, s15  }
0x24: {  	[tilespmem:s13+$0x164F0] =	vst v0  }
0x25: {  	[tilespmem:s13+$0x16480] =	vst v0  }
0x26: {  	[tilespmem:s13+$0x16490] =	vst v0  }
0x27: {  	[tilespmem:s13+$0x164A0] =	vst v0  }
0x28: {  	[tilespmem:s13+$0x164B0] =	vst v0  }
0x29: {  	[tilespmem:s13+$0x164C0] =	vst v0  }
0x2a: {  	[tilespmem:s13+$0x164D0] =	vst v0  }
0x2b: {  	[tilespmem:s13+$0x164E0] =	vst v0  }
0x2c: {  	[spmem:s7] =	stream.linear.scatter [tilespmem:s18], [sflag:$0x5], $0x4000, $0x38;
	[tilespmem:$0x1E480] =	vst v63  }
0x2d: {  	_ =	swait.ge [sflag:s19], $0x4000  }
0x2e: {  	[sflag:s19] =	ssyncset.done $0x0  }
0x2f: {  	s17 =	rddreg [dreg:$0x4];
	[sflag:s19] =	ssyncadd.s32 $0xFFFFC000  }
0x30: {  	[spmem:s17] =	stream.linear.scatter [tilespmem:s18], [sflag:$0x5], $0x4000, $0x38;
	[tilespmem:$0x1E480] =	vst v63  }
0x31: {  	_ =	swait.ge [sflag:s19], $0x4000  }
0x32: {  	[sflag:s19] =	ssyncset.done $0x0  }
0x33: {  	s24 =	rddreg [dreg:$0x5];
	[sflag:s19] =	ssyncadd.s32 $0xFFFFC000  }
0x34: {  	[spmem:s24] =	stream.linear.scatter [tilespmem:s18], [sflag:$0x5], $0x4000, $0x38;
	[tilespmem:$0x1E480] =	vst v63  }
0x35: {  	_ =	swait.ge [sflag:s19], $0x4000  }
0x36: {  	[sflag:s19] =	ssyncset.done $0x0  }
0x37: {  	s25 =	rddreg [dreg:$0x6];
	[sflag:s19] =	ssyncadd.s32 $0xFFFFC000  }
0x38: {  	[spmem:s25] =	stream.linear.scatter [tilespmem:s18], [sflag:$0x5], $0x4000, $0x38;
	[tilespmem:$0x1E480] =	vst v63  }
0x39: {  	_ =	swait.ge [sflag:s19], $0x4000  }
0x3a: {  	[sflag:s19] =	ssyncset.done $0x0  }
0x3b: {  	s13 =	simm.s32 @p0 $0x16480;
	s15 =	rddreg [dreg:$0x7];
	[sflag:s19] =	ssyncadd.s32 $0xFFFFC000  }
0x3c: {  	[spmem:s15] =	stream.linear.scatter @p0 [tilespmem:s13], [sflag:$0x5], $0x4000, $0x38;
	[tilespmem:$0x1E480] =	vst v63  }
0x3d: {  	s15 =	simm.s32 @p0 $0x5  }
0x3e: {  	_ =	swait.ge @p0 [sflag:s15], $0x4000  }
0x3f: {  	[sflag:s15] =	ssyncset.done @p0 $0x0  }
0x40: {  	s16 =	rddreg [dreg:$0x9];
	[sflag:s15] =	ssyncadd.s32 @p0 $0xFFFFC000  }
0x41: {  	[spmem:s16] =	stream.linear.scatter @p0 [tilespmem:s13], [sflag:$0x5], $0x400, $0x38;
	[tilespmem:$0x1E480] =	vst v63  }
0x42: {  	_ =	swait.ge @p0 [sflag:s15], $0x400  }
0x43: {  	[sflag:s15] =	ssyncset.done @p0 $0x0  }
0x44: {  	s13 =	simm.s32 @!p0 $0x16480;
	[sflag:s15] =	ssyncadd.s32 @p0 $0xFFFFFC00;
	s15 =	rddreg [dreg:$0x8]  }
0x45: {  	[spmem:s15] =	stream.linear.scatter @!p0 [tilespmem:s13], [sflag:$0x5], $0x3C00, $0x38;
	[tilespmem:$0x1E480] =	vst v63  }
0x46: {  	s13 =	simm.s32 @!p0 $0x5  }
0x47: {  	_ =	swait.ge @!p0 [sflag:s13], $0x3C00  }
0x48: {  	[sflag:s13] =	ssyncset.done @!p0 $0x0  }
0x49: {  	p3 =	por $0x1, $0x1;
	[sflag:s13] =	ssyncadd.s32 @!p0 $0xFFFFC400  }
0x4a: {  	s15 =	simm.s32 $0x0;
	s13 =	simm.s32 $0x0;
	[bflag:$0x0] =	sbarrier.arrive $0xFFFF  }
.LBB2_4:
0x4b: {  	s15 =	sadd.s32 s14, s15  }
0x4c: {  	s15 =	sshll.u32 s15, $0x4  }
0x4d: {  	s16 =	sadd.s32 s5, s15  }
0x4e: {  	[tilespmem:s20], [sflag:$0x5] =	stream.linear.gather [hbm4b:s16+s13], $0x1400, $0x38;
	[tilespmem:$0x1E480] =	vst v63  }
0x4f: {  	_ =	swait.ge [sflag:s19], $0x1400  }
0x50: {  	[sflag:s19] =	ssyncset.done $0x0  }
0x51: {  	s15 =	sadd.s32 s6, s15;
	[sflag:s19] =	ssyncadd.s32 $0xFFFFEC00  }
0x52: {  	[tilespmem:s21], [sflag:$0x5] =	stream.linear.gather [hbm4b:s15+s13], $0x1400, $0x38;
	[tilespmem:$0x1E480] =	vst v63  }
0x53: {  	_ =	swait.ge [sflag:s19], $0x1400  }
0x54: {  	[sflag:s19] =	ssyncset.done $0x0  }
0x55: {  	[sflag:s19] =	ssyncadd.s32 $0xFFFFEC00  }
0x56: {  	[tilespmem:s18], [sflag:$0x1] =	stream.indirect.gather [hbm4b:s1+s22], $0x80, s20, s22, $0xb8;
	[tilespmem:$0x1E480] =	vst v63  }
0x57: {  	_ = 	snop  }
0x58: {  	[tilespmem:s26], [sflag:$0x2] =	stream.indirect.gather [hbm4b:s1+s22], $0x80, s23, s22, $0xb8;
	[tilespmem:$0x1E480] =	vst v63  }
0x59: {  	s24 =	simm.s32 $0x13D00  }
0x5a: {  	[tilespmem:s28], [sflag:$0x3] =	stream.indirect.gather [hbm4b:s1+s22], $0x80, s24, s22, $0xb8;
	[tilespmem:$0x1E480] =	vst v63  }
0x5b: {  	s25 =	simm.s32 $0x13D40  }
0x5c: {  	[tilespmem:s29], [sflag:$0x4] =	stream.indirect.gather [hbm4b:s1+s22], $0x80, s25, s22, $0xb8;
	[tilespmem:$0x1E480] =	vst v63  }
0x5d: {  	_ =	swait.ge [sflag:s30], $0x2000  }
0x5e: {  	[sflag:s30] =	ssyncset.done $0x0  }
0x5f: {  	[sflag:s30] =	ssyncadd.s32 $0xFFFFE000  }
0x60: {  	_ =	swait.ge [sflag:s31], $0x2000  }
0x61: {  	[sflag:s31] =	ssyncset.done $0x0  }
0x62: {  	s16 =	simm.s32 $0x15080;
	[sflag:s31] =	ssyncadd.s32 $0xFFFFE000  }
0x63: {  	[spmem:s2] =	stream.indirect.scatter.add.f32 [tilespmem:s18], [sflag:$0x5], $0x80, s16, s0, $0xb8;
	[tilespmem:$0x1E480] =	vst v63  }
0x64: {  	_ =	swait.ge [sflag:s19], $0x4000  }
0x65: {  	[sflag:s19] =	ssyncset.done $0x0  }
0x66: {  	s17 =	simm.s32 $0x13D80;
	[sflag:s19] =	ssyncadd.s32 $0xFFFFC000  }
0x67: {  	[tilespmem:s18], [sflag:$0x1] =	stream.indirect.gather [hbm4b:s1+s22], $0x80, s17, s22, $0xb8;
	[tilespmem:$0x1E480] =	vst v63  }
0x68: {  	s24 =	simm.s32 $0x13DC0  }
0x69: {  	[tilespmem:s26], [sflag:$0x2] =	stream.indirect.gather [hbm4b:s1+s22], $0x80, s24, s22, $0xb8;
	[tilespmem:$0x1E480] =	vst v63  }
0x6a: {  	_ =	swait.ge [sflag:s3], $0x2000  }
0x6b: {  	[sflag:s3] =	ssyncset.done $0x0  }
0x6c: {  	[sflag:s3] =	ssyncadd.s32 $0xFFFFE000  }
0x6d: {  	_ =	swait.ge [sflag:s8], $0x2000  }
0x6e: {  	[sflag:s8] =	ssyncset.done $0x0  }
0x6f: {  	s25 =	simm.s32 $0x15100;
	[sflag:s8] =	ssyncadd.s32 $0xFFFFE000  }
0x70: {  	[spmem:s2] =	stream.indirect.scatter.add.f32 [tilespmem:s28], [sflag:$0x5], $0x80, s25, s0, $0xb8;
	[tilespmem:$0x1E480] =	vst v63  }
0x71: {  	p2 =	por p3, p3;
	_ =	swait.ge [sflag:s19], $0x4000  }
0x72: {  	s15 =	simm.s32 $0x100;
	s16 =	simm.s32 $0x800;
	[sflag:s19] =	ssyncset.done $0x0  }
.LBB2_5:
0x73: {  	s17 =	sadd.s32 $0x13D00, s15  }
0x74: {  	[sflag:s19] =	ssyncadd.s32 $0xFFFFC000;
	s24 =	smov.u32 s16;
	s25 =	sadd.s32 $0x400, s16  }
0x75: {  	[tilespmem:s28], [sflag:$0x3] =	stream.indirect.gather [hbm4b:s1+s22], $0x80, s17, s22, $0xb8;
	[tilespmem:$0x1E480] =	vst v63  }
0x76: {  	p3 =	sne.s32 s16, $0x4800;
	s16 =	sadd.s32 $0x13D40, s15  }
0x77: {  	[tilespmem:s29], [sflag:$0x4] =	stream.indirect.gather [hbm4b:s1+s22], $0x80, s16, s22, $0xb8;
	[tilespmem:$0x1E480] =	vst v63  }
0x78: {  	_ =	swait.ge [sflag:s30], $0x2000  }
0x79: {  	[sflag:s30] =	ssyncset.done $0x0  }
0x7a: {  	[sflag:s30] =	ssyncadd.s32 $0xFFFFE000  }
0x7b: {  	_ =	swait.ge [sflag:s31], $0x2000  }
0x7c: {  	[sflag:s31] =	ssyncset.done $0x0  }
0x7d: {  	s16 =	sadd.s32 $0x15080, s15;
	[sflag:s31] =	ssyncadd.s32 $0xFFFFE000  }
0x7e: {  	[spmem:s2] =	stream.indirect.scatter.add.f32 [tilespmem:s18], [sflag:$0x5], $0x80, s16, s0, $0xb8;
	[tilespmem:$0x1E480] =	vst v63  }
0x7f: {  	_ =	swait.ge [sflag:s19], $0x4000  }
0x80: {  	[sflag:s19] =	ssyncset.done $0x0  }
0x81: {  	s16 =	sadd.s32 $0x13D80, s15;
	[sflag:s19] =	ssyncadd.s32 $0xFFFFC000  }
0x82: {  	[tilespmem:s18], [sflag:$0x1] =	stream.indirect.gather [hbm4b:s1+s22], $0x80, s16, s22, $0xb8;
	[tilespmem:$0x1E480] =	vst v63  }
0x83: {  	s16 =	sadd.s32 $0x13DC0, s15  }
0x84: {  	[tilespmem:s26], [sflag:$0x2] =	stream.indirect.gather [hbm4b:s1+s22], $0x80, s16, s22, $0xb8;
	[tilespmem:$0x1E480] =	vst v63  }
0x85: {  	_ =	swait.ge [sflag:s3], $0x2000  }
0x86: {  	[sflag:s3] =	ssyncset.done $0x0  }
0x87: {  	[sflag:s3] =	ssyncadd.s32 $0xFFFFE000  }
0x88: {  	_ =	swait.ge [sflag:s8], $0x2000  }
.Ltmp1:
0x89: {  	[sflag:s8] =	ssyncset.done $0x0;
	(pc) =	sbr.rel @p3 .LBB2_5-.Ltmp1, $4  }
0x8a: {  	s15 =	sadd.s32 $0x15100, s15;
	[sflag:s8] =	ssyncadd.s32 $0xFFFFE000  }
0x8b: {  	[spmem:s2] =	stream.indirect.scatter.add.f32 [tilespmem:s28], [sflag:$0x5], $0x80, s15, s0, $0xb8;
	[tilespmem:$0x1E480] =	vst v63  }
0x8c: {  	_ =	swait.ge [sflag:s19], $0x4000  }
0x8d: {  	s16 =	smov.u32 s25;
	s15 =	sshra.s32 s24, $0x2;
	[sflag:s19] =	ssyncset.done $0x0  }
0x8e: {  	s16 =	sadd.s32 $0x13D00, s15;
	[sflag:s19] =	ssyncadd.s32 $0xFFFFC000  }
0x8f: {  	[tilespmem:s28], [sflag:$0x3] =	stream.indirect.gather [hbm4b:s1+s22], $0x80, s16, s22, $0xb8;
	[tilespmem:$0x1E480] =	vst v63  }
0x90: {  	s24 =	sadd.s32 $0x13D40, s15  }
0x91: {  	[tilespmem:s29], [sflag:$0x4] =	stream.indirect.gather [hbm4b:s1+s22], $0x80, s24, s22, $0xb8;
	[tilespmem:$0x1E480] =	vst v63  }
0x92: {  	_ =	swait.ge [sflag:s30], $0x2000  }
0x93: {  	[sflag:s30] =	ssyncset.done $0x0  }
0x94: {  	[sflag:s30] =	ssyncadd.s32 $0xFFFFE000  }
0x95: {  	_ =	swait.ge [sflag:s31], $0x2000  }
0x96: {  	[sflag:s31] =	ssyncset.done $0x0  }
0x97: {  	s25 =	sadd.s32 $0x15080, s15;
	[sflag:s31] =	ssyncadd.s32 $0xFFFFE000  }
0x98: {  	[spmem:s2] =	stream.indirect.scatter.add.f32 [tilespmem:s18], [sflag:$0x5], $0x80, s25, s0, $0xb8;
	[tilespmem:$0x1E480] =	vst v63  }
0x99: {  	_ =	swait.ge [sflag:s19], $0x4000  }
0x9a: {  	[sflag:s19] =	ssyncset.done $0x0  }
0x9b: {  	s17 =	sadd.s32 $0x13D80, s15;
	[sflag:s19] =	ssyncadd.s32 $0xFFFFC000  }
0x9c: {  	[tilespmem:s18], [sflag:$0x1] =	stream.indirect.gather [hbm4b:s1+s22], $0x80, s17, s22, $0xb8;
	[tilespmem:$0x1E480] =	vst v63  }
0x9d: {  	s24 =	sadd.s32 $0x13DC0, s15  }
0x9e: {  	[tilespmem:s26], [sflag:$0x2] =	stream.indirect.gather [hbm4b:s1+s22], $0x80, s24, s22, $0xb8;
	[tilespmem:$0x1E480] =	vst v63  }
0x9f: {  	_ =	swait.ge [sflag:s3], $0x2000  }
0xa0: {  	[sflag:s3] =	ssyncset.done $0x0  }
0xa1: {  	[sflag:s3] =	ssyncadd.s32 $0xFFFFE000  }
0xa2: {  	_ =	swait.ge [sflag:s8], $0x2000  }
0xa3: {  	[sflag:s8] =	ssyncset.done $0x0  }
0xa4: {  	s25 =	sadd.s32 $0x15100, s15;
	[sflag:s8] =	ssyncadd.s32 $0xFFFFE000  }
0xa5: {  	[spmem:s2] =	stream.indirect.scatter.add.f32 [tilespmem:s28], [sflag:$0x5], $0x80, s25, s0, $0xb8;
	[tilespmem:$0x1E480] =	vst v63  }
0xa6: {  	_ =	swait.ge [sflag:s19], $0x4000  }
0xa7: {  	[sflag:s19] =	ssyncset.done $0x0  }
0xa8: {  	[sflag:s19] =	ssyncadd.s32 $0xFFFFC000  }
0xa9: {  	[tilespmem:s28], [sflag:$0x3] =	stream.indirect.gather [hbm4b:s1+s22], $0x80, s9, s22, $0xb8;
	[tilespmem:$0x1E480] =	vst v63  }
0xaa: {  	_ = 	snop  }
0xab: {  	[tilespmem:s29], [sflag:$0x4] =	stream.indirect.gather [hbm4b:s1+s22], $0x80, s10, s22, $0xb8;
	[tilespmem:$0x1E480] =	vst v63  }
0xac: {  	_ =	swait.ge [sflag:s30], $0x2000  }
0xad: {  	[sflag:s30] =	ssyncset.done $0x0  }
0xae: {  	[sflag:s30] =	ssyncadd.s32 $0xFFFFE000  }
0xaf: {  	_ =	swait.ge [sflag:s31], $0x2000  }
0xb0: {  	[sflag:s31] =	ssyncset.done $0x0  }
0xb1: {  	[sflag:s31] =	ssyncadd.s32 $0xFFFFE000  }
0xb2: {  	[spmem:s2] =	stream.indirect.scatter.add.f32 [tilespmem:s18], [sflag:$0x5], $0x80, s11, s0, $0xb8;
	[tilespmem:$0x1E480] =	vst v63  }
0xb3: {  	_ =	swait.ge [sflag:s19], $0x4000  }
0xb4: {  	[sflag:s19] =	ssyncset.done $0x0  }
0xb5: {  	[sflag:s19] =	ssyncadd.s32 $0xFFFFC000  }
0xb6: {  	_ =	swait.ge [sflag:s3], $0x2000  }
0xb7: {  	[sflag:s3] =	ssyncset.done $0x0  }
0xb8: {  	[sflag:s3] =	ssyncadd.s32 $0xFFFFE000  }
0xb9: {  	_ =	swait.ge [sflag:s8], $0x2000  }
0xba: {  	[sflag:s8] =	ssyncset.done $0x0  }
.Ltmp2:
0xbb: {  	[sflag:s8] =	ssyncadd.s32 $0xFFFFE000;
	(pc) =	sbr.rel @p2 .LBB2_4-.Ltmp2, $4  }
0xbc: {  	[spmem:s2] =	stream.indirect.scatter.add.f32 [tilespmem:s28], [sflag:$0x5], $0x80, s12, s0, $0xb8;
	[tilespmem:$0x1E480] =	vst v63  }
0xbd: {  	_ =	swait.ge [sflag:s19], $0x4000  }
0xbe: {  	[sflag:s19] =	ssyncset.done $0x0  }
0xbf: {  	p3 =	por $0x0, $0x0;
	s15 =	simm.s32 $0x28;
	[sflag:s19] =	ssyncadd.s32 $0xFFFFC000  }
0xc0: {  	s13 =	stileid.u32;
	[bflag:$0x0] =	sbarrier.arrive $0xFFFF  }
0xc1: {  	s13 =	sshll.u32 s13, $0x6;
	s15 =	rddreg [dreg:$0xa]  }
0xc2: {  	s16 =	rddreg [dreg:$0xd];
	s13 =	sor.u32 $0x1C05, s13  }
0xc3: {  	[hbm:s15], [sflag:s13] =	dma.local [spmem:s16], $0x2700  }
0xc4: {  	_ =	swait.ge [sflag:s19], $0x2700  }
0xc5: {  	[sflag:s19] =	ssyncset.done $0x0;
	s15 =	rddreg [dreg:$0xb]  }
0xc6: {  	s16 =	rddreg [dreg:$0xe];
	[sflag:s19] =	ssyncadd.s32 $0xFFFFD900  }
0xc7: {  	[hbm:s15], [sflag:s13] =	dma.local @!p1 [spmem:s16], $0x100  }
0xc8: {  	s13 =	simm.s32 @!p1 $0x5  }
0xc9: {  	_ =	swait.ge @!p1 [sflag:s13], $0x100  }
0xca: {  	s4 =	sadd.s32 $0x1, s4;
	s25 =	rddreg [dreg:$0xc]  }
0xcb: {  	p2 =	sne.s32 s4, s25  }
.Ltmp3:
0xcc: {  	_ = 	snop;
	(pc) =	sbr.rel @p2 .LBB2_1-.Ltmp3, $3  }
0xcd: {  	_ =	sdelay $0x1  }
0xce: {  	[sflag:s13] =	ssyncset.done @!p1 $0x0  }
0xcf: {  	[sflag:s13] =	ssyncadd.s32 @!p1 $0xFFFFFF00  }
0xd0: {  	_ =	sfence.sel $0x180000  }
0xd1: {  	[bflag:$0x0] =	sbarrier.arrive $0xFFFF  }
0xd2: {  	_ =	strace $0x9000004D  }
0xd3: {  	s0 =	stileid.u32;
	[bflag:$0x2] =	sbarrier.arrive $0xFFFF  }
0xd4: {  	p0 =	sne.s32 s0, $0x0;
	s0 =	rddreg [dreg:$0x3]  }
0xd5: {  	s0 =	sadd.s32 @!p0 $0x100000, s0  }
0xd6: {  	[sflag:s0] =	ssyncadd.tile.s32 @!p0 $0x1;
	_ =	shalt  }
.Lfunc_end2:
_tile_overlayer_lowered:
.L_overlay_start_2:
0xd7: {  	(tag) =	ssettag $0x2  }
0xd8: {  	s0 =	rddreg [dreg:$0x0];
	s2 =	stileid.u32  }
0xd9: {  	s1 =	rddreg [dreg:$0x1];
	p0 =	sne.s32 s2, $0x0  }
0xda: {  	s3 =	rddreg [dreg:$0x2];
	[bflag:$0x3] =	sbarrier.arrive $0xFFFF;
	s2 =	simm.s32 @!p0 $0x1C05  }
0xdb: {  	[timem:s3], [sflag:s2] =	dma.local @!p0 [hbm:s0], s1  }
0xdc: {  	s0 =	simm.s32 @!p0 $0x5  }
0xdd: {  	_ =	swait.ge @!p0 [sflag:s0], s1  }
0xde: {  	s1 =	ssub.s32 @!p0 $0x0, s1;
	[sflag:s0] =	ssyncset.done @!p0 $0x0  }
0xdf: {  	[sflag:s0] =	ssyncadd.s32 @!p0 s1  }
0xe0: {  	[bflag:$0x3] =	sbarrier.arrive $0xFFFF  }
0xe1: {  	_ =	shalt  }

// kernel: kernel.8.cloned.1.call-start
scs
__scs_entry_jumppad:
0x0: {  	(pc) =	sbr.rel $0x88, $3  }
0x1: {  	(tag) =	ssettag $0x0;
	lr =	simm.s32 $0x1  }
0x2: {  	[smem:$0x3F99] =	sst lr;
	_ =	strace $0xD0000000  }
0x3: {  	_ = 	snop  }
0x4: {  	_ = 	snop  }
0x5: {  	_ = 	snop  }
0x6: {  	_ = 	snop  }
0x7: {  	_ = 	snop  }
__scs_overlays_trampoline_lowered:
0x8: {  	[smem:$0x3FA8] =	sst s0  }
0x9: {  	[smem:$0x3FA9] =	sst s1  }
0xa: {  	[smem:$0x3FAA] =	sst s2  }
0xb: {  	[smem:$0x3FAB] =	sst s3  }
0xc: {  	[smem:$0x3FAC] =	sst s4  }
0xd: {  	[smem:$0x3FAD] =	sst s5  }
0xe: {  	[smem:$0x3FAE] =	sst s6  }
0xf: {  	[smem:$0x3FAF] =	sst s7  }
0x10: {  	[smem:$0x3FB0] =	sst s8  }
0x11: {  	[smem:$0x3FB1] =	sst s9;
	s0 =	simm.s32 @!p0 $0x0  }
0x12: {  	s1 =	sld [smem:$0x3F97];
	s0 =	simm.s32 @p0 $0x1  }
0x13: {  	[smem:$0x3FB2] =	sst s0;
	s0 =	simm.s32 @!p1 $0x0  }
0x14: {  	s2 =	sld [smem:$0x3F96];
	s0 =	simm.s32 @p1 $0x1  }
0x15: {  	[smem:$0x3FB3] =	sst s0;
	s0 =	simm.s32 @!p2 $0x0  }
0x16: {  	s3 =	sld [smem:$0x3FDB];
	s0 =	simm.s32 @p2 $0x1  }
0x17: {  	s4 =	simm.s32 $0x1BF5;
	[smem:$0x3FB5] =	sst s0  }
0x18: {  	s0 =	sld [smem:$0x3F98];
	_ =	swait.ge [sflag:s4], $0x0  }
0x19: {  	s7 =	sld [smem:$0x3F99]  }
0x1a: {  	s8 =	sadd.s32 $0xFFFFE003, lr  }
0x1b: {  	s9 =	sadd.s32 $0xFFFFFEF7, lr;
	s5 =	simm.s32 $0xFFFFFFFF;
	p2 =	slt.u32 s8, $0xFFFFF086  }
0x1c: {  	p1 =	slt.u32 s9, $0xF7A;
	s5 =	simm.s32 @!p2 $0x0  }
0x1d: {  	s5 =	simm.s32 @p1 $0x1;
	p0 =	seq.s32 s7, s2  }
0x1e: {  	s7 =	smul.u32 @!p0 $0xF7A, s2;
	p2 =	seq.s32 @!p0 s5, $0x0  }
0x1f: {  	s9 =	smul.u32 $0xF7A, s1;
	s8 =	simm.s32 @!p0 $0x1BF5;
	p2 =	por !p2, p0  }
0x20: {  	[sflag:s8] =	ssyncset.s32 @!p0 $0xFFFFF086;
	s6 =	sadd.s32 @!p0 s3, s7;
	s7 =	simm.s32 @!p0 $0x108  }
0x21: {  	s3 =	sadd.s32 s3, s9;
	s6 =	sadd.s32 @!p0 $0x88, s6;
	s7 =	simm.s32 @p2 $0x1082  }
0x22: {  	[simem:s7], [sflag:s8] =	dma.local @!p0 [hbm:s6], $0xF7A  }
0x23: {  	s9 =	sor.u32 $0xD0000000, s2;
	s6 =	simm.s32 $0x108;
	_ =	swait.ge @!p0 [sflag:s8], $0x0  }
0x24: {  	s3 =	sadd.s32 $0x88, s3;
	s6 =	simm.s32 @!p1 $0x1082;
	[sflag:s4] =	ssyncset.s32 $0xFFFFF086  }
0x25: {  	[simem:s6], [sflag:s4] =	dma.local [hbm:s3], $0xF7A  }
0x26: {  	[smem:$0x3F99] =	sst s1;
	(tag) =	ssettag s2;
	_ =	strace s9  }
0x27: {  	s1 =	sld [smem:$0x3FA9]  }
0x28: {  	s2 =	sld [smem:$0x3FAA]  }
0x29: {  	s4 =	sld [smem:$0x3FAC]  }
0x2a: {  	p0 =	seq.s32 s5, $0x0;
	s5 =	sld [smem:$0x3FAD]  }
0x2b: {  	s6 =	sld [smem:$0x3FAE]  }
0x2c: {  	s7 =	sld [smem:$0x3FAF]  }
0x2d: {  	s3 =	simm.s32 $0x108;
	s8 =	sld [smem:$0x3FB0]  }
0x2e: {  	s3 =	simm.s32 @!p0 $0x1082;
	s9 =	sld [smem:$0x3FB1]  }
0x2f: {  	lr =	sadd.s32 s0, s3;
	s0 =	sld [smem:$0x3FA8]  }
0x30: {  	s3 =	sld [smem:$0x3FAB]  }
0x31: {  	[smem:$0x3FB4] =	sst s10  }
0x32: {  	s10 =	sld [smem:$0x3FB2];
	_ =	sdelay $0x3  }
0x33: {  	p0 =	seq.s32 s10, $0x1;
	s10 =	sld [smem:$0x3FB4];
	_ =	sdelay $0x3  }
0x34: {  	[smem:$0x3FB4] =	sst s10  }
0x35: {  	s10 =	sld [smem:$0x3FB3];
	_ =	sdelay $0x3  }
0x36: {  	p1 =	seq.s32 s10, $0x1;
	s10 =	sld [smem:$0x3FB4];
	_ =	sdelay $0x3  }
0x37: {  	[smem:$0x3FB4] =	sst s10  }
0x38: {  	s10 =	sld [smem:$0x3FB5]  }
0x39: {  	_ = 	snop;
	(pc) =	sbr.ind lr, $3  }
0x3a: {  	_ = 	snop  }
0x3b: {  	_ = 	snop  }
0x3c: {  	p2 =	seq.s32 s10, $0x1;
	s10 =	sld [smem:$0x3FB4]  }
0x3d: {  	_ =	shalt  }
0x3e: {  	_ =	shalt  }
0x3f: {  	_ =	shalt  }
0x40: {  	_ =	shalt  }
0x41: {  	_ =	shalt  }
0x42: {  	_ =	shalt  }
0x43: {  	_ =	shalt  }
0x44: {  	_ =	shalt  }
0x45: {  	_ =	shalt  }
0x46: {  	_ =	shalt  }
0x47: {  	_ =	shalt  }
0x48: {  	_ =	shalt  }
0x49: {  	_ =	shalt  }
0x4a: {  	_ =	shalt  }
0x4b: {  	_ =	shalt  }
0x4c: {  	_ =	shalt  }
0x4d: {  	_ =	shalt  }
0x4e: {  	_ =	shalt  }
0x4f: {  	_ =	shalt  }
0x50: {  	_ =	shalt  }
0x51: {  	_ =	shalt  }
0x52: {  	_ =	shalt  }
0x53: {  	_ =	shalt  }
0x54: {  	_ =	shalt  }
0x55: {  	_ =	shalt  }
0x56: {  	_ =	shalt  }
0x57: {  	_ =	shalt  }
0x58: {  	_ =	shalt  }
0x59: {  	_ =	shalt  }
0x5a: {  	_ =	shalt  }
0x5b: {  	_ =	shalt  }
0x5c: {  	_ =	shalt  }
0x5d: {  	_ =	shalt  }
0x5e: {  	_ =	shalt  }
0x5f: {  	_ =	shalt  }
0x60: {  	_ =	shalt  }
0x61: {  	_ =	shalt  }
0x62: {  	_ =	shalt  }
0x63: {  	_ =	shalt  }
0x64: {  	_ =	shalt  }
0x65: {  	_ =	shalt  }
0x66: {  	_ =	shalt  }
0x67: {  	_ =	shalt  }
0x68: {  	_ =	shalt  }
0x69: {  	_ =	shalt  }
0x6a: {  	_ =	shalt  }
0x6b: {  	_ =	shalt  }
0x6c: {  	_ =	shalt  }
0x6d: {  	_ =	shalt  }
0x6e: {  	_ =	shalt  }
0x6f: {  	_ =	shalt  }
0x70: {  	_ =	shalt  }
0x71: {  	_ =	shalt  }
0x72: {  	_ =	shalt  }
0x73: {  	_ =	shalt  }
0x74: {  	_ =	shalt  }
0x75: {  	_ =	shalt  }
0x76: {  	_ =	shalt  }
0x77: {  	_ =	shalt  }
0x78: {  	_ =	shalt  }
0x79: {  	_ =	shalt  }
0x7a: {  	_ =	shalt  }
0x7b: {  	_ =	shalt  }
0x7c: {  	_ =	shalt  }
0x7d: {  	_ =	shalt  }
0x7e: {  	_ =	shalt  }
0x7f: {  	_ =	shalt  }
0x80: {  	_ =	shalt  }
0x81: {  	_ =	shalt  }
0x82: {  	_ =	shalt  }
0x83: {  	_ =	shalt  }
0x84: {  	_ =	shalt  }
0x85: {  	_ =	shalt  }
0x86: {  	_ =	shalt  }
0x87: {  	_ =	shalt  }
.Lfunc_end0:
.L_simem_size_0:
called_computation_lowered:
.L_overlay_start_0:
0x88: {  	s2 =	sld [smem:$0x3FD9]  }
0x89: {  	s3 =	sld [smem:$0x3FFE];
	_ =	sdelay $0x1  }
0x8a: {  	s1 =	srdreg.scid  }
0x8b: {  	s0 =	sand.u32 $0x1, s1  }
0x8c: {  	s17 =	sshll.u32 s0, $0xA;
	s2 =	sadd.s32 s3, s2  }
0x8d: {  	s2 =	sadd.s32 s2, s17  }
0x8e: {  	[smem:$0x3FC0] =	sst s2  }
0x8f: {  	_ = 	snop  }
0x90: {  	(tm) =	ssettm $0x1  }
0x91: {  	s18 =	sld [smem:$0x3FFB];
	_ =	sdelay $0x3  }
0x92: {  	_ =	strace s18  }
0x93: {  	s2 =	sld [smem:$0x3FFC];
	_ =	sdelay $0x3  }
0x94: {  	_ =	strace s2  }
0x95: {  	s2 =	sld [smem:$0x3FFD];
	_ =	sdelay $0x3  }
0x96: {  	_ =	strace s2  }
0x97: {  	_ =	strace $0x8FFFFFFF  }
0x98: {  	s19 =	sld [smem:$0x3FDB];
	_ =	sdelay $0x1  }
0x99: {  	s20 =	simm.s32 $_scs_section_size  }
0x9a: {  	s4 =	simm.s32 $_size__tile_overlayer_lowered;
	s5 =	simm.s32 $_tile_overlayer_lowered  }
0x9b: {  	s6 =	simm.s32 $0x1BFF;
	s21 =	sshll.u32 s5, $0x1;
	s3 =	sadd.s32 s20, s19  }
0x9c: {  	s22 =	simm.s32 $0x0;
	s4 =	sshll.u32 s4, $0x1;
	s5 =	sadd.s32 s21, s3  }
0x9d: {  	[timem:s22], [sflag:s6] =	dma.local [hbm:s5], s4  }
0x9e: {  	_ =	swait.ge [sflag:s6], s4  }
0x9f: {  	s4 =	ssub.s32 $0x0, s4;
	[sflag:s6] =	ssyncset.done $0x0  }
0xa0: {  	[sflag:s6] =	ssyncadd.s32 s4;
	_ =	sdelay $0x1  }
0xa1: {  	s23 =	simm.s32 $0x1B8B  }
0xa2: {  	_ =	swait.ge [sflag:s23], $0x1  }
0xa3: {  	[sflag:s23] =	ssyncset.done $0x0  }
0xa4: {  	[sflag:s23] =	ssyncadd.s32 $0xFFFFFFFF  }
0xa5: {  	s4 =	sld [smem:$0x0]  }
0xa6: {  	s5 =	sand.u32 $0xFFFFFFFE, s1  }
0xa7: {  	p0 =	sne.s32 s1, s5  }
0xa8: {  	s5 =	sshll.u32 @p0 s5, $0xE  }
0xa9: {  	s5 =	sadd.s32 @p0 $0x11B8D, s5;
	s6 =	sshll.u32 @p0 s4, $0x11  }
0xaa: {  	s5 =	sor.u32 @p0 s6, s5  }
0xab: {  	[sflag:s5] =	ssyncadd.remote.s32 @p0 $0x1;
	_ =	sdelay $0x1  }
0xac: {  	s5 =	simm.s32 @p0 $0x1B8D  }
0xad: {  	_ =	swait.eq @p0 [sflag:s5], $0x1  }
0xae: {  	[sflag:s5] =	ssyncadd.s32 @p0 $0xFFFFFFFF  }
0xaf: {  	s6 =	sshll.u32 @!p0 s1, $0xE  }
0xb0: {  	s6 =	sor.u32 @!p0 $0x4000, s6;
	s5 =	simm.s32 @!p0 $0x1B8D  }
0xb1: {  	s4 =	sshll.u32 @!p0 s4, $0x11;
	s6 =	sadd.s32 @!p0 $0x11B8D, s6;
	_ =	swait.eq @!p0 [sflag:s5], $0x1  }
0xb2: {  	s4 =	sor.u32 @!p0 s4, s6;
	[sflag:s5] =	ssyncadd.s32 @!p0 $0xFFFFFFFF  }
0xb3: {  	s25 =	simm.s32 $0x1B8E;
	s24 =	sld [smem:$0x3FFE];
	[sflag:s4] =	ssyncadd.remote.s32 @!p0 $0x1  }
0xb4: {  	s26 =	simm.s32 $execute0_lowered;
	[smem:$0x3FD2] =	sst s25  }
0xb5: {  	s5 =	sshll.u32 s26, $0x1;
	_ =	strace $0x80000049;
	[dreg:$0x1] =	wrdreg $0xFFFFFFFF  }
0xb6: {  	s28 =	simm.s32 $_size_execute0_lowered;
	s3 =	sadd.s32 s3, s5;
	[dreg:$0x0] =	wrdreg $0x0  }
0xb7: {  	s5 =	sshll.u32 s28, $0x1;
	[dreg:$0x2] =	wrdreg s3  }
0xb8: {  	[dreg:$0x3] =	wrdreg s5  }
0xb9: {  	[dreg:$0x4] =	wrdreg $0xC0  }
0xba: {  	_ =	task [dreg:s22], $0x5FFFF  }
0xbb: {  	[dreg:$0x1] =	wrdreg $0xFFFFFFFF  }
0xbc: {  	[dreg:$0x0] =	wrdreg $0x60  }
0xbd: {  	[dreg:$0x2] =	wrdreg s24  }
0xbe: {  	[dreg:$0x3] =	wrdreg $0x0  }
0xbf: {  	[dreg:$0x4] =	wrdreg $0x9  }
0xc0: {  	_ =	task.clear_ibuf [dreg:s22], $0x5FFFF;
	_ =	strace $0x90000049  }
0xc1: {  	s29 =	simm.s32 $0x9;
	_ =	strace $0x8000004B  }
0xc2: {  	_ =	swait.ge [sflag:s29], $0x1  }
0xc3: {  	[sflag:s29] =	ssyncadd.s32 $0xFFFFFFFF  }
0xc4: {  	_ =	strace $0x9000004B  }
0xc5: {  	_ =	sfence  }
0xc6: {  	s30 =	sld [smem:$0x0];
	_ =	sdelay $0x2  }
0xc7: {  	s31 =	sshll.u32 s1, $0xD;
	s1 =	sshrl.u32 s1, $0x2  }
0xc8: {  	s4 =	sand.u32 $0x4000, s31;
	s1 =	sadd.s32 s1, s30  }
0xc9: {  	s0 =	sor.u32 s4, s0;
	s1 =	sshll.u32 s1, $0x11  }
0xca: {  	s0 =	sor.u32 s1, s0  }
0xcb: {  	s0 =	sadd.s32 $0x8F2B, s0  }
0xcc: {  	[sflag:s0] =	ssyncadd.remote.s32 $0x1  }
0xcd: {  	_ =	sfence.sel $0xFFFF  }
0xce: {  	[dreg:$0x0] =	wrdreg $0xFFFFFFFF;
	(pc) =	sbr.abs _section_cstart, $3  }
0xcf: {  	[dreg:$0x1] =	wrdreg $0xFFFFFFFF  }
0xd0: {  	_ =	task.clear_ibuf [dreg:s22], $0x2FFFF;
	_ =	strace $0x9FFFFFFF  }
0xd1: {  	(tm) =	ssettm $0x7FFFFFFF  }
tec
execute0_lowered:
.L_overlay_start_1:
0x0: {  	(tag) =	ssettag $0x1  }
0x1: {  	s4 =	rddreg [dreg:$0x0]  }
0x2: {  	s0 =	srdreg.scid;
	s2 =	rddreg [dreg:$0x1];
	s3 =	simm.s32 $0x0  }
0x3: {  	s19 =	simm.s32 $0x16480;
	s6 =	sand.u32 $0x1, s0;
	s0 =	stileid.u32  }
0x4: {  	[smem:$0x7FF] =	sst s3;
	s13 =	sadd.s32 $0x64000, s4;
	s7 =	smul.u32 $0x4F000, s0  }
0x5: {  	s18 =	simm.s32 $0x80;
	s9 =	sadd.s32 $0x138400, s2;
	s12 =	smul.u32 $0x138800, s6  }
0x6: {  	s10 =	sadd.s32 $0x13C400, s2;
	s21 =	sadd.s32 $0x138000, s2;
	s15 =	smul.u32 $0x13800, s0  }
0x7: {  	s1 =	sshll.u32 s6, $0x4;
	s31 =	ssub.s32 $0x2, s6;
	s16 =	smul.u32 $0x4E000, s0  }
0x8: {  	p0 =	seq.s32 s0, $0xF;
	p1 =	sne.s32 s0, $0xF;
	s5 =	sor.u32 s0, s1  }
0x9: {  	s1 =	rddreg [dreg:$0x2];
	_ =	strace $0x8000004A;
	s8 =	sshrl.u32 s31, $0x1  }
0xa: {  	s21 =	sshrl.u32 @!p1 s21, $0x3;
	s5 =	smul.u32 $0x500, s5;
	s7 =	sshrl.u32 s7, $0x2  }
0xb: {  	s14 =	ssub.s32 s31, s8;
	s15 =	sadd.s32 s15, s12;
	s16 =	sshrl.u32 s16, $0x2  }
0xc: {  	s17 =	sshrl.u32 s12, $0x3;
	s15 =	sshrl.u32 s15, $0x3;
	s20 =	sadd.s32 s16, s2  }
0xd: {  	s14 =	smax.u32 s14, $0x1;
	s16 =	simm.s32 $0x1;
	s11 =	sadd.s32 s5, s4  }
0xe: {  	s4 =	sadd.s32 s7, s2;
	s12 =	sadd.s32 s13, s15;
	s13 =	sadd.s32 s13, s17  }
0xf: {  	s15 =	simm.s32 $0x1A480;
	s17 =	simm.s32 $0x13C80;
	s20 =	sshrl.u32 s20, $0x3  }
0x10: {  	vm0 =	vcmask $0x300;
	v0 =	vimm.f32 $0.0e+00;
	s5 =	sadd.s32 $0x4000, s4;
	s6 =	sadd.s32 $0x8000, s4;
	s7 =	sadd.s32 $0xC000, s4  }
0x11: {  	v1 =	vsel vm0, $0x3F800000, v0;
	s8 =	sadd.s32 $0x10000, s4;
	s11 =	sadd.s32 $0xBE00, s11;
	s13 =	sadd.s32 $0x27000, s13  }
.LBB2_1:
0x12: {  	s22 =	simm.s32 $0x0;
	s23 =	simm.s32 $0x200  }
.LBB2_2:
0x13: {  	p2 =	sne.s32 s23, $0xFE00;
	[tilespmem:s22+$0x164F0] =	vst v0  }
0x14: {  	[tilespmem:s22+$0x16480] =	vst v1  }
0x15: {  	[tilespmem:s22+$0x16490] =	vst v0  }
.Ltmp0:
0x16: {  	[tilespmem:s22+$0x164A0] =	vst v0;
	(pc) =	sbr.rel @p2 .LBB2_2-.Ltmp0, $4  }
0x17: {  	[tilespmem:s22+$0x164B0] =	vst v0  }
0x18: {  	[tilespmem:s22+$0x164C0] =	vst v0  }
0x19: {  	[tilespmem:s22+$0x164D0] =	vst v0  }
0x1a: {  	[tilespmem:s22+$0x164E0] =	vst v0;
	s22 =	sshra.s32 s23, $0x2;
	s23 =	sadd.s32 $0x200, s23  }
0x1b: {  	[tilespmem:s22+$0x164F0] =	vst v0  }
0x1c: {  	[tilespmem:s22+$0x16480] =	vst v1  }
0x1d: {  	[tilespmem:s22+$0x16490] =	vst v0  }
0x1e: {  	[tilespmem:s22+$0x164A0] =	vst v0  }
0x1f: {  	[tilespmem:s22+$0x164B0] =	vst v0  }
0x20: {  	[tilespmem:s22+$0x164C0] =	vst v0  }
0x21: {  	[tilespmem:s22+$0x164D0] =	vst v0  }
0x22: {  	[tilespmem:s22+$0x164E0] =	vst v0;
	s22 =	simm.s32 $0x0;
	s23 =	simm.s32 $0x200  }
.LBB2_4:
0x23: {  	p2 =	sne.s32 s23, $0xFE00;
	[tilespmem:s22+$0x1A4F0] =	vst v0  }
0x24: {  	[tilespmem:s22+$0x1A480] =	vst v0  }
0x25: {  	[tilespmem:s22+$0x1A490] =	vst v0  }
.Ltmp1:
0x26: {  	[tilespmem:s22+$0x1A4A0] =	vst v0;
	(pc) =	sbr.rel @p2 .LBB2_4-.Ltmp1, $4  }
0x27: {  	[tilespmem:s22+$0x1A4B0] =	vst v0  }
0x28: {  	[tilespmem:s22+$0x1A4C0] =	vst v0  }
0x29: {  	[tilespmem:s22+$0x1A4D0] =	vst v0  }
0x2a: {  	[tilespmem:s22+$0x1A4E0] =	vst v0;
	s22 =	sshra.s32 s23, $0x2;
	s23 =	sadd.s32 $0x200, s23  }
0x2b: {  	[tilespmem:s22+$0x1A4F0] =	vst v0  }
0x2c: {  	[tilespmem:s22+$0x1A480] =	vst v0  }
0x2d: {  	[tilespmem:s22+$0x1A490] =	vst v0  }
0x2e: {  	[tilespmem:s22+$0x1A4A0] =	vst v0  }
0x2f: {  	[tilespmem:s22+$0x1A4B0] =	vst v0  }
0x30: {  	[tilespmem:s22+$0x1A4C0] =	vst v0  }
0x31: {  	[tilespmem:s22+$0x1A4D0] =	vst v0  }
0x32: {  	[tilespmem:s22+$0x1A4E0] =	vst v0  }
0x33: {  	[spmem:s4] =	stream.linear.scatter [tilespmem:s15], [sflag:$0x1], $0x4000, $0x38;
	[tilespmem:$0x1E480] =	vst v63  }
0x34: {  	_ =	swait.ge [sflag:s16], $0x4000  }
0x35: {  	[sflag:s16] =	ssyncset.done $0x0  }
0x36: {  	[sflag:s16] =	ssyncadd.s32 $0xFFFFC000  }
0x37: {  	[spmem:s5] =	stream.linear.scatter [tilespmem:s15], [sflag:$0x1], $0x4000, $0x38;
	[tilespmem:$0x1E480] =	vst v63  }
0x38: {  	_ =	swait.ge [sflag:s16], $0x4000  }
0x39: {  	[sflag:s16] =	ssyncset.done $0x0  }
0x3a: {  	[sflag:s16] =	ssyncadd.s32 $0xFFFFC000  }
0x3b: {  	[spmem:s6] =	stream.linear.scatter [tilespmem:s15], [sflag:$0x1], $0x4000, $0x38;
	[tilespmem:$0x1E480] =	vst v63  }
0x3c: {  	_ =	swait.ge [sflag:s16], $0x4000  }
0x3d: {  	[sflag:s16] =	ssyncset.done $0x0  }
0x3e: {  	[sflag:s16] =	ssyncadd.s32 $0xFFFFC000  }
0x3f: {  	[spmem:s7] =	stream.linear.scatter [tilespmem:s15], [sflag:$0x1], $0x4000, $0x38;
	[tilespmem:$0x1E480] =	vst v63  }
0x40: {  	_ =	swait.ge [sflag:s16], $0x4000  }
0x41: {  	[sflag:s16] =	ssyncset.done $0x0  }
0x42: {  	s22 =	simm.s32 @p0 $0x1A480;
	s23 =	simm.s32 @p0 $0x1;
	[sflag:s16] =	ssyncadd.s32 $0xFFFFC000  }
0x43: {  	[spmem:s9] =	stream.linear.scatter @p0 [tilespmem:s22], [sflag:$0x1], $0x4000, $0x38;
	[tilespmem:$0x1E480] =	vst v63  }
0x44: {  	_ =	swait.ge @p0 [sflag:s23], $0x4000  }
0x45: {  	[sflag:s23] =	ssyncset.done @p0 $0x0  }
0x46: {  	[sflag:s23] =	ssyncadd.s32 @p0 $0xFFFFC000  }
0x47: {  	[spmem:s10] =	stream.linear.scatter @p0 [tilespmem:s22], [sflag:$0x1], $0x400, $0x38;
	[tilespmem:$0x1E480] =	vst v63  }
0x48: {  	_ =	swait.ge @p0 [sflag:s23], $0x400  }
0x49: {  	[sflag:s23] =	ssyncset.done @p0 $0x0  }
0x4a: {  	s22 =	simm.s32 @!p0 $0x1A480;
	[sflag:s23] =	ssyncadd.s32 @p0 $0xFFFFFC00  }
0x4b: {  	[spmem:s8] =	stream.linear.scatter @!p0 [tilespmem:s22], [sflag:$0x1], $0x3C00, $0x38;
	[tilespmem:$0x1E480] =	vst v63  }
0x4c: {  	s22 =	simm.s32 @!p0 $0x1  }
0x4d: {  	_ =	swait.ge @!p0 [sflag:s22], $0x3C00  }
0x4e: {  	[sflag:s22] =	ssyncset.done @!p0 $0x0  }
0x4f: {  	s30 =	simm.s32 $0x0;
	[sflag:s22] =	ssyncadd.s32 @!p0 $0xFFFFC400  }
0x50: {  	[tilespmem:s17], [sflag:$0x1] =	stream.linear.gather [hbm4b:s11+s30], $0x2800, $0x38;
	[tilespmem:$0x1E480] =	vst v63  }
0x51: {  	_ =	swait.ge [sflag:s16], $0x2800  }
0x52: {  	[sflag:s16] =	ssyncset.done $0x0  }
0x53: {  	[sflag:s16] =	ssyncadd.s32 $0xFFFFD800  }
0x54: {  	s31 =	simm.s32 $0x13C80;
	[bflag:$0x0] =	sbarrier.arrive $0xFFFF  }
0x55: {  	[spmem:s2] =	stream.indirect.scatter.add.f32 [tilespmem:s19], [sflag:$0x1], $0x80, s31, s18, $0xb8;
	[tilespmem:$0x1E480] =	vst v63  }
0x56: {  	s22 =	simm.s32 $0x200;
	_ =	swait.ge [sflag:s16], $0x4000  }
.LBB2_6:
0x57: {  	s23 =	sshra.s32 s22, $0x2;
	[sflag:s16] =	ssyncset.done $0x0;
	p2 =	sne.s32 s22, $0x9E00  }
.Ltmp2:
0x58: {  	s23 =	sadd.s32 $0x13C80, s23;
	[sflag:s16] =	ssyncadd.s32 $0xFFFFC000;
	(pc) =	sbr.rel @p2 .LBB2_6-.Ltmp2, $3  }
0x59: {  	[spmem:s2] =	stream.indirect.scatter.add.f32 [tilespmem:s19], [sflag:$0x1], $0x80, s23, s18, $0xb8;
	[tilespmem:$0x1E480] =	vst v63  }
0x5a: {  	s22 =	sadd.s32 $0x200, s22;
	_ =	sdelay $0x1  }
0x5b: {  	_ =	swait.ge [sflag:s16], $0x4000  }
0x5c: {  	[sflag:s16] =	ssyncset.done $0x0  }
0x5d: {  	s22 =	sshll.u32 s0, $0x6;
	[sflag:s16] =	ssyncadd.s32 $0xFFFFC000  }
0x5e: {  	s22 =	sor.u32 $0x1C01, s22;
	[bflag:$0x0] =	sbarrier.arrive $0xFFFF  }
0x5f: {  	[hbm:s12], [sflag:s22] =	dma.local [spmem:s20], $0x2700  }
0x60: {  	_ =	swait.ge [sflag:s16], $0x2700  }
0x61: {  	s3 =	sadd.s32 $0x1, s3;
	[sflag:s16] =	ssyncset.done $0x0  }
0x62: {  	p2 =	sne.s32 s3, s14;
	[sflag:s16] =	ssyncadd.s32 $0xFFFFD900  }
0x63: {  	[hbm:s13], [sflag:s22] =	dma.local @!p1 [spmem:s21], $0x100  }
.Ltmp3:
0x64: {  	_ = 	snop;
	(pc) =	sbr.rel @p2 .LBB2_1-.Ltmp3, $4  }
0x65: {  	s22 =	simm.s32 @!p1 $0x1  }
0x66: {  	_ =	swait.ge @!p1 [sflag:s22], $0x100  }
0x67: {  	[sflag:s22] =	ssyncset.done @!p1 $0x0  }
0x68: {  	[sflag:s22] =	ssyncadd.s32 @!p1 $0xFFFFFF00  }
0x69: {  	_ =	sfence.sel $0x180000  }
0x6a: {  	[bflag:$0x0] =	sbarrier.arrive $0xFFFF  }
0x6b: {  	p0 =	sne.s32 s0, $0x0;
	_ =	strace $0x9000004A  }
0x6c: {  	s0 =	sadd.s32 @!p0 $0x100000, s1;
	[bflag:$0x2] =	sbarrier.arrive $0xFFFF  }
0x6d: {  	[sflag:s0] =	ssyncadd.tile.s32 @!p0 $0x1;
	_ =	shalt  }
.Lfunc_end2:
_tile_overlayer_lowered:
.L_overlay_start_2:
0x6e: {  	(tag) =	ssettag $0x2  }
0x6f: {  	s0 =	rddreg [dreg:$0x0];
	s2 =	stileid.u32  }
0x70: {  	s1 =	rddreg [dreg:$0x1];
	p0 =	sne.s32 s2, $0x0  }
0x71: {  	s3 =	rddreg [dreg:$0x2];
	[bflag:$0x3] =	sbarrier.arrive $0xFFFF;
	s2 =	simm.s32 @!p0 $0x1C01  }
0x72: {  	[timem:s3], [sflag:s2] =	dma.local @!p0 [hbm:s0], s1  }
0x73: {  	s0 =	simm.s32 @!p0 $0x1  }
0x74: {  	_ =	swait.ge @!p0 [sflag:s0], s1  }
0x75: {  	s1 =	ssub.s32 @!p0 $0x0, s1;
	[sflag:s0] =	ssyncset.done @!p0 $0x0  }
0x76: {  	[sflag:s0] =	ssyncadd.s32 @!p0 s1  }
0x77: {  	[bflag:$0x3] =	sbarrier.arrive $0xFFFF  }
0x78: {  	_ =	shalt  }

</sc_bundles>
